<compile_context>
chip_gen: v7x
topology: tpu7x:2x2x1
jax: 0.10.2.dev20260603
libtpu: 0.0.44.dev20260713+nightly
codegen_flags: <defaults>
</compile_context>

<pallas_src>
import jax
import jax.numpy as jnp
from jax import lax
from jax.experimental import pallas as pl
from jax.experimental.pallas import tpu as pltpu
from jax.experimental.pallas import tpu_sc as plsc

BATCH = 16384
N_FIELDS = 26
INPUT_DIM = 1000000
NC = 2
NS = 16
NW = NC * NS
ROWS_PER_W = BATCH // NW
VALS_PER_W = ROWS_PER_W * N_FIELDS
N_GROUPS = ROWS_PER_W // 16


def _sc_body(idx_hbm, w_hbm, b_hbm, out_hbm, idx_v, vals_v, acc_v, out_v, b_v,
             isem, hsem, gsem, bsem):
    wid = lax.axis_index("s") * NC + lax.axis_index("c")
    base = wid * ROWS_PER_W

    HEAD = 4

    def stage(f, sem):
        return pltpu.make_async_copy(
            idx_hbm.at[f, pl.ds(base, ROWS_PER_W)],
            idx_v.at[pl.ds(f * ROWS_PER_W, ROWS_PER_W)],
            sem,
        )

    for f in range(HEAD):
        stage(f, hsem).start()
    for f in range(HEAD, N_FIELDS):
        stage(f, isem).start()
    bcopy = pltpu.make_async_copy(b_hbm, b_v, bsem)
    bcopy.start()

    wrow = w_hbm.at[0]

    def gather(f):
        return pltpu.make_async_copy(
            wrow.at[idx_v.at[pl.ds(f * ROWS_PER_W, ROWS_PER_W)]],
            vals_v.at[pl.ds(f * ROWS_PER_W, ROWS_PER_W)],
            gsem.at[f],
        )

    pltpu.make_async_copy(
        idx_hbm.at[0, pl.ds(0, HEAD * ROWS_PER_W)],
        idx_v.at[pl.ds(0, HEAD * ROWS_PER_W)],
        hsem,
    ).wait()
    for f in range(HEAD):
        gather(f).start()
    pltpu.make_async_copy(
        idx_hbm.at[0, pl.ds(0, (N_FIELDS - HEAD) * ROWS_PER_W)],
        idx_v.at[pl.ds(0, (N_FIELDS - HEAD) * ROWS_PER_W)],
        isem,
    ).wait()
    for f in range(HEAD, N_FIELDS):
        gather(f).start()

    bcopy.wait()
    bias = b_v[...]

    gather(0).wait()

    def init_group(g, carry):
        off = pl.multiple_of(g * 16, 16)
        acc_v[pl.ds(off, 16)] = bias + vals_v[pl.ds(off, 16)]
        return carry

    lax.fori_loop(0, N_GROUPS, init_group, 0)

    for f in range(1, N_FIELDS):
        gather(f).wait()

        def add_group(g, carry, f=f):
            off = pl.multiple_of(g * 16, 16)
            plsc.addupdate(
                acc_v.at[pl.ds(off, 16)],
                vals_v[pl.ds(f * ROWS_PER_W + off, 16)],
            )
            return carry

        lax.fori_loop(0, N_GROUPS, add_group, 0)

    def sig_group(g, carry):
        off = pl.multiple_of(g * 16, 16)
        out_v[pl.ds(off, 16)] = 1.0 / (1.0 + jnp.exp(-acc_v[pl.ds(off, 16)]))
        return carry

    lax.fori_loop(0, N_GROUPS, sig_group, 0)
    pltpu.sync_copy(out_v, out_hbm.at[pl.ds(base, ROWS_PER_W)])


@jax.jit
def kernel(indices, w, b):
    idx_t = indices.astype(jnp.int32).T
    wf = w.T
    b16 = jnp.broadcast_to(b.astype(jnp.float32), (16,))

    run = pl.kernel(
        _sc_body,
        out_type=jax.ShapeDtypeStruct((BATCH,), jnp.float32),
        mesh=plsc.VectorSubcoreMesh(core_axis_name="c", subcore_axis_name="s"),
        compiler_params=pltpu.CompilerParams(needs_layout_passes=False),
        scratch_types=[
            pltpu.VMEM((VALS_PER_W,), jnp.int32),
            pltpu.VMEM((VALS_PER_W,), jnp.float32),
            pltpu.VMEM((ROWS_PER_W,), jnp.float32),
            pltpu.VMEM((ROWS_PER_W,), jnp.float32),
            pltpu.VMEM((16,), jnp.float32),
            pltpu.SemaphoreType.DMA,
            pltpu.SemaphoreType.DMA,
            pltpu.SemaphoreType.DMA((N_FIELDS,)),
            pltpu.SemaphoreType.DMA,
        ],
    )
    return run(idx_t, wf, b16)

# --- scband reference (transcript-rebuilt; emitter-appended) ---
"""Pipeline reference for scband-lr-78365973283495 (READ-ONLY COPY).

The authoritative reference and input builder live on the scoring server;
editing this copy changes nothing except your own understanding.
"""

import jax, jax.numpy as jnp
import numpy as np

INPUT_DIM = 1000000
OUTPUT_DIM = 1
BATCH = 16384
N_FIELDS = 26

def setup_inputs(seed: int = 0) -> dict:
    key = jax.random.key(seed)
    k_idx, k_w = jax.random.split(key, 2)
    # sparse one-hot-per-field input: each row has N_FIELDS active feature ids with value 1.0
    indices = jax.random.randint(k_idx, (BATCH, N_FIELDS), 0, INPUT_DIM, dtype=jnp.int64)
    # tnormal init for w (stddev ~0.01 typical), zero init for b
    w = jax.random.normal(k_w, (INPUT_DIM, OUTPUT_DIM), dtype=jnp.float32) * 0.01
    b = jnp.zeros((OUTPUT_DIM,), dtype=jnp.float32)
    return {"indices": indices, "w": w, "b": b}

def reference(indices, w, b):
    # xw = tf.sparse_tensor_dense_matmul(X, w) where X is a sparse [B, input_dim]
    # matrix with ones at `indices` -> sum of gathered rows of w per example.
    gathered = jnp.take(w, indices, axis=0)          # [B, F, 1]  (SparseCore gather)
    xw = jnp.sum(gathered, axis=1)                    # [B, 1]
    logits = jnp.reshape(xw + b, (-1,))               # [B]
    y_prob = jax.nn.sigmoid(logits)
    return y_prob

if __name__ == "__main__":
    import jax
    _d = setup_inputs()
    print(jax.jit(kernel)(*tuple(_d.values())))

</pallas_src>

<mosaic_0001>
#map = affine_map<(d0, d1) -> (0, 0)>
#map1 = affine_map<(d0, d1) -> (0)>
module attributes {stable_mosaic.version = 14 : i64} {
  func.func @_sc_body(%arg0: i32, %arg1: i32, %arg2: memref<26x16384xi32, #tpu.memory_space<hbm>>, %arg3: memref<1x1000000xf32, #tpu.memory_space<hbm>>, %arg4: memref<16xf32, #tpu.memory_space<hbm>>, %arg5: memref<16384xf32, #tpu.memory_space<hbm>>, %arg6: memref<13312xi32, #tpu.memory_space<vmem>>, %arg7: memref<13312xf32, #tpu.memory_space<vmem>>, %arg8: memref<512xf32, #tpu.memory_space<vmem>>, %arg9: memref<512xf32, #tpu.memory_space<vmem>>, %arg10: memref<16xf32, #tpu.memory_space<vmem>>, %arg11: memref<!tpu.dma_semaphore, #tpu.memory_space<semaphore_mem>>, %arg12: memref<!tpu.dma_semaphore, #tpu.memory_space<semaphore_mem>>, %arg13: memref<26x!tpu.dma_semaphore, #tpu.memory_space<semaphore_mem>>, %arg14: memref<!tpu.dma_semaphore, #tpu.memory_space<semaphore_mem>>) attributes {dimension_semantics = [#tpu.dimension_semantics<core_parallel>, #tpu.dimension_semantics<subcore_parallel>], iteration_bounds = array<i64: 2, 16>, scalar_prefetch = 0 : i64, scratch_operands = 9 : i64, tpu.core_type = #tpu.core_type<sc_vector_subcore>, window_params = [{transform_indices = #map}, {transform_indices = #map}, {transform_indices = #map1}, {transform_indices = #map1}]} {
    %mul3A = arith.constant 2 : i32
    %mul3A_0 = arith.muli %arg1, %mul3A : i32
    %add3A = arith.addi %mul3A_0, %arg0 : i32
    %mul3A_1 = arith.constant 512 : i32
    %mul3A_2 = arith.muli %add3A, %mul3A_1 : i32
    %dma_start3A = arith.constant 0 : i32
    %dma_start3A_3 = arith.constant 0 : i32
    %dma_start3A_4 = tpu.memref_slice %arg6[%dma_start3A_3] : memref<13312xi32, #tpu.memory_space<vmem>> -> memref<512xi32, #tpu.memory_space<vmem>>
    %dma_start3A_5 = tpu.memref_slice %arg2[%dma_start3A, %mul3A_2] : memref<26x16384xi32, #tpu.memory_space<hbm>> -> memref<1x512xi32, #tpu.memory_space<hbm>>
    %dma_start3A_6 = tpu.memref_squeeze %dma_start3A_5 : memref<1x512xi32, #tpu.memory_space<hbm>> -> memref<512xi32, #tpu.memory_space<hbm>>
    %dma_start3A_7 = arith.constant 0 : i32
    %dma_start3A_8 = tpu.memref_slice %arg6[%dma_start3A_7] : memref<13312xi32, #tpu.memory_space<vmem>> -> memref<512xi32, #tpu.memory_space<vmem>>
    %dma_start3A_9 = tpu.memref_slice %arg2[%dma_start3A, %mul3A_2] : memref<26x16384xi32, #tpu.memory_space<hbm>> -> memref<1x512xi32, #tpu.memory_space<hbm>>
    %dma_start3A_10 = tpu.memref_squeeze %dma_start3A_9 : memref<1x512xi32, #tpu.memory_space<hbm>> -> memref<512xi32, #tpu.memory_space<hbm>>
    tpu.enqueue_dma source(%dma_start3A_10 : memref<512xi32, #tpu.memory_space<hbm>>) target(%dma_start3A_8 : memref<512xi32, #tpu.memory_space<vmem>>) target_semaphore(%arg12 : memref<!tpu.dma_semaphore, #tpu.memory_space<semaphore_mem>>)
    %dma_start3A_11 = arith.constant 1 : i32
    %dma_start3A_12 = arith.constant 512 : i32
    %dma_start3A_13 = tpu.memref_slice %arg6[%dma_start3A_12] : memref<13312xi32, #tpu.memory_space<vmem>> -> memref<512xi32, #tpu.memory_space<vmem>>
    %dma_start3A_14 = tpu.memref_slice %arg2[%dma_start3A_11, %mul3A_2] : memref<26x16384xi32, #tpu.memory_space<hbm>> -> memref<1x512xi32, #tpu.memory_space<hbm>>
    %dma_start3A_15 = tpu.memref_squeeze %dma_start3A_14 : memref<1x512xi32, #tpu.memory_space<hbm>> -> memref<512xi32, #tpu.memory_space<hbm>>
    %dma_start3A_16 = arith.constant 512 : i32
    %dma_start3A_17 = tpu.memref_slice %arg6[%dma_start3A_16] : memref<13312xi32, #tpu.memory_space<vmem>> -> memref<512xi32, #tpu.memory_space<vmem>>
    %dma_start3A_18 = tpu.memref_slice %arg2[%dma_start3A_11, %mul3A_2] : memref<26x16384xi32, #tpu.memory_space<hbm>> -> memref<1x512xi32, #tpu.memory_space<hbm>>
    %dma_start3A_19 = tpu.memref_squeeze %dma_start3A_18 : memref<1x512xi32, #tpu.memory_space<hbm>> -> memref<512xi32, #tpu.memory_space<hbm>>
    tpu.enqueue_dma source(%dma_start3A_19 : memref<512xi32, #tpu.memory_space<hbm>>) target(%dma_start3A_17 : memref<512xi32, #tpu.memory_space<vmem>>) target_semaphore(%arg12 : memref<!tpu.dma_semaphore, #tpu.memory_space<semaphore_mem>>)
    %dma_start3A_20 = arith.constant 2 : i32
    %dma_start3A_21 = arith.constant 1024 : i32
    %dma_start3A_22 = tpu.memref_slice %arg6[%dma_start3A_21] : memref<13312xi32, #tpu.memory_space<vmem>> -> memref<512xi32, #tpu.memory_space<vmem>>
    %dma_start3A_23 = tpu.memref_slice %arg2[%dma_start3A_20, %mul3A_2] : memref<26x16384xi32, #tpu.memory_space<hbm>> -> memref<1x512xi32, #tpu.memory_space<hbm>>
    %dma_start3A_24 = tpu.memref_squeeze %dma_start3A_23 : memref<1x512xi32, #tpu.memory_space<hbm>> -> memref<512xi32, #tpu.memory_space<hbm>>
    %dma_start3A_25 = arith.constant 1024 : i32
    %dma_start3A_26 = tpu.memref_slice %arg6[%dma_start3A_25] : memref<13312xi32, #tpu.memory_space<vmem>> -> memref<512xi32, #tpu.memory_space<vmem>>
    %dma_start3A_27 = tpu.memref_slice %arg2[%dma_start3A_20, %mul3A_2] : memref<26x16384xi32, #tpu.memory_space<hbm>> -> memref<1x512xi32, #tpu.memory_space<hbm>>
    %dma_start3A_28 = tpu.memref_squeeze %dma_start3A_27 : memref<1x512xi32, #tpu.memory_space<hbm>> -> memref<512xi32, #tpu.memory_space<hbm>>
    tpu.enqueue_dma source(%dma_start3A_28 : memref<512xi32, #tpu.memory_space<hbm>>) target(%dma_start3A_26 : memref<512xi32, #tpu.memory_space<vmem>>) target_semaphore(%arg12 : memref<!tpu.dma_semaphore, #tpu.memory_space<semaphore_mem>>)
    %dma_start3A_29 = arith.constant 3 : i32
    %dma_start3A_30 = arith.constant 1536 : i32
    %dma_start3A_31 = tpu.memref_slice %arg6[%dma_start3A_30] : memref<13312xi32, #tpu.memory_space<vmem>> -> memref<512xi32, #tpu.memory_space<vmem>>
    %dma_start3A_32 = tpu.memref_slice %arg2[%dma_start3A_29, %mul3A_2] : memref<26x16384xi32, #tpu.memory_space<hbm>> -> memref<1x512xi32, #tpu.memory_space<hbm>>
    %dma_start3A_33 = tpu.memref_squeeze %dma_start3A_32 : memref<1x512xi32, #tpu.memory_space<hbm>> -> memref<512xi32, #tpu.memory_space<hbm>>
    %dma_start3A_34 = arith.constant 1536 : i32
    %dma_start3A_35 = tpu.memref_slice %arg6[%dma_start3A_34] : memref<13312xi32, #tpu.memory_space<vmem>> -> memref<512xi32, #tpu.memory_space<vmem>>
    %dma_start3A_36 = tpu.memref_slice %arg2[%dma_start3A_29, %mul3A_2] : memref<26x16384xi32, #tpu.memory_space<hbm>> -> memref<1x512xi32, #tpu.memory_space<hbm>>
    %dma_start3A_37 = tpu.memref_squeeze %dma_start3A_36 : memref<1x512xi32, #tpu.memory_space<hbm>> -> memref<512xi32, #tpu.memory_space<hbm>>
    tpu.enqueue_dma source(%dma_start3A_37 : memref<512xi32, #tpu.memory_space<hbm>>) target(%dma_start3A_35 : memref<512xi32, #tpu.memory_space<vmem>>) target_semaphore(%arg12 : memref<!tpu.dma_semaphore, #tpu.memory_space<semaphore_mem>>)
    %dma_start3A_38 = arith.constant 4 : i32
    %dma_start3A_39 = arith.constant 2048 : i32
    %dma_start3A_40 = tpu.memref_slice %arg6[%dma_start3A_39] : memref<13312xi32, #tpu.memory_space<vmem>> -> memref<512xi32, #tpu.memory_space<vmem>>
    %dma_start3A_41 = tpu.memref_slice %arg2[%dma_start3A_38, %mul3A_2] : memref<26x16384xi32, #tpu.memory_space<hbm>> -> memref<1x512xi32, #tpu.memory_space<hbm>>
    %dma_start3A_42 = tpu.memref_squeeze %dma_start3A_41 : memref<1x512xi32, #tpu.memory_space<hbm>> -> memref<512xi32, #tpu.memory_space<hbm>>
    %dma_start3A_43 = arith.constant 2048 : i32
    %dma_start3A_44 = tpu.memref_slice %arg6[%dma_start3A_43] : memref<13312xi32, #tpu.memory_space<vmem>> -> memref<512xi32, #tpu.memory_space<vmem>>
    %dma_start3A_45 = tpu.memref_slice %arg2[%dma_start3A_38, %mul3A_2] : memref<26x16384xi32, #tpu.memory_space<hbm>> -> memref<1x512xi32, #tpu.memory_space<hbm>>
    %dma_start3A_46 = tpu.memref_squeeze %dma_start3A_45 : memref<1x512xi32, #tpu.memory_space<hbm>> -> memref<512xi32, #tpu.memory_space<hbm>>
    tpu.enqueue_dma source(%dma_start3A_46 : memref<512xi32, #tpu.memory_space<hbm>>) target(%dma_start3A_44 : memref<512xi32, #tpu.memory_space<vmem>>) target_semaphore(%arg11 : memref<!tpu.dma_semaphore, #tpu.memory_space<semaphore_mem>>)
    %dma_start3A_47 = arith.constant 5 : i32
    %dma_start3A_48 = arith.constant 2560 : i32
    %dma_start3A_49 = tpu.memref_slice %arg6[%dma_start3A_48] : memref<13312xi32, #tpu.memory_space<vmem>> -> memref<512xi32, #tpu.memory_space<vmem>>
    %dma_start3A_50 = tpu.memref_slice %arg2[%dma_start3A_47, %mul3A_2] : memref<26x16384xi32, #tpu.memory_space<hbm>> -> memref<1x512xi32, #tpu.memory_space<hbm>>
    %dma_start3A_51 = tpu.memref_squeeze %dma_start3A_50 : memref<1x512xi32, #tpu.memory_space<hbm>> -> memref<512xi32, #tpu.memory_space<hbm>>
    %dma_start3A_52 = arith.constant 2560 : i32
    %dma_start3A_53 = tpu.memref_slice %arg6[%dma_start3A_52] : memref<13312xi32, #tpu.memory_space<vmem>> -> memref<512xi32, #tpu.memory_space<vmem>>
    %dma_start3A_54 = tpu.memref_slice %arg2[%dma_start3A_47, %mul3A_2] : memref<26x16384xi32, #tpu.memory_space<hbm>> -> memref<1x512xi32, #tpu.memory_space<hbm>>
    %dma_start3A_55 = tpu.memref_squeeze %dma_start3A_54 : memref<1x512xi32, #tpu.memory_space<hbm>> -> memref<512xi32, #tpu.memory_space<hbm>>
    tpu.enqueue_dma source(%dma_start3A_55 : memref<512xi32, #tpu.memory_space<hbm>>) target(%dma_start3A_53 : memref<512xi32, #tpu.memory_space<vmem>>) target_semaphore(%arg11 : memref<!tpu.dma_semaphore, #tpu.memory_space<semaphore_mem>>)
    %dma_start3A_56 = arith.constant 6 : i32
    %dma_start3A_57 = arith.constant 3072 : i32
    %dma_start3A_58 = tpu.memref_slice %arg6[%dma_start3A_57] : memref<13312xi32, #tpu.memory_space<vmem>> -> memref<512xi32, #tpu.memory_space<vmem>>
    %dma_start3A_59 = tpu.memref_slice %arg2[%dma_start3A_56, %mul3A_2] : memref<26x16384xi32, #tpu.memory_space<hbm>> -> memref<1x512xi32, #tpu.memory_space<hbm>>
    %dma_start3A_60 = tpu.memref_squeeze %dma_start3A_59 : memref<1x512xi32, #tpu.memory_space<hbm>> -> memref<512xi32, #tpu.memory_space<hbm>>
    %dma_start3A_61 = arith.constant 3072 : i32
    %dma_start3A_62 = tpu.memref_slice %arg6[%dma_start3A_61] : memref<13312xi32, #tpu.memory_space<vmem>> -> memref<512xi32, #tpu.memory_space<vmem>>
    %dma_start3A_63 = tpu.memref_slice %arg2[%dma_start3A_56, %mul3A_2] : memref<26x16384xi32, #tpu.memory_space<hbm>> -> memref<1x512xi32, #tpu.memory_space<hbm>>
    %dma_start3A_64 = tpu.memref_squeeze %dma_start3A_63 : memref<1x512xi32, #tpu.memory_space<hbm>> -> memref<512xi32, #tpu.memory_space<hbm>>
    tpu.enqueue_dma source(%dma_start3A_64 : memref<512xi32, #tpu.memory_space<hbm>>) target(%dma_start3A_62 : memref<512xi32, #tpu.memory_space<vmem>>) target_semaphore(%arg11 : memref<!tpu.dma_semaphore, #tpu.memory_space<semaphore_mem>>)
    %dma_start3A_65 = arith.constant 7 : i32
    %dma_start3A_66 = arith.constant 3584 : i32
    %dma_start3A_67 = tpu.memref_slice %arg6[%dma_start3A_66] : memref<13312xi32, #tpu.memory_space<vmem>> -> memref<512xi32, #tpu.memory_space<vmem>>
    %dma_start3A_68 = tpu.memref_slice %arg2[%dma_start3A_65, %mul3A_2] : memref<26x16384xi32, #tpu.memory_space<hbm>> -> memref<1x512xi32, #tpu.memory_space<hbm>>
    %dma_start3A_69 = tpu.memref_squeeze %dma_start3A_68 : memref<1x512xi32, #tpu.memory_space<hbm>> -> memref<512xi32, #tpu.memory_space<hbm>>
    %dma_start3A_70 = arith.constant 3584 : i32
    %dma_start3A_71 = tpu.memref_slice %arg6[%dma_start3A_70] : memref<13312xi32, #tpu.memory_space<vmem>> -> memref<512xi32, #tpu.memory_space<vmem>>
    %dma_start3A_72 = tpu.memref_slice %arg2[%dma_start3A_65, %mul3A_2] : memref<26x16384xi32, #tpu.memory_space<hbm>> -> memref<1x512xi32, #tpu.memory_space<hbm>>
    %dma_start3A_73 = tpu.memref_squeeze %dma_start3A_72 : memref<1x512xi32, #tpu.memory_space<hbm>> -> memref<512xi32, #tpu.memory_space<hbm>>
    tpu.enqueue_dma source(%dma_start3A_73 : memref<512xi32, #tpu.memory_space<hbm>>) target(%dma_start3A_71 : memref<512xi32, #tpu.memory_space<vmem>>) target_semaphore(%arg11 : memref<!tpu.dma_semaphore, #tpu.memory_space<semaphore_mem>>)
    %dma_start3A_74 = arith.constant 8 : i32
    %dma_start3A_75 = arith.constant 4096 : i32
    %dma_start3A_76 = tpu.memref_slice %arg6[%dma_start3A_75] : memref<13312xi32, #tpu.memory_space<vmem>> -> memref<512xi32, #tpu.memory_space<vmem>>
    %dma_start3A_77 = tpu.memref_slice %arg2[%dma_start3A_74, %mul3A_2] : memref<26x16384xi32, #tpu.memory_space<hbm>> -> memref<1x512xi32, #tpu.memory_space<hbm>>
    %dma_start3A_78 = tpu.memref_squeeze %dma_start3A_77 : memref<1x512xi32, #tpu.memory_space<hbm>> -> memref<512xi32, #tpu.memory_space<hbm>>
    %dma_start3A_79 = arith.constant 4096 : i32
    %dma_start3A_80 = tpu.memref_slice %arg6[%dma_start3A_79] : memref<13312xi32, #tpu.memory_space<vmem>> -> memref<512xi32, #tpu.memory_space<vmem>>
    %dma_start3A_81 = tpu.memref_slice %arg2[%dma_start3A_74, %mul3A_2] : memref<26x16384xi32, #tpu.memory_space<hbm>> -> memref<1x512xi32, #tpu.memory_space<hbm>>
    %dma_start3A_82 = tpu.memref_squeeze %dma_start3A_81 : memref<1x512xi32, #tpu.memory_space<hbm>> -> memref<512xi32, #tpu.memory_space<hbm>>
    tpu.enqueue_dma source(%dma_start3A_82 : memref<512xi32, #tpu.memory_space<hbm>>) target(%dma_start3A_80 : memref<512xi32, #tpu.memory_space<vmem>>) target_semaphore(%arg11 : memref<!tpu.dma_semaphore, #tpu.memory_space<semaphore_mem>>)
    %dma_start3A_83 = arith.constant 9 : i32
    %dma_start3A_84 = arith.constant 4608 : i32
    %dma_start3A_85 = tpu.memref_slice %arg6[%dma_start3A_84] : memref<13312xi32, #tpu.memory_space<vmem>> -> memref<512xi32, #tpu.memory_space<vmem>>
    %dma_start3A_86 = tpu.memref_slice %arg2[%dma_start3A_83, %mul3A_2] : memref<26x16384xi32, #tpu.memory_space<hbm>> -> memref<1x512xi32, #tpu.memory_space<hbm>>
    %dma_start3A_87 = tpu.memref_squeeze %dma_start3A_86 : memref<1x512xi32, #tpu.memory_space<hbm>> -> memref<512xi32, #tpu.memory_space<hbm>>
    %dma_start3A_88 = arith.constant 4608 : i32
    %dma_start3A_89 = tpu.memref_slice %arg6[%dma_start3A_88] : memref<13312xi32, #tpu.memory_space<vmem>> -> memref<512xi32, #tpu.memory_space<vmem>>
    %dma_start3A_90 = tpu.memref_slice %arg2[%dma_start3A_83, %mul3A_2] : memref<26x16384xi32, #tpu.memory_space<hbm>> -> memref<1x512xi32, #tpu.memory_space<hbm>>
    %dma_start3A_91 = tpu.memref_squeeze %dma_start3A_90 : memref<1x512xi32, #tpu.memory_space<hbm>> -> memref<512xi32, #tpu.memory_space<hbm>>
    tpu.enqueue_dma source(%dma_start3A_91 : memref<512xi32, #tpu.memory_space<hbm>>) target(%dma_start3A_89 : memref<512xi32, #tpu.memory_space<vmem>>) target_semaphore(%arg11 : memref<!tpu.dma_semaphore, #tpu.memory_space<semaphore_mem>>)
    %dma_start3A_92 = arith.constant 10 : i32
    %dma_start3A_93 = arith.constant 5120 : i32
    %dma_start3A_94 = tpu.memref_slice %arg6[%dma_start3A_93] : memref<13312xi32, #tpu.memory_space<vmem>> -> memref<512xi32, #tpu.memory_space<vmem>>
    %dma_start3A_95 = tpu.memref_slice %arg2[%dma_start3A_92, %mul3A_2] : memref<26x16384xi32, #tpu.memory_space<hbm>> -> memref<1x512xi32, #tpu.memory_space<hbm>>
    %dma_start3A_96 = tpu.memref_squeeze %dma_start3A_95 : memref<1x512xi32, #tpu.memory_space<hbm>> -> memref<512xi32, #tpu.memory_space<hbm>>
    %dma_start3A_97 = arith.constant 5120 : i32
    %dma_start3A_98 = tpu.memref_slice %arg6[%dma_start3A_97] : memref<13312xi32, #tpu.memory_space<vmem>> -> memref<512xi32, #tpu.memory_space<vmem>>
    %dma_start3A_99 = tpu.memref_slice %arg2[%dma_start3A_92, %mul3A_2] : memref<26x16384xi32, #tpu.memory_space<hbm>> -> memref<1x512xi32, #tpu.memory_space<hbm>>
    %dma_start3A_100 = tpu.memref_squeeze %dma_start3A_99 : memref<1x512xi32, #tpu.memory_space<hbm>> -> memref<512xi32, #tpu.memory_space<hbm>>
    tpu.enqueue_dma source(%dma_start3A_100 : memref<512xi32, #tpu.memory_space<hbm>>) target(%dma_start3A_98 : memref<512xi32, #tpu.memory_space<vmem>>) target_semaphore(%arg11 : memref<!tpu.dma_semaphore, #tpu.memory_space<semaphore_mem>>)
    %dma_start3A_101 = arith.constant 11 : i32
    %dma_start3A_102 = arith.constant 5632 : i32
    %dma_start3A_103 = tpu.memref_slice %arg6[%dma_start3A_102] : memref<13312xi32, #tpu.memory_space<vmem>> -> memref<512xi32, #tpu.memory_space<vmem>>
    %dma_start3A_104 = tpu.memref_slice %arg2[%dma_start3A_101, %mul3A_2] : memref<26x16384xi32, #tpu.memory_space<hbm>> -> memref<1x512xi32, #tpu.memory_space<hbm>>
    %dma_start3A_105 = tpu.memref_squeeze %dma_start3A_104 : memref<1x512xi32, #tpu.memory_space<hbm>> -> memref<512xi32, #tpu.memory_space<hbm>>
    %dma_start3A_106 = arith.constant 5632 : i32
    %dma_start3A_107 = tpu.memref_slice %arg6[%dma_start3A_106] : memref<13312xi32, #tpu.memory_space<vmem>> -> memref<512xi32, #tpu.memory_space<vmem>>
    %dma_start3A_108 = tpu.memref_slice %arg2[%dma_start3A_101, %mul3A_2] : memref<26x16384xi32, #tpu.memory_space<hbm>> -> memref<1x512xi32, #tpu.memory_space<hbm>>
    %dma_start3A_109 = tpu.memref_squeeze %dma_start3A_108 : memref<1x512xi32, #tpu.memory_space<hbm>> -> memref<512xi32, #tpu.memory_space<hbm>>
    tpu.enqueue_dma source(%dma_start3A_109 : memref<512xi32, #tpu.memory_space<hbm>>) target(%dma_start3A_107 : memref<512xi32, #tpu.memory_space<vmem>>) target_semaphore(%arg11 : memref<!tpu.dma_semaphore, #tpu.memory_space<semaphore_mem>>)
    %dma_start3A_110 = arith.constant 12 : i32
    %dma_start3A_111 = arith.constant 6144 : i32
    %dma_start3A_112 = tpu.memref_slice %arg6[%dma_start3A_111] : memref<13312xi32, #tpu.memory_space<vmem>> -> memref<512xi32, #tpu.memory_space<vmem>>
    %dma_start3A_113 = tpu.memref_slice %arg2[%dma_start3A_110, %mul3A_2] : memref<26x16384xi32, #tpu.memory_space<hbm>> -> memref<1x512xi32, #tpu.memory_space<hbm>>
    %dma_start3A_114 = tpu.memref_squeeze %dma_start3A_113 : memref<1x512xi32, #tpu.memory_space<hbm>> -> memref<512xi32, #tpu.memory_space<hbm>>
    %dma_start3A_115 = arith.constant 6144 : i32
    %dma_start3A_116 = tpu.memref_slice %arg6[%dma_start3A_115] : memref<13312xi32, #tpu.memory_space<vmem>> -> memref<512xi32, #tpu.memory_space<vmem>>
    %dma_start3A_117 = tpu.memref_slice %arg2[%dma_start3A_110, %mul3A_2] : memref<26x16384xi32, #tpu.memory_space<hbm>> -> memref<1x512xi32, #tpu.memory_space<hbm>>
    %dma_start3A_118 = tpu.memref_squeeze %dma_start3A_117 : memref<1x512xi32, #tpu.memory_space<hbm>> -> memref<512xi32, #tpu.memory_space<hbm>>
    tpu.enqueue_dma source(%dma_start3A_118 : memref<512xi32, #tpu.memory_space<hbm>>) target(%dma_start3A_116 : memref<512xi32, #tpu.memory_space<vmem>>) target_semaphore(%arg11 : memref<!tpu.dma_semaphore, #tpu.memory_space<semaphore_mem>>)
    %dma_start3A_119 = arith.constant 13 : i32
    %dma_start3A_120 = arith.constant 6656 : i32
    %dma_start3A_121 = tpu.memref_slice %arg6[%dma_start3A_120] : memref<13312xi32, #tpu.memory_space<vmem>> -> memref<512xi32, #tpu.memory_space<vmem>>
    %dma_start3A_122 = tpu.memref_slice %arg2[%dma_start3A_119, %mul3A_2] : memref<26x16384xi32, #tpu.memory_space<hbm>> -> memref<1x512xi32, #tpu.memory_space<hbm>>
    %dma_start3A_123 = tpu.memref_squeeze %dma_start3A_122 : memref<1x512xi32, #tpu.memory_space<hbm>> -> memref<512xi32, #tpu.memory_space<hbm>>
    %dma_start3A_124 = arith.constant 6656 : i32
    %dma_start3A_125 = tpu.memref_slice %arg6[%dma_start3A_124] : memref<13312xi32, #tpu.memory_space<vmem>> -> memref<512xi32, #tpu.memory_space<vmem>>
    %dma_start3A_126 = tpu.memref_slice %arg2[%dma_start3A_119, %mul3A_2] : memref<26x16384xi32, #tpu.memory_space<hbm>> -> memref<1x512xi32, #tpu.memory_space<hbm>>
    %dma_start3A_127 = tpu.memref_squeeze %dma_start3A_126 : memref<1x512xi32, #tpu.memory_space<hbm>> -> memref<512xi32, #tpu.memory_space<hbm>>
    tpu.enqueue_dma source(%dma_start3A_127 : memref<512xi32, #tpu.memory_space<hbm>>) target(%dma_start3A_125 : memref<512xi32, #tpu.memory_space<vmem>>) target_semaphore(%arg11 : memref<!tpu.dma_semaphore, #tpu.memory_space<semaphore_mem>>)
    %dma_start3A_128 = arith.constant 14 : i32
    %dma_start3A_129 = arith.constant 7168 : i32
    %dma_start3A_130 = tpu.memref_slice %arg6[%dma_start3A_129] : memref<13312xi32, #tpu.memory_space<vmem>> -> memref<512xi32, #tpu.memory_space<vmem>>
    %dma_start3A_131 = tpu.memref_slice %arg2[%dma_start3A_128, %mul3A_2] : memref<26x16384xi32, #tpu.memory_space<hbm>> -> memref<1x512xi32, #tpu.memory_space<hbm>>
    %dma_start3A_132 = tpu.memref_squeeze %dma_start3A_131 : memref<1x512xi32, #tpu.memory_space<hbm>> -> memref<512xi32, #tpu.memory_space<hbm>>
    %dma_start3A_133 = arith.constant 7168 : i32
    %dma_start3A_134 = tpu.memref_slice %arg6[%dma_start3A_133] : memref<13312xi32, #tpu.memory_space<vmem>> -> memref<512xi32, #tpu.memory_space<vmem>>
    %dma_start3A_135 = tpu.memref_slice %arg2[%dma_start3A_128, %mul3A_2] : memref<26x16384xi32, #tpu.memory_space<hbm>> -> memref<1x512xi32, #tpu.memory_space<hbm>>
    %dma_start3A_136 = tpu.memref_squeeze %dma_start3A_135 : memref<1x512xi32, #tpu.memory_space<hbm>> -> memref<512xi32, #tpu.memory_space<hbm>>
    tpu.enqueue_dma source(%dma_start3A_136 : memref<512xi32, #tpu.memory_space<hbm>>) target(%dma_start3A_134 : memref<512xi32, #tpu.memory_space<vmem>>) target_semaphore(%arg11 : memref<!tpu.dma_semaphore, #tpu.memory_space<semaphore_mem>>)
    %dma_start3A_137 = arith.constant 15 : i32
    %dma_start3A_138 = arith.constant 7680 : i32
    %dma_start3A_139 = tpu.memref_slice %arg6[%dma_start3A_138] : memref<13312xi32, #tpu.memory_space<vmem>> -> memref<512xi32, #tpu.memory_space<vmem>>
    %dma_start3A_140 = tpu.memref_slice %arg2[%dma_start3A_137, %mul3A_2] : memref<26x16384xi32, #tpu.memory_space<hbm>> -> memref<1x512xi32, #tpu.memory_space<hbm>>
    %dma_start3A_141 = tpu.memref_squeeze %dma_start3A_140 : memref<1x512xi32, #tpu.memory_space<hbm>> -> memref<512xi32, #tpu.memory_space<hbm>>
    %dma_start3A_142 = arith.constant 7680 : i32
    %dma_start3A_143 = tpu.memref_slice %arg6[%dma_start3A_142] : memref<13312xi32, #tpu.memory_space<vmem>> -> memref<512xi32, #tpu.memory_space<vmem>>
    %dma_start3A_144 = tpu.memref_slice %arg2[%dma_start3A_137, %mul3A_2] : memref<26x16384xi32, #tpu.memory_space<hbm>> -> memref<1x512xi32, #tpu.memory_space<hbm>>
    %dma_start3A_145 = tpu.memref_squeeze %dma_start3A_144 : memref<1x512xi32, #tpu.memory_space<hbm>> -> memref<512xi32, #tpu.memory_space<hbm>>
    tpu.enqueue_dma source(%dma_start3A_145 : memref<512xi32, #tpu.memory_space<hbm>>) target(%dma_start3A_143 : memref<512xi32, #tpu.memory_space<vmem>>) target_semaphore(%arg11 : memref<!tpu.dma_semaphore, #tpu.memory_space<semaphore_mem>>)
    %dma_start3A_146 = arith.constant 16 : i32
    %dma_start3A_147 = arith.constant 8192 : i32
    %dma_start3A_148 = tpu.memref_slice %arg6[%dma_start3A_147] : memref<13312xi32, #tpu.memory_space<vmem>> -> memref<512xi32, #tpu.memory_space<vmem>>
    %dma_start3A_149 = tpu.memref_slice %arg2[%dma_start3A_146, %mul3A_2] : memref<26x16384xi32, #tpu.memory_space<hbm>> -> memref<1x512xi32, #tpu.memory_space<hbm>>
    %dma_start3A_150 = tpu.memref_squeeze %dma_start3A_149 : memref<1x512xi32, #tpu.memory_space<hbm>> -> memref<512xi32, #tpu.memory_space<hbm>>
    %dma_start3A_151 = arith.constant 8192 : i32
    %dma_start3A_152 = tpu.memref_slice %arg6[%dma_start3A_151] : memref<13312xi32, #tpu.memory_space<vmem>> -> memref<512xi32, #tpu.memory_space<vmem>>
    %dma_start3A_153 = tpu.memref_slice %arg2[%dma_start3A_146, %mul3A_2] : memref<26x16384xi32, #tpu.memory_space<hbm>> -> memref<1x512xi32, #tpu.memory_space<hbm>>
    %dma_start3A_154 = tpu.memref_squeeze %dma_start3A_153 : memref<1x512xi32, #tpu.memory_space<hbm>> -> memref<512xi32, #tpu.memory_space<hbm>>
    tpu.enqueue_dma source(%dma_start3A_154 : memref<512xi32, #tpu.memory_space<hbm>>) target(%dma_start3A_152 : memref<512xi32, #tpu.memory_space<vmem>>) target_semaphore(%arg11 : memref<!tpu.dma_semaphore, #tpu.memory_space<semaphore_mem>>)
    %dma_start3A_155 = arith.constant 17 : i32
    %dma_start3A_156 = arith.constant 8704 : i32
    %dma_start3A_157 = tpu.memref_slice %arg6[%dma_start3A_156] : memref<13312xi32, #tpu.memory_space<vmem>> -> memref<512xi32, #tpu.memory_space<vmem>>
    %dma_start3A_158 = tpu.memref_slice %arg2[%dma_start3A_155, %mul3A_2] : memref<26x16384xi32, #tpu.memory_space<hbm>> -> memref<1x512xi32, #tpu.memory_space<hbm>>
    %dma_start3A_159 = tpu.memref_squeeze %dma_start3A_158 : memref<1x512xi32, #tpu.memory_space<hbm>> -> memref<512xi32, #tpu.memory_space<hbm>>
    %dma_start3A_160 = arith.constant 8704 : i32
    %dma_start3A_161 = tpu.memref_slice %arg6[%dma_start3A_160] : memref<13312xi32, #tpu.memory_space<vmem>> -> memref<512xi32, #tpu.memory_space<vmem>>
    %dma_start3A_162 = tpu.memref_slice %arg2[%dma_start3A_155, %mul3A_2] : memref<26x16384xi32, #tpu.memory_space<hbm>> -> memref<1x512xi32, #tpu.memory_space<hbm>>
    %dma_start3A_163 = tpu.memref_squeeze %dma_start3A_162 : memref<1x512xi32, #tpu.memory_space<hbm>> -> memref<512xi32, #tpu.memory_space<hbm>>
    tpu.enqueue_dma source(%dma_start3A_163 : memref<512xi32, #tpu.memory_space<hbm>>) target(%dma_start3A_161 : memref<512xi32, #tpu.memory_space<vmem>>) target_semaphore(%arg11 : memref<!tpu.dma_semaphore, #tpu.memory_space<semaphore_mem>>)
    %dma_start3A_164 = arith.constant 18 : i32
    %dma_start3A_165 = arith.constant 9216 : i32
    %dma_start3A_166 = tpu.memref_slice %arg6[%dma_start3A_165] : memref<13312xi32, #tpu.memory_space<vmem>> -> memref<512xi32, #tpu.memory_space<vmem>>
    %dma_start3A_167 = tpu.memref_slice %arg2[%dma_start3A_164, %mul3A_2] : memref<26x16384xi32, #tpu.memory_space<hbm>> -> memref<1x512xi32, #tpu.memory_space<hbm>>
    %dma_start3A_168 = tpu.memref_squeeze %dma_start3A_167 : memref<1x512xi32, #tpu.memory_space<hbm>> -> memref<512xi32, #tpu.memory_space<hbm>>
    %dma_start3A_169 = arith.constant 9216 : i32
    %dma_start3A_170 = tpu.memref_slice %arg6[%dma_start3A_169] : memref<13312xi32, #tpu.memory_space<vmem>> -> memref<512xi32, #tpu.memory_space<vmem>>
    %dma_start3A_171 = tpu.memref_slice %arg2[%dma_start3A_164, %mul3A_2] : memref<26x16384xi32, #tpu.memory_space<hbm>> -> memref<1x512xi32, #tpu.memory_space<hbm>>
    %dma_start3A_172 = tpu.memref_squeeze %dma_start3A_171 : memref<1x512xi32, #tpu.memory_space<hbm>> -> memref<512xi32, #tpu.memory_space<hbm>>
    tpu.enqueue_dma source(%dma_start3A_172 : memref<512xi32, #tpu.memory_space<hbm>>) target(%dma_start3A_170 : memref<512xi32, #tpu.memory_space<vmem>>) target_semaphore(%arg11 : memref<!tpu.dma_semaphore, #tpu.memory_space<semaphore_mem>>)
    %dma_start3A_173 = arith.constant 19 : i32
    %dma_start3A_174 = arith.constant 9728 : i32
    %dma_start3A_175 = tpu.memref_slice %arg6[%dma_start3A_174] : memref<13312xi32, #tpu.memory_space<vmem>> -> memref<512xi32, #tpu.memory_space<vmem>>
    %dma_start3A_176 = tpu.memref_slice %arg2[%dma_start3A_173, %mul3A_2] : memref<26x16384xi32, #tpu.memory_space<hbm>> -> memref<1x512xi32, #tpu.memory_space<hbm>>
    %dma_start3A_177 = tpu.memref_squeeze %dma_start3A_176 : memref<1x512xi32, #tpu.memory_space<hbm>> -> memref<512xi32, #tpu.memory_space<hbm>>
    %dma_start3A_178 = arith.constant 9728 : i32
    %dma_start3A_179 = tpu.memref_slice %arg6[%dma_start3A_178] : memref<13312xi32, #tpu.memory_space<vmem>> -> memref<512xi32, #tpu.memory_space<vmem>>
    %dma_start3A_180 = tpu.memref_slice %arg2[%dma_start3A_173, %mul3A_2] : memref<26x16384xi32, #tpu.memory_space<hbm>> -> memref<1x512xi32, #tpu.memory_space<hbm>>
    %dma_start3A_181 = tpu.memref_squeeze %dma_start3A_180 : memref<1x512xi32, #tpu.memory_space<hbm>> -> memref<512xi32, #tpu.memory_space<hbm>>
    tpu.enqueue_dma source(%dma_start3A_181 : memref<512xi32, #tpu.memory_space<hbm>>) target(%dma_start3A_179 : memref<512xi32, #tpu.memory_space<vmem>>) target_semaphore(%arg11 : memref<!tpu.dma_semaphore, #tpu.memory_space<semaphore_mem>>)
    %dma_start3A_182 = arith.constant 20 : i32
    %dma_start3A_183 = arith.constant 10240 : i32
    %dma_start3A_184 = tpu.memref_slice %arg6[%dma_start3A_183] : memref<13312xi32, #tpu.memory_space<vmem>> -> memref<512xi32, #tpu.memory_space<vmem>>
    %dma_start3A_185 = tpu.memref_slice %arg2[%dma_start3A_182, %mul3A_2] : memref<26x16384xi32, #tpu.memory_space<hbm>> -> memref<1x512xi32, #tpu.memory_space<hbm>>
    %dma_start3A_186 = tpu.memref_squeeze %dma_start3A_185 : memref<1x512xi32, #tpu.memory_space<hbm>> -> memref<512xi32, #tpu.memory_space<hbm>>
    %dma_start3A_187 = arith.constant 10240 : i32
    %dma_start3A_188 = tpu.memref_slice %arg6[%dma_start3A_187] : memref<13312xi32, #tpu.memory_space<vmem>> -> memref<512xi32, #tpu.memory_space<vmem>>
    %dma_start3A_189 = tpu.memref_slice %arg2[%dma_start3A_182, %mul3A_2] : memref<26x16384xi32, #tpu.memory_space<hbm>> -> memref<1x512xi32, #tpu.memory_space<hbm>>
    %dma_start3A_190 = tpu.memref_squeeze %dma_start3A_189 : memref<1x512xi32, #tpu.memory_space<hbm>> -> memref<512xi32, #tpu.memory_space<hbm>>
    tpu.enqueue_dma source(%dma_start3A_190 : memref<512xi32, #tpu.memory_space<hbm>>) target(%dma_start3A_188 : memref<512xi32, #tpu.memory_space<vmem>>) target_semaphore(%arg11 : memref<!tpu.dma_semaphore, #tpu.memory_space<semaphore_mem>>)
    %dma_start3A_191 = arith.constant 21 : i32
    %dma_start3A_192 = arith.constant 10752 : i32
    %dma_start3A_193 = tpu.memref_slice %arg6[%dma_start3A_192] : memref<13312xi32, #tpu.memory_space<vmem>> -> memref<512xi32, #tpu.memory_space<vmem>>
    %dma_start3A_194 = tpu.memref_slice %arg2[%dma_start3A_191, %mul3A_2] : memref<26x16384xi32, #tpu.memory_space<hbm>> -> memref<1x512xi32, #tpu.memory_space<hbm>>
    %dma_start3A_195 = tpu.memref_squeeze %dma_start3A_194 : memref<1x512xi32, #tpu.memory_space<hbm>> -> memref<512xi32, #tpu.memory_space<hbm>>
    %dma_start3A_196 = arith.constant 10752 : i32
    %dma_start3A_197 = tpu.memref_slice %arg6[%dma_start3A_196] : memref<13312xi32, #tpu.memory_space<vmem>> -> memref<512xi32, #tpu.memory_space<vmem>>
    %dma_start3A_198 = tpu.memref_slice %arg2[%dma_start3A_191, %mul3A_2] : memref<26x16384xi32, #tpu.memory_space<hbm>> -> memref<1x512xi32, #tpu.memory_space<hbm>>
    %dma_start3A_199 = tpu.memref_squeeze %dma_start3A_198 : memref<1x512xi32, #tpu.memory_space<hbm>> -> memref<512xi32, #tpu.memory_space<hbm>>
    tpu.enqueue_dma source(%dma_start3A_199 : memref<512xi32, #tpu.memory_space<hbm>>) target(%dma_start3A_197 : memref<512xi32, #tpu.memory_space<vmem>>) target_semaphore(%arg11 : memref<!tpu.dma_semaphore, #tpu.memory_space<semaphore_mem>>)
    %dma_start3A_200 = arith.constant 22 : i32
    %dma_start3A_201 = arith.constant 11264 : i32
    %dma_start3A_202 = tpu.memref_slice %arg6[%dma_start3A_201] : memref<13312xi32, #tpu.memory_space<vmem>> -> memref<512xi32, #tpu.memory_space<vmem>>
    %dma_start3A_203 = tpu.memref_slice %arg2[%dma_start3A_200, %mul3A_2] : memref<26x16384xi32, #tpu.memory_space<hbm>> -> memref<1x512xi32, #tpu.memory_space<hbm>>
    %dma_start3A_204 = tpu.memref_squeeze %dma_start3A_203 : memref<1x512xi32, #tpu.memory_space<hbm>> -> memref<512xi32, #tpu.memory_space<hbm>>
    %dma_start3A_205 = arith.constant 11264 : i32
    %dma_start3A_206 = tpu.memref_slice %arg6[%dma_start3A_205] : memref<13312xi32, #tpu.memory_space<vmem>> -> memref<512xi32, #tpu.memory_space<vmem>>
    %dma_start3A_207 = tpu.memref_slice %arg2[%dma_start3A_200, %mul3A_2] : memref<26x16384xi32, #tpu.memory_space<hbm>> -> memref<1x512xi32, #tpu.memory_space<hbm>>
    %dma_start3A_208 = tpu.memref_squeeze %dma_start3A_207 : memref<1x512xi32, #tpu.memory_space<hbm>> -> memref<512xi32, #tpu.memory_space<hbm>>
    tpu.enqueue_dma source(%dma_start3A_208 : memref<512xi32, #tpu.memory_space<hbm>>) target(%dma_start3A_206 : memref<512xi32, #tpu.memory_space<vmem>>) target_semaphore(%arg11 : memref<!tpu.dma_semaphore, #tpu.memory_space<semaphore_mem>>)
    %dma_start3A_209 = arith.constant 23 : i32
    %dma_start3A_210 = arith.constant 11776 : i32
    %dma_start3A_211 = tpu.memref_slice %arg6[%dma_start3A_210] : memref<13312xi32, #tpu.memory_space<vmem>> -> memref<512xi32, #tpu.memory_space<vmem>>
    %dma_start3A_212 = tpu.memref_slice %arg2[%dma_start3A_209, %mul3A_2] : memref<26x16384xi32, #tpu.memory_space<hbm>> -> memref<1x512xi32, #tpu.memory_space<hbm>>
    %dma_start3A_213 = tpu.memref_squeeze %dma_start3A_212 : memref<1x512xi32, #tpu.memory_space<hbm>> -> memref<512xi32, #tpu.memory_space<hbm>>
    %dma_start3A_214 = arith.constant 11776 : i32
    %dma_start3A_215 = tpu.memref_slice %arg6[%dma_start3A_214] : memref<13312xi32, #tpu.memory_space<vmem>> -> memref<512xi32, #tpu.memory_space<vmem>>
    %dma_start3A_216 = tpu.memref_slice %arg2[%dma_start3A_209, %mul3A_2] : memref<26x16384xi32, #tpu.memory_space<hbm>> -> memref<1x512xi32, #tpu.memory_space<hbm>>
    %dma_start3A_217 = tpu.memref_squeeze %dma_start3A_216 : memref<1x512xi32, #tpu.memory_space<hbm>> -> memref<512xi32, #tpu.memory_space<hbm>>
    tpu.enqueue_dma source(%dma_start3A_217 : memref<512xi32, #tpu.memory_space<hbm>>) target(%dma_start3A_215 : memref<512xi32, #tpu.memory_space<vmem>>) target_semaphore(%arg11 : memref<!tpu.dma_semaphore, #tpu.memory_space<semaphore_mem>>)
    %dma_start3A_218 = arith.constant 24 : i32
    %dma_start3A_219 = arith.constant 12288 : i32
    %dma_start3A_220 = tpu.memref_slice %arg6[%dma_start3A_219] : memref<13312xi32, #tpu.memory_space<vmem>> -> memref<512xi32, #tpu.memory_space<vmem>>
    %dma_start3A_221 = tpu.memref_slice %arg2[%dma_start3A_218, %mul3A_2] : memref<26x16384xi32, #tpu.memory_space<hbm>> -> memref<1x512xi32, #tpu.memory_space<hbm>>
    %dma_start3A_222 = tpu.memref_squeeze %dma_start3A_221 : memref<1x512xi32, #tpu.memory_space<hbm>> -> memref<512xi32, #tpu.memory_space<hbm>>
    %dma_start3A_223 = arith.constant 12288 : i32
    %dma_start3A_224 = tpu.memref_slice %arg6[%dma_start3A_223] : memref<13312xi32, #tpu.memory_space<vmem>> -> memref<512xi32, #tpu.memory_space<vmem>>
    %dma_start3A_225 = tpu.memref_slice %arg2[%dma_start3A_218, %mul3A_2] : memref<26x16384xi32, #tpu.memory_space<hbm>> -> memref<1x512xi32, #tpu.memory_space<hbm>>
    %dma_start3A_226 = tpu.memref_squeeze %dma_start3A_225 : memref<1x512xi32, #tpu.memory_space<hbm>> -> memref<512xi32, #tpu.memory_space<hbm>>
    tpu.enqueue_dma source(%dma_start3A_226 : memref<512xi32, #tpu.memory_space<hbm>>) target(%dma_start3A_224 : memref<512xi32, #tpu.memory_space<vmem>>) target_semaphore(%arg11 : memref<!tpu.dma_semaphore, #tpu.memory_space<semaphore_mem>>)
    %dma_start3A_227 = arith.constant 25 : i32
    %dma_start3A_228 = arith.constant 12800 : i32
    %dma_start3A_229 = tpu.memref_slice %arg6[%dma_start3A_228] : memref<13312xi32, #tpu.memory_space<vmem>> -> memref<512xi32, #tpu.memory_space<vmem>>
    %dma_start3A_230 = tpu.memref_slice %arg2[%dma_start3A_227, %mul3A_2] : memref<26x16384xi32, #tpu.memory_space<hbm>> -> memref<1x512xi32, #tpu.memory_space<hbm>>
    %dma_start3A_231 = tpu.memref_squeeze %dma_start3A_230 : memref<1x512xi32, #tpu.memory_space<hbm>> -> memref<512xi32, #tpu.memory_space<hbm>>
    %dma_start3A_232 = arith.constant 12800 : i32
    %dma_start3A_233 = tpu.memref_slice %arg6[%dma_start3A_232] : memref<13312xi32, #tpu.memory_space<vmem>> -> memref<512xi32, #tpu.memory_space<vmem>>
    %dma_start3A_234 = tpu.memref_slice %arg2[%dma_start3A_227, %mul3A_2] : memref<26x16384xi32, #tpu.memory_space<hbm>> -> memref<1x512xi32, #tpu.memory_space<hbm>>
    %dma_start3A_235 = tpu.memref_squeeze %dma_start3A_234 : memref<1x512xi32, #tpu.memory_space<hbm>> -> memref<512xi32, #tpu.memory_space<hbm>>
    tpu.enqueue_dma source(%dma_start3A_235 : memref<512xi32, #tpu.memory_space<hbm>>) target(%dma_start3A_233 : memref<512xi32, #tpu.memory_space<vmem>>) target_semaphore(%arg11 : memref<!tpu.dma_semaphore, #tpu.memory_space<semaphore_mem>>)
    tpu.enqueue_dma source(%arg4 : memref<16xf32, #tpu.memory_space<hbm>>) target(%arg10 : memref<16xf32, #tpu.memory_space<vmem>>) target_semaphore(%arg14 : memref<!tpu.dma_semaphore, #tpu.memory_space<semaphore_mem>>)
    %dma_wait3A = arith.constant 0 : i32
    %dma_wait3A_236 = arith.constant 0 : i32
    %dma_wait3A_237 = tpu.memref_slice %arg6[%dma_wait3A_236] : memref<13312xi32, #tpu.memory_space<vmem>> -> memref<2048xi32, #tpu.memory_space<vmem>>
    %dma_wait3A_238 = arith.constant 0 : i32
    %dma_wait3A_239 = tpu.memref_slice %arg2[%dma_wait3A, %dma_wait3A_238] : memref<26x16384xi32, #tpu.memory_space<hbm>> -> memref<1x2048xi32, #tpu.memory_space<hbm>>
    %dma_wait3A_240 = tpu.memref_squeeze %dma_wait3A_239 : memref<1x2048xi32, #tpu.memory_space<hbm>> -> memref<2048xi32, #tpu.memory_space<hbm>>
    %dma_wait3A_241 = arith.constant 0 : i32
    %dma_wait3A_242 = tpu.memref_slice %arg6[%dma_wait3A_241] : memref<13312xi32, #tpu.memory_space<vmem>> -> memref<2048xi32, #tpu.memory_space<vmem>>
    %dma_wait3A_243 = arith.constant 0 : i32
    %dma_wait3A_244 = tpu.memref_slice %arg2[%dma_wait3A, %dma_wait3A_243] : memref<26x16384xi32, #tpu.memory_space<hbm>> -> memref<1x2048xi32, #tpu.memory_space<hbm>>
    %dma_wait3A_245 = tpu.memref_squeeze %dma_wait3A_244 : memref<1x2048xi32, #tpu.memory_space<hbm>> -> memref<2048xi32, #tpu.memory_space<hbm>>
    tpu.wait_dma2 semaphore(%arg12 : memref<!tpu.dma_semaphore, #tpu.memory_space<semaphore_mem>>) src(%dma_wait3A_245 : memref<2048xi32, #tpu.memory_space<hbm>>) dst(%dma_wait3A_242 : memref<2048xi32, #tpu.memory_space<vmem>>)
    %dma_start3A_246 = arith.constant 0 : i32
    %dma_start3A_247 = arith.constant 0 : i32
    %dma_start3A_248 = arith.constant 0 : i32
    %dma_start3A_249 = tpu.memref_slice %arg7[%dma_start3A_248] : memref<13312xf32, #tpu.memory_space<vmem>> -> memref<512xf32, #tpu.memory_space<vmem>>
    %dma_start3A_250 = arith.constant 0 : i32
    %dma_start3A_251 = tpu.memref_slice %arg6[%dma_start3A_250] : memref<13312xi32, #tpu.memory_space<vmem>> -> memref<512xi32, #tpu.memory_space<vmem>>
    %dma_start3A_252 = arith.constant 0 : i32
    %dma_start3A_253 = tpu.memref_slice %arg3[%dma_start3A_246, %dma_start3A_252] : memref<1x1000000xf32, #tpu.memory_space<hbm>> -> memref<1x1000000xf32, #tpu.memory_space<hbm>>
    %dma_start3A_254 = tpu.memref_squeeze %dma_start3A_253 : memref<1x1000000xf32, #tpu.memory_space<hbm>> -> memref<1000000xf32, #tpu.memory_space<hbm>>
    %dma_start3A_255 = arith.constant 0 : i32
    %dma_start3A_256 = tpu.memref_slice %dma_start3A_254[%dma_start3A_255] : memref<1000000xf32, #tpu.memory_space<hbm>> -> memref<1000000xf32, #tpu.memory_space<hbm>>
    %dma_start3A_257 = tpu.memref_slice %arg13[%dma_start3A_247] : memref<26x!tpu.dma_semaphore, #tpu.memory_space<semaphore_mem>> -> memref<1x!tpu.dma_semaphore, #tpu.memory_space<semaphore_mem>>
    %dma_start3A_258 = tpu.memref_squeeze %dma_start3A_257 : memref<1x!tpu.dma_semaphore, #tpu.memory_space<semaphore_mem>> -> memref<!tpu.dma_semaphore, #tpu.memory_space<semaphore_mem>>
    tpu.enqueue_indirect_dma source(%dma_start3A_256 : memref<1000000xf32, #tpu.memory_space<hbm>>) target(%dma_start3A_249 : memref<512xf32, #tpu.memory_space<vmem>>) offsets(%dma_start3A_251 : memref<512xi32, #tpu.memory_space<vmem>>) semaphore(%dma_start3A_258 : memref<!tpu.dma_semaphore, #tpu.memory_space<semaphore_mem>>)
    %dma_start3A_259 = arith.constant 0 : i32
    %dma_start3A_260 = arith.constant 1 : i32
    %dma_start3A_261 = arith.constant 512 : i32
    %dma_start3A_262 = tpu.memref_slice %arg7[%dma_start3A_261] : memref<13312xf32, #tpu.memory_space<vmem>> -> memref<512xf32, #tpu.memory_space<vmem>>
    %dma_start3A_263 = arith.constant 512 : i32
    %dma_start3A_264 = tpu.memref_slice %arg6[%dma_start3A_263] : memref<13312xi32, #tpu.memory_space<vmem>> -> memref<512xi32, #tpu.memory_space<vmem>>
    %dma_start3A_265 = arith.constant 0 : i32
    %dma_start3A_266 = tpu.memref_slice %arg3[%dma_start3A_259, %dma_start3A_265] : memref<1x1000000xf32, #tpu.memory_space<hbm>> -> memref<1x1000000xf32, #tpu.memory_space<hbm>>
    %dma_start3A_267 = tpu.memref_squeeze %dma_start3A_266 : memref<1x1000000xf32, #tpu.memory_space<hbm>> -> memref<1000000xf32, #tpu.memory_space<hbm>>
    %dma_start3A_268 = arith.constant 0 : i32
    %dma_start3A_269 = tpu.memref_slice %dma_start3A_267[%dma_start3A_268] : memref<1000000xf32, #tpu.memory_space<hbm>> -> memref<1000000xf32, #tpu.memory_space<hbm>>
    %dma_start3A_270 = tpu.memref_slice %arg13[%dma_start3A_260] : memref<26x!tpu.dma_semaphore, #tpu.memory_space<semaphore_mem>> -> memref<1x!tpu.dma_semaphore, #tpu.memory_space<semaphore_mem>>
    %dma_start3A_271 = tpu.memref_squeeze %dma_start3A_270 : memref<1x!tpu.dma_semaphore, #tpu.memory_space<semaphore_mem>> -> memref<!tpu.dma_semaphore, #tpu.memory_space<semaphore_mem>>
    tpu.enqueue_indirect_dma source(%dma_start3A_269 : memref<1000000xf32, #tpu.memory_space<hbm>>) target(%dma_start3A_262 : memref<512xf32, #tpu.memory_space<vmem>>) offsets(%dma_start3A_264 : memref<512xi32, #tpu.memory_space<vmem>>) semaphore(%dma_start3A_271 : memref<!tpu.dma_semaphore, #tpu.memory_space<semaphore_mem>>)
    %dma_start3A_272 = arith.constant 0 : i32
    %dma_start3A_273 = arith.constant 2 : i32
    %dma_start3A_274 = arith.constant 1024 : i32
    %dma_start3A_275 = tpu.memref_slice %arg7[%dma_start3A_274] : memref<13312xf32, #tpu.memory_space<vmem>> -> memref<512xf32, #tpu.memory_space<vmem>>
    %dma_start3A_276 = arith.constant 1024 : i32
    %dma_start3A_277 = tpu.memref_slice %arg6[%dma_start3A_276] : memref<13312xi32, #tpu.memory_space<vmem>> -> memref<512xi32, #tpu.memory_space<vmem>>
    %dma_start3A_278 = arith.constant 0 : i32
    %dma_start3A_279 = tpu.memref_slice %arg3[%dma_start3A_272, %dma_start3A_278] : memref<1x1000000xf32, #tpu.memory_space<hbm>> -> memref<1x1000000xf32, #tpu.memory_space<hbm>>
    %dma_start3A_280 = tpu.memref_squeeze %dma_start3A_279 : memref<1x1000000xf32, #tpu.memory_space<hbm>> -> memref<1000000xf32, #tpu.memory_space<hbm>>
    %dma_start3A_281 = arith.constant 0 : i32
    %dma_start3A_282 = tpu.memref_slice %dma_start3A_280[%dma_start3A_281] : memref<1000000xf32, #tpu.memory_space<hbm>> -> memref<1000000xf32, #tpu.memory_space<hbm>>
    %dma_start3A_283 = tpu.memref_slice %arg13[%dma_start3A_273] : memref<26x!tpu.dma_semaphore, #tpu.memory_space<semaphore_mem>> -> memref<1x!tpu.dma_semaphore, #tpu.memory_space<semaphore_mem>>
    %dma_start3A_284 = tpu.memref_squeeze %dma_start3A_283 : memref<1x!tpu.dma_semaphore, #tpu.memory_space<semaphore_mem>> -> memref<!tpu.dma_semaphore, #tpu.memory_space<semaphore_mem>>
    tpu.enqueue_indirect_dma source(%dma_start3A_282 : memref<1000000xf32, #tpu.memory_space<hbm>>) target(%dma_start3A_275 : memref<512xf32, #tpu.memory_space<vmem>>) offsets(%dma_start3A_277 : memref<512xi32, #tpu.memory_space<vmem>>) semaphore(%dma_start3A_284 : memref<!tpu.dma_semaphore, #tpu.memory_space<semaphore_mem>>)
    %dma_start3A_285 = arith.constant 0 : i32
    %dma_start3A_286 = arith.constant 3 : i32
    %dma_start3A_287 = arith.constant 1536 : i32
    %dma_start3A_288 = tpu.memref_slice %arg7[%dma_start3A_287] : memref<13312xf32, #tpu.memory_space<vmem>> -> memref<512xf32, #tpu.memory_space<vmem>>
    %dma_start3A_289 = arith.constant 1536 : i32
    %dma_start3A_290 = tpu.memref_slice %arg6[%dma_start3A_289] : memref<13312xi32, #tpu.memory_space<vmem>> -> memref<512xi32, #tpu.memory_space<vmem>>
    %dma_start3A_291 = arith.constant 0 : i32
    %dma_start3A_292 = tpu.memref_slice %arg3[%dma_start3A_285, %dma_start3A_291] : memref<1x1000000xf32, #tpu.memory_space<hbm>> -> memref<1x1000000xf32, #tpu.memory_space<hbm>>
    %dma_start3A_293 = tpu.memref_squeeze %dma_start3A_292 : memref<1x1000000xf32, #tpu.memory_space<hbm>> -> memref<1000000xf32, #tpu.memory_space<hbm>>
    %dma_start3A_294 = arith.constant 0 : i32
    %dma_start3A_295 = tpu.memref_slice %dma_start3A_293[%dma_start3A_294] : memref<1000000xf32, #tpu.memory_space<hbm>> -> memref<1000000xf32, #tpu.memory_space<hbm>>
    %dma_start3A_296 = tpu.memref_slice %arg13[%dma_start3A_286] : memref<26x!tpu.dma_semaphore, #tpu.memory_space<semaphore_mem>> -> memref<1x!tpu.dma_semaphore, #tpu.memory_space<semaphore_mem>>
    %dma_start3A_297 = tpu.memref_squeeze %dma_start3A_296 : memref<1x!tpu.dma_semaphore, #tpu.memory_space<semaphore_mem>> -> memref<!tpu.dma_semaphore, #tpu.memory_space<semaphore_mem>>
    tpu.enqueue_indirect_dma source(%dma_start3A_295 : memref<1000000xf32, #tpu.memory_space<hbm>>) target(%dma_start3A_288 : memref<512xf32, #tpu.memory_space<vmem>>) offsets(%dma_start3A_290 : memref<512xi32, #tpu.memory_space<vmem>>) semaphore(%dma_start3A_297 : memref<!tpu.dma_semaphore, #tpu.memory_space<semaphore_mem>>)
    %dma_wait3A_298 = arith.constant 0 : i32
    %dma_wait3A_299 = arith.constant 0 : i32
    %dma_wait3A_300 = tpu.memref_slice %arg6[%dma_wait3A_299] : memref<13312xi32, #tpu.memory_space<vmem>> -> memref<11264xi32, #tpu.memory_space<vmem>>
    %dma_wait3A_301 = arith.constant 0 : i32
    %dma_wait3A_302 = tpu.memref_slice %arg2[%dma_wait3A_298, %dma_wait3A_301] : memref<26x16384xi32, #tpu.memory_space<hbm>> -> memref<1x11264xi32, #tpu.memory_space<hbm>>
    %dma_wait3A_303 = tpu.memref_squeeze %dma_wait3A_302 : memref<1x11264xi32, #tpu.memory_space<hbm>> -> memref<11264xi32, #tpu.memory_space<hbm>>
    %dma_wait3A_304 = arith.constant 0 : i32
    %dma_wait3A_305 = tpu.memref_slice %arg6[%dma_wait3A_304] : memref<13312xi32, #tpu.memory_space<vmem>> -> memref<11264xi32, #tpu.memory_space<vmem>>
    %dma_wait3A_306 = arith.constant 0 : i32
    %dma_wait3A_307 = tpu.memref_slice %arg2[%dma_wait3A_298, %dma_wait3A_306] : memref<26x16384xi32, #tpu.memory_space<hbm>> -> memref<1x11264xi32, #tpu.memory_space<hbm>>
    %dma_wait3A_308 = tpu.memref_squeeze %dma_wait3A_307 : memref<1x11264xi32, #tpu.memory_space<hbm>> -> memref<11264xi32, #tpu.memory_space<hbm>>
    tpu.wait_dma2 semaphore(%arg11 : memref<!tpu.dma_semaphore, #tpu.memory_space<semaphore_mem>>) src(%dma_wait3A_308 : memref<11264xi32, #tpu.memory_space<hbm>>) dst(%dma_wait3A_305 : memref<11264xi32, #tpu.memory_space<vmem>>)
    %dma_start3A_309 = arith.constant 0 : i32
    %dma_start3A_310 = arith.constant 4 : i32
    %dma_start3A_311 = arith.constant 2048 : i32
    %dma_start3A_312 = tpu.memref_slice %arg7[%dma_start3A_311] : memref<13312xf32, #tpu.memory_space<vmem>> -> memref<512xf32, #tpu.memory_space<vmem>>
    %dma_start3A_313 = arith.constant 2048 : i32
    %dma_start3A_314 = tpu.memref_slice %arg6[%dma_start3A_313] : memref<13312xi32, #tpu.memory_space<vmem>> -> memref<512xi32, #tpu.memory_space<vmem>>
    %dma_start3A_315 = arith.constant 0 : i32
    %dma_start3A_316 = tpu.memref_slice %arg3[%dma_start3A_309, %dma_start3A_315] : memref<1x1000000xf32, #tpu.memory_space<hbm>> -> memref<1x1000000xf32, #tpu.memory_space<hbm>>
    %dma_start3A_317 = tpu.memref_squeeze %dma_start3A_316 : memref<1x1000000xf32, #tpu.memory_space<hbm>> -> memref<1000000xf32, #tpu.memory_space<hbm>>
    %dma_start3A_318 = arith.constant 0 : i32
    %dma_start3A_319 = tpu.memref_slice %dma_start3A_317[%dma_start3A_318] : memref<1000000xf32, #tpu.memory_space<hbm>> -> memref<1000000xf32, #tpu.memory_space<hbm>>
    %dma_start3A_320 = tpu.memref_slice %arg13[%dma_start3A_310] : memref<26x!tpu.dma_semaphore, #tpu.memory_space<semaphore_mem>> -> memref<1x!tpu.dma_semaphore, #tpu.memory_space<semaphore_mem>>
    %dma_start3A_321 = tpu.memref_squeeze %dma_start3A_320 : memref<1x!tpu.dma_semaphore, #tpu.memory_space<semaphore_mem>> -> memref<!tpu.dma_semaphore, #tpu.memory_space<semaphore_mem>>
    tpu.enqueue_indirect_dma source(%dma_start3A_319 : memref<1000000xf32, #tpu.memory_space<hbm>>) target(%dma_start3A_312 : memref<512xf32, #tpu.memory_space<vmem>>) offsets(%dma_start3A_314 : memref<512xi32, #tpu.memory_space<vmem>>) semaphore(%dma_start3A_321 : memref<!tpu.dma_semaphore, #tpu.memory_space<semaphore_mem>>)
    %dma_start3A_322 = arith.constant 0 : i32
    %dma_start3A_323 = arith.constant 5 : i32
    %dma_start3A_324 = arith.constant 2560 : i32
    %dma_start3A_325 = tpu.memref_slice %arg7[%dma_start3A_324] : memref<13312xf32, #tpu.memory_space<vmem>> -> memref<512xf32, #tpu.memory_space<vmem>>
    %dma_start3A_326 = arith.constant 2560 : i32
    %dma_start3A_327 = tpu.memref_slice %arg6[%dma_start3A_326] : memref<13312xi32, #tpu.memory_space<vmem>> -> memref<512xi32, #tpu.memory_space<vmem>>
    %dma_start3A_328 = arith.constant 0 : i32
    %dma_start3A_329 = tpu.memref_slice %arg3[%dma_start3A_322, %dma_start3A_328] : memref<1x1000000xf32, #tpu.memory_space<hbm>> -> memref<1x1000000xf32, #tpu.memory_space<hbm>>
    %dma_start3A_330 = tpu.memref_squeeze %dma_start3A_329 : memref<1x1000000xf32, #tpu.memory_space<hbm>> -> memref<1000000xf32, #tpu.memory_space<hbm>>
    %dma_start3A_331 = arith.constant 0 : i32
    %dma_start3A_332 = tpu.memref_slice %dma_start3A_330[%dma_start3A_331] : memref<1000000xf32, #tpu.memory_space<hbm>> -> memref<1000000xf32, #tpu.memory_space<hbm>>
    %dma_start3A_333 = tpu.memref_slice %arg13[%dma_start3A_323] : memref<26x!tpu.dma_semaphore, #tpu.memory_space<semaphore_mem>> -> memref<1x!tpu.dma_semaphore, #tpu.memory_space<semaphore_mem>>
    %dma_start3A_334 = tpu.memref_squeeze %dma_start3A_333 : memref<1x!tpu.dma_semaphore, #tpu.memory_space<semaphore_mem>> -> memref<!tpu.dma_semaphore, #tpu.memory_space<semaphore_mem>>
    tpu.enqueue_indirect_dma source(%dma_start3A_332 : memref<1000000xf32, #tpu.memory_space<hbm>>) target(%dma_start3A_325 : memref<512xf32, #tpu.memory_space<vmem>>) offsets(%dma_start3A_327 : memref<512xi32, #tpu.memory_space<vmem>>) semaphore(%dma_start3A_334 : memref<!tpu.dma_semaphore, #tpu.memory_space<semaphore_mem>>)
    %dma_start3A_335 = arith.constant 0 : i32
    %dma_start3A_336 = arith.constant 6 : i32
    %dma_start3A_337 = arith.constant 3072 : i32
    %dma_start3A_338 = tpu.memref_slice %arg7[%dma_start3A_337] : memref<13312xf32, #tpu.memory_space<vmem>> -> memref<512xf32, #tpu.memory_space<vmem>>
    %dma_start3A_339 = arith.constant 3072 : i32
    %dma_start3A_340 = tpu.memref_slice %arg6[%dma_start3A_339] : memref<13312xi32, #tpu.memory_space<vmem>> -> memref<512xi32, #tpu.memory_space<vmem>>
    %dma_start3A_341 = arith.constant 0 : i32
    %dma_start3A_342 = tpu.memref_slice %arg3[%dma_start3A_335, %dma_start3A_341] : memref<1x1000000xf32, #tpu.memory_space<hbm>> -> memref<1x1000000xf32, #tpu.memory_space<hbm>>
    %dma_start3A_343 = tpu.memref_squeeze %dma_start3A_342 : memref<1x1000000xf32, #tpu.memory_space<hbm>> -> memref<1000000xf32, #tpu.memory_space<hbm>>
    %dma_start3A_344 = arith.constant 0 : i32
    %dma_start3A_345 = tpu.memref_slice %dma_start3A_343[%dma_start3A_344] : memref<1000000xf32, #tpu.memory_space<hbm>> -> memref<1000000xf32, #tpu.memory_space<hbm>>
    %dma_start3A_346 = tpu.memref_slice %arg13[%dma_start3A_336] : memref<26x!tpu.dma_semaphore, #tpu.memory_space<semaphore_mem>> -> memref<1x!tpu.dma_semaphore, #tpu.memory_space<semaphore_mem>>
    %dma_start3A_347 = tpu.memref_squeeze %dma_start3A_346 : memref<1x!tpu.dma_semaphore, #tpu.memory_space<semaphore_mem>> -> memref<!tpu.dma_semaphore, #tpu.memory_space<semaphore_mem>>
    tpu.enqueue_indirect_dma source(%dma_start3A_345 : memref<1000000xf32, #tpu.memory_space<hbm>>) target(%dma_start3A_338 : memref<512xf32, #tpu.memory_space<vmem>>) offsets(%dma_start3A_340 : memref<512xi32, #tpu.memory_space<vmem>>) semaphore(%dma_start3A_347 : memref<!tpu.dma_semaphore, #tpu.memory_space<semaphore_mem>>)
    %dma_start3A_348 = arith.constant 0 : i32
    %dma_start3A_349 = arith.constant 7 : i32
    %dma_start3A_350 = arith.constant 3584 : i32
    %dma_start3A_351 = tpu.memref_slice %arg7[%dma_start3A_350] : memref<13312xf32, #tpu.memory_space<vmem>> -> memref<512xf32, #tpu.memory_space<vmem>>
    %dma_start3A_352 = arith.constant 3584 : i32
    %dma_start3A_353 = tpu.memref_slice %arg6[%dma_start3A_352] : memref<13312xi32, #tpu.memory_space<vmem>> -> memref<512xi32, #tpu.memory_space<vmem>>
    %dma_start3A_354 = arith.constant 0 : i32
    %dma_start3A_355 = tpu.memref_slice %arg3[%dma_start3A_348, %dma_start3A_354] : memref<1x1000000xf32, #tpu.memory_space<hbm>> -> memref<1x1000000xf32, #tpu.memory_space<hbm>>
    %dma_start3A_356 = tpu.memref_squeeze %dma_start3A_355 : memref<1x1000000xf32, #tpu.memory_space<hbm>> -> memref<1000000xf32, #tpu.memory_space<hbm>>
    %dma_start3A_357 = arith.constant 0 : i32
    %dma_start3A_358 = tpu.memref_slice %dma_start3A_356[%dma_start3A_357] : memref<1000000xf32, #tpu.memory_space<hbm>> -> memref<1000000xf32, #tpu.memory_space<hbm>>
    %dma_start3A_359 = tpu.memref_slice %arg13[%dma_start3A_349] : memref<26x!tpu.dma_semaphore, #tpu.memory_space<semaphore_mem>> -> memref<1x!tpu.dma_semaphore, #tpu.memory_space<semaphore_mem>>
    %dma_start3A_360 = tpu.memref_squeeze %dma_start3A_359 : memref<1x!tpu.dma_semaphore, #tpu.memory_space<semaphore_mem>> -> memref<!tpu.dma_semaphore, #tpu.memory_space<semaphore_mem>>
    tpu.enqueue_indirect_dma source(%dma_start3A_358 : memref<1000000xf32, #tpu.memory_space<hbm>>) target(%dma_start3A_351 : memref<512xf32, #tpu.memory_space<vmem>>) offsets(%dma_start3A_353 : memref<512xi32, #tpu.memory_space<vmem>>) semaphore(%dma_start3A_360 : memref<!tpu.dma_semaphore, #tpu.memory_space<semaphore_mem>>)
    %dma_start3A_361 = arith.constant 0 : i32
    %dma_start3A_362 = arith.constant 8 : i32
    %dma_start3A_363 = arith.constant 4096 : i32
    %dma_start3A_364 = tpu.memref_slice %arg7[%dma_start3A_363] : memref<13312xf32, #tpu.memory_space<vmem>> -> memref<512xf32, #tpu.memory_space<vmem>>
    %dma_start3A_365 = arith.constant 4096 : i32
    %dma_start3A_366 = tpu.memref_slice %arg6[%dma_start3A_365] : memref<13312xi32, #tpu.memory_space<vmem>> -> memref<512xi32, #tpu.memory_space<vmem>>
    %dma_start3A_367 = arith.constant 0 : i32
    %dma_start3A_368 = tpu.memref_slice %arg3[%dma_start3A_361, %dma_start3A_367] : memref<1x1000000xf32, #tpu.memory_space<hbm>> -> memref<1x1000000xf32, #tpu.memory_space<hbm>>
    %dma_start3A_369 = tpu.memref_squeeze %dma_start3A_368 : memref<1x1000000xf32, #tpu.memory_space<hbm>> -> memref<1000000xf32, #tpu.memory_space<hbm>>
    %dma_start3A_370 = arith.constant 0 : i32
    %dma_start3A_371 = tpu.memref_slice %dma_start3A_369[%dma_start3A_370] : memref<1000000xf32, #tpu.memory_space<hbm>> -> memref<1000000xf32, #tpu.memory_space<hbm>>
    %dma_start3A_372 = tpu.memref_slice %arg13[%dma_start3A_362] : memref<26x!tpu.dma_semaphore, #tpu.memory_space<semaphore_mem>> -> memref<1x!tpu.dma_semaphore, #tpu.memory_space<semaphore_mem>>
    %dma_start3A_373 = tpu.memref_squeeze %dma_start3A_372 : memref<1x!tpu.dma_semaphore, #tpu.memory_space<semaphore_mem>> -> memref<!tpu.dma_semaphore, #tpu.memory_space<semaphore_mem>>
    tpu.enqueue_indirect_dma source(%dma_start3A_371 : memref<1000000xf32, #tpu.memory_space<hbm>>) target(%dma_start3A_364 : memref<512xf32, #tpu.memory_space<vmem>>) offsets(%dma_start3A_366 : memref<512xi32, #tpu.memory_space<vmem>>) semaphore(%dma_start3A_373 : memref<!tpu.dma_semaphore, #tpu.memory_space<semaphore_mem>>)
    %dma_start3A_374 = arith.constant 0 : i32
    %dma_start3A_375 = arith.constant 9 : i32
    %dma_start3A_376 = arith.constant 4608 : i32
    %dma_start3A_377 = tpu.memref_slice %arg7[%dma_start3A_376] : memref<13312xf32, #tpu.memory_space<vmem>> -> memref<512xf32, #tpu.memory_space<vmem>>
    %dma_start3A_378 = arith.constant 4608 : i32
    %dma_start3A_379 = tpu.memref_slice %arg6[%dma_start3A_378] : memref<13312xi32, #tpu.memory_space<vmem>> -> memref<512xi32, #tpu.memory_space<vmem>>
    %dma_start3A_380 = arith.constant 0 : i32
    %dma_start3A_381 = tpu.memref_slice %arg3[%dma_start3A_374, %dma_start3A_380] : memref<1x1000000xf32, #tpu.memory_space<hbm>> -> memref<1x1000000xf32, #tpu.memory_space<hbm>>
    %dma_start3A_382 = tpu.memref_squeeze %dma_start3A_381 : memref<1x1000000xf32, #tpu.memory_space<hbm>> -> memref<1000000xf32, #tpu.memory_space<hbm>>
    %dma_start3A_383 = arith.constant 0 : i32
    %dma_start3A_384 = tpu.memref_slice %dma_start3A_382[%dma_start3A_383] : memref<1000000xf32, #tpu.memory_space<hbm>> -> memref<1000000xf32, #tpu.memory_space<hbm>>
    %dma_start3A_385 = tpu.memref_slice %arg13[%dma_start3A_375] : memref<26x!tpu.dma_semaphore, #tpu.memory_space<semaphore_mem>> -> memref<1x!tpu.dma_semaphore, #tpu.memory_space<semaphore_mem>>
    %dma_start3A_386 = tpu.memref_squeeze %dma_start3A_385 : memref<1x!tpu.dma_semaphore, #tpu.memory_space<semaphore_mem>> -> memref<!tpu.dma_semaphore, #tpu.memory_space<semaphore_mem>>
    tpu.enqueue_indirect_dma source(%dma_start3A_384 : memref<1000000xf32, #tpu.memory_space<hbm>>) target(%dma_start3A_377 : memref<512xf32, #tpu.memory_space<vmem>>) offsets(%dma_start3A_379 : memref<512xi32, #tpu.memory_space<vmem>>) semaphore(%dma_start3A_386 : memref<!tpu.dma_semaphore, #tpu.memory_space<semaphore_mem>>)
    %dma_start3A_387 = arith.constant 0 : i32
    %dma_start3A_388 = arith.constant 10 : i32
    %dma_start3A_389 = arith.constant 5120 : i32
    %dma_start3A_390 = tpu.memref_slice %arg7[%dma_start3A_389] : memref<13312xf32, #tpu.memory_space<vmem>> -> memref<512xf32, #tpu.memory_space<vmem>>
    %dma_start3A_391 = arith.constant 5120 : i32
    %dma_start3A_392 = tpu.memref_slice %arg6[%dma_start3A_391] : memref<13312xi32, #tpu.memory_space<vmem>> -> memref<512xi32, #tpu.memory_space<vmem>>
    %dma_start3A_393 = arith.constant 0 : i32
    %dma_start3A_394 = tpu.memref_slice %arg3[%dma_start3A_387, %dma_start3A_393] : memref<1x1000000xf32, #tpu.memory_space<hbm>> -> memref<1x1000000xf32, #tpu.memory_space<hbm>>
    %dma_start3A_395 = tpu.memref_squeeze %dma_start3A_394 : memref<1x1000000xf32, #tpu.memory_space<hbm>> -> memref<1000000xf32, #tpu.memory_space<hbm>>
    %dma_start3A_396 = arith.constant 0 : i32
    %dma_start3A_397 = tpu.memref_slice %dma_start3A_395[%dma_start3A_396] : memref<1000000xf32, #tpu.memory_space<hbm>> -> memref<1000000xf32, #tpu.memory_space<hbm>>
    %dma_start3A_398 = tpu.memref_slice %arg13[%dma_start3A_388] : memref<26x!tpu.dma_semaphore, #tpu.memory_space<semaphore_mem>> -> memref<1x!tpu.dma_semaphore, #tpu.memory_space<semaphore_mem>>
    %dma_start3A_399 = tpu.memref_squeeze %dma_start3A_398 : memref<1x!tpu.dma_semaphore, #tpu.memory_space<semaphore_mem>> -> memref<!tpu.dma_semaphore, #tpu.memory_space<semaphore_mem>>
    tpu.enqueue_indirect_dma source(%dma_start3A_397 : memref<1000000xf32, #tpu.memory_space<hbm>>) target(%dma_start3A_390 : memref<512xf32, #tpu.memory_space<vmem>>) offsets(%dma_start3A_392 : memref<512xi32, #tpu.memory_space<vmem>>) semaphore(%dma_start3A_399 : memref<!tpu.dma_semaphore, #tpu.memory_space<semaphore_mem>>)
    %dma_start3A_400 = arith.constant 0 : i32
    %dma_start3A_401 = arith.constant 11 : i32
    %dma_start3A_402 = arith.constant 5632 : i32
    %dma_start3A_403 = tpu.memref_slice %arg7[%dma_start3A_402] : memref<13312xf32, #tpu.memory_space<vmem>> -> memref<512xf32, #tpu.memory_space<vmem>>
    %dma_start3A_404 = arith.constant 5632 : i32
    %dma_start3A_405 = tpu.memref_slice %arg6[%dma_start3A_404] : memref<13312xi32, #tpu.memory_space<vmem>> -> memref<512xi32, #tpu.memory_space<vmem>>
    %dma_start3A_406 = arith.constant 0 : i32
    %dma_start3A_407 = tpu.memref_slice %arg3[%dma_start3A_400, %dma_start3A_406] : memref<1x1000000xf32, #tpu.memory_space<hbm>> -> memref<1x1000000xf32, #tpu.memory_space<hbm>>
    %dma_start3A_408 = tpu.memref_squeeze %dma_start3A_407 : memref<1x1000000xf32, #tpu.memory_space<hbm>> -> memref<1000000xf32, #tpu.memory_space<hbm>>
    %dma_start3A_409 = arith.constant 0 : i32
    %dma_start3A_410 = tpu.memref_slice %dma_start3A_408[%dma_start3A_409] : memref<1000000xf32, #tpu.memory_space<hbm>> -> memref<1000000xf32, #tpu.memory_space<hbm>>
    %dma_start3A_411 = tpu.memref_slice %arg13[%dma_start3A_401] : memref<26x!tpu.dma_semaphore, #tpu.memory_space<semaphore_mem>> -> memref<1x!tpu.dma_semaphore, #tpu.memory_space<semaphore_mem>>
    %dma_start3A_412 = tpu.memref_squeeze %dma_start3A_411 : memref<1x!tpu.dma_semaphore, #tpu.memory_space<semaphore_mem>> -> memref<!tpu.dma_semaphore, #tpu.memory_space<semaphore_mem>>
    tpu.enqueue_indirect_dma source(%dma_start3A_410 : memref<1000000xf32, #tpu.memory_space<hbm>>) target(%dma_start3A_403 : memref<512xf32, #tpu.memory_space<vmem>>) offsets(%dma_start3A_405 : memref<512xi32, #tpu.memory_space<vmem>>) semaphore(%dma_start3A_412 : memref<!tpu.dma_semaphore, #tpu.memory_space<semaphore_mem>>)
    %dma_start3A_413 = arith.constant 0 : i32
    %dma_start3A_414 = arith.constant 12 : i32
    %dma_start3A_415 = arith.constant 6144 : i32
    %dma_start3A_416 = tpu.memref_slice %arg7[%dma_start3A_415] : memref<13312xf32, #tpu.memory_space<vmem>> -> memref<512xf32, #tpu.memory_space<vmem>>
    %dma_start3A_417 = arith.constant 6144 : i32
    %dma_start3A_418 = tpu.memref_slice %arg6[%dma_start3A_417] : memref<13312xi32, #tpu.memory_space<vmem>> -> memref<512xi32, #tpu.memory_space<vmem>>
    %dma_start3A_419 = arith.constant 0 : i32
    %dma_start3A_420 = tpu.memref_slice %arg3[%dma_start3A_413, %dma_start3A_419] : memref<1x1000000xf32, #tpu.memory_space<hbm>> -> memref<1x1000000xf32, #tpu.memory_space<hbm>>
    %dma_start3A_421 = tpu.memref_squeeze %dma_start3A_420 : memref<1x1000000xf32, #tpu.memory_space<hbm>> -> memref<1000000xf32, #tpu.memory_space<hbm>>
    %dma_start3A_422 = arith.constant 0 : i32
    %dma_start3A_423 = tpu.memref_slice %dma_start3A_421[%dma_start3A_422] : memref<1000000xf32, #tpu.memory_space<hbm>> -> memref<1000000xf32, #tpu.memory_space<hbm>>
    %dma_start3A_424 = tpu.memref_slice %arg13[%dma_start3A_414] : memref<26x!tpu.dma_semaphore, #tpu.memory_space<semaphore_mem>> -> memref<1x!tpu.dma_semaphore, #tpu.memory_space<semaphore_mem>>
    %dma_start3A_425 = tpu.memref_squeeze %dma_start3A_424 : memref<1x!tpu.dma_semaphore, #tpu.memory_space<semaphore_mem>> -> memref<!tpu.dma_semaphore, #tpu.memory_space<semaphore_mem>>
    tpu.enqueue_indirect_dma source(%dma_start3A_423 : memref<1000000xf32, #tpu.memory_space<hbm>>) target(%dma_start3A_416 : memref<512xf32, #tpu.memory_space<vmem>>) offsets(%dma_start3A_418 : memref<512xi32, #tpu.memory_space<vmem>>) semaphore(%dma_start3A_425 : memref<!tpu.dma_semaphore, #tpu.memory_space<semaphore_mem>>)
    %dma_start3A_426 = arith.constant 0 : i32
    %dma_start3A_427 = arith.constant 13 : i32
    %dma_start3A_428 = arith.constant 6656 : i32
    %dma_start3A_429 = tpu.memref_slice %arg7[%dma_start3A_428] : memref<13312xf32, #tpu.memory_space<vmem>> -> memref<512xf32, #tpu.memory_space<vmem>>
    %dma_start3A_430 = arith.constant 6656 : i32
    %dma_start3A_431 = tpu.memref_slice %arg6[%dma_start3A_430] : memref<13312xi32, #tpu.memory_space<vmem>> -> memref<512xi32, #tpu.memory_space<vmem>>
    %dma_start3A_432 = arith.constant 0 : i32
    %dma_start3A_433 = tpu.memref_slice %arg3[%dma_start3A_426, %dma_start3A_432] : memref<1x1000000xf32, #tpu.memory_space<hbm>> -> memref<1x1000000xf32, #tpu.memory_space<hbm>>
    %dma_start3A_434 = tpu.memref_squeeze %dma_start3A_433 : memref<1x1000000xf32, #tpu.memory_space<hbm>> -> memref<1000000xf32, #tpu.memory_space<hbm>>
    %dma_start3A_435 = arith.constant 0 : i32
    %dma_start3A_436 = tpu.memref_slice %dma_start3A_434[%dma_start3A_435] : memref<1000000xf32, #tpu.memory_space<hbm>> -> memref<1000000xf32, #tpu.memory_space<hbm>>
    %dma_start3A_437 = tpu.memref_slice %arg13[%dma_start3A_427] : memref<26x!tpu.dma_semaphore, #tpu.memory_space<semaphore_mem>> -> memref<1x!tpu.dma_semaphore, #tpu.memory_space<semaphore_mem>>
    %dma_start3A_438 = tpu.memref_squeeze %dma_start3A_437 : memref<1x!tpu.dma_semaphore, #tpu.memory_space<semaphore_mem>> -> memref<!tpu.dma_semaphore, #tpu.memory_space<semaphore_mem>>
    tpu.enqueue_indirect_dma source(%dma_start3A_436 : memref<1000000xf32, #tpu.memory_space<hbm>>) target(%dma_start3A_429 : memref<512xf32, #tpu.memory_space<vmem>>) offsets(%dma_start3A_431 : memref<512xi32, #tpu.memory_space<vmem>>) semaphore(%dma_start3A_438 : memref<!tpu.dma_semaphore, #tpu.memory_space<semaphore_mem>>)
    %dma_start3A_439 = arith.constant 0 : i32
    %dma_start3A_440 = arith.constant 14 : i32
    %dma_start3A_441 = arith.constant 7168 : i32
    %dma_start3A_442 = tpu.memref_slice %arg7[%dma_start3A_441] : memref<13312xf32, #tpu.memory_space<vmem>> -> memref<512xf32, #tpu.memory_space<vmem>>
    %dma_start3A_443 = arith.constant 7168 : i32
    %dma_start3A_444 = tpu.memref_slice %arg6[%dma_start3A_443] : memref<13312xi32, #tpu.memory_space<vmem>> -> memref<512xi32, #tpu.memory_space<vmem>>
    %dma_start3A_445 = arith.constant 0 : i32
    %dma_start3A_446 = tpu.memref_slice %arg3[%dma_start3A_439, %dma_start3A_445] : memref<1x1000000xf32, #tpu.memory_space<hbm>> -> memref<1x1000000xf32, #tpu.memory_space<hbm>>
    %dma_start3A_447 = tpu.memref_squeeze %dma_start3A_446 : memref<1x1000000xf32, #tpu.memory_space<hbm>> -> memref<1000000xf32, #tpu.memory_space<hbm>>
    %dma_start3A_448 = arith.constant 0 : i32
    %dma_start3A_449 = tpu.memref_slice %dma_start3A_447[%dma_start3A_448] : memref<1000000xf32, #tpu.memory_space<hbm>> -> memref<1000000xf32, #tpu.memory_space<hbm>>
    %dma_start3A_450 = tpu.memref_slice %arg13[%dma_start3A_440] : memref<26x!tpu.dma_semaphore, #tpu.memory_space<semaphore_mem>> -> memref<1x!tpu.dma_semaphore, #tpu.memory_space<semaphore_mem>>
    %dma_start3A_451 = tpu.memref_squeeze %dma_start3A_450 : memref<1x!tpu.dma_semaphore, #tpu.memory_space<semaphore_mem>> -> memref<!tpu.dma_semaphore, #tpu.memory_space<semaphore_mem>>
    tpu.enqueue_indirect_dma source(%dma_start3A_449 : memref<1000000xf32, #tpu.memory_space<hbm>>) target(%dma_start3A_442 : memref<512xf32, #tpu.memory_space<vmem>>) offsets(%dma_start3A_444 : memref<512xi32, #tpu.memory_space<vmem>>) semaphore(%dma_start3A_451 : memref<!tpu.dma_semaphore, #tpu.memory_space<semaphore_mem>>)
    %dma_start3A_452 = arith.constant 0 : i32
    %dma_start3A_453 = arith.constant 15 : i32
    %dma_start3A_454 = arith.constant 7680 : i32
    %dma_start3A_455 = tpu.memref_slice %arg7[%dma_start3A_454] : memref<13312xf32, #tpu.memory_space<vmem>> -> memref<512xf32, #tpu.memory_space<vmem>>
    %dma_start3A_456 = arith.constant 7680 : i32
    %dma_start3A_457 = tpu.memref_slice %arg6[%dma_start3A_456] : memref<13312xi32, #tpu.memory_space<vmem>> -> memref<512xi32, #tpu.memory_space<vmem>>
    %dma_start3A_458 = arith.constant 0 : i32
    %dma_start3A_459 = tpu.memref_slice %arg3[%dma_start3A_452, %dma_start3A_458] : memref<1x1000000xf32, #tpu.memory_space<hbm>> -> memref<1x1000000xf32, #tpu.memory_space<hbm>>
    %dma_start3A_460 = tpu.memref_squeeze %dma_start3A_459 : memref<1x1000000xf32, #tpu.memory_space<hbm>> -> memref<1000000xf32, #tpu.memory_space<hbm>>
    %dma_start3A_461 = arith.constant 0 : i32
    %dma_start3A_462 = tpu.memref_slice %dma_start3A_460[%dma_start3A_461] : memref<1000000xf32, #tpu.memory_space<hbm>> -> memref<1000000xf32, #tpu.memory_space<hbm>>
    %dma_start3A_463 = tpu.memref_slice %arg13[%dma_start3A_453] : memref<26x!tpu.dma_semaphore, #tpu.memory_space<semaphore_mem>> -> memref<1x!tpu.dma_semaphore, #tpu.memory_space<semaphore_mem>>
    %dma_start3A_464 = tpu.memref_squeeze %dma_start3A_463 : memref<1x!tpu.dma_semaphore, #tpu.memory_space<semaphore_mem>> -> memref<!tpu.dma_semaphore, #tpu.memory_space<semaphore_mem>>
    tpu.enqueue_indirect_dma source(%dma_start3A_462 : memref<1000000xf32, #tpu.memory_space<hbm>>) target(%dma_start3A_455 : memref<512xf32, #tpu.memory_space<vmem>>) offsets(%dma_start3A_457 : memref<512xi32, #tpu.memory_space<vmem>>) semaphore(%dma_start3A_464 : memref<!tpu.dma_semaphore, #tpu.memory_space<semaphore_mem>>)
    %dma_start3A_465 = arith.constant 0 : i32
    %dma_start3A_466 = arith.constant 16 : i32
    %dma_start3A_467 = arith.constant 8192 : i32
    %dma_start3A_468 = tpu.memref_slice %arg7[%dma_start3A_467] : memref<13312xf32, #tpu.memory_space<vmem>> -> memref<512xf32, #tpu.memory_space<vmem>>
    %dma_start3A_469 = arith.constant 8192 : i32
    %dma_start3A_470 = tpu.memref_slice %arg6[%dma_start3A_469] : memref<13312xi32, #tpu.memory_space<vmem>> -> memref<512xi32, #tpu.memory_space<vmem>>
    %dma_start3A_471 = arith.constant 0 : i32
    %dma_start3A_472 = tpu.memref_slice %arg3[%dma_start3A_465, %dma_start3A_471] : memref<1x1000000xf32, #tpu.memory_space<hbm>> -> memref<1x1000000xf32, #tpu.memory_space<hbm>>
    %dma_start3A_473 = tpu.memref_squeeze %dma_start3A_472 : memref<1x1000000xf32, #tpu.memory_space<hbm>> -> memref<1000000xf32, #tpu.memory_space<hbm>>
    %dma_start3A_474 = arith.constant 0 : i32
    %dma_start3A_475 = tpu.memref_slice %dma_start3A_473[%dma_start3A_474] : memref<1000000xf32, #tpu.memory_space<hbm>> -> memref<1000000xf32, #tpu.memory_space<hbm>>
    %dma_start3A_476 = tpu.memref_slice %arg13[%dma_start3A_466] : memref<26x!tpu.dma_semaphore, #tpu.memory_space<semaphore_mem>> -> memref<1x!tpu.dma_semaphore, #tpu.memory_space<semaphore_mem>>
    %dma_start3A_477 = tpu.memref_squeeze %dma_start3A_476 : memref<1x!tpu.dma_semaphore, #tpu.memory_space<semaphore_mem>> -> memref<!tpu.dma_semaphore, #tpu.memory_space<semaphore_mem>>
    tpu.enqueue_indirect_dma source(%dma_start3A_475 : memref<1000000xf32, #tpu.memory_space<hbm>>) target(%dma_start3A_468 : memref<512xf32, #tpu.memory_space<vmem>>) offsets(%dma_start3A_470 : memref<512xi32, #tpu.memory_space<vmem>>) semaphore(%dma_start3A_477 : memref<!tpu.dma_semaphore, #tpu.memory_space<semaphore_mem>>)
    %dma_start3A_478 = arith.constant 0 : i32
    %dma_start3A_479 = arith.constant 17 : i32
    %dma_start3A_480 = arith.constant 8704 : i32
    %dma_start3A_481 = tpu.memref_slice %arg7[%dma_start3A_480] : memref<13312xf32, #tpu.memory_space<vmem>> -> memref<512xf32, #tpu.memory_space<vmem>>
    %dma_start3A_482 = arith.constant 8704 : i32
    %dma_start3A_483 = tpu.memref_slice %arg6[%dma_start3A_482] : memref<13312xi32, #tpu.memory_space<vmem>> -> memref<512xi32, #tpu.memory_space<vmem>>
    %dma_start3A_484 = arith.constant 0 : i32
    %dma_start3A_485 = tpu.memref_slice %arg3[%dma_start3A_478, %dma_start3A_484] : memref<1x1000000xf32, #tpu.memory_space<hbm>> -> memref<1x1000000xf32, #tpu.memory_space<hbm>>
    %dma_start3A_486 = tpu.memref_squeeze %dma_start3A_485 : memref<1x1000000xf32, #tpu.memory_space<hbm>> -> memref<1000000xf32, #tpu.memory_space<hbm>>
    %dma_start3A_487 = arith.constant 0 : i32
    %dma_start3A_488 = tpu.memref_slice %dma_start3A_486[%dma_start3A_487] : memref<1000000xf32, #tpu.memory_space<hbm>> -> memref<1000000xf32, #tpu.memory_space<hbm>>
    %dma_start3A_489 = tpu.memref_slice %arg13[%dma_start3A_479] : memref<26x!tpu.dma_semaphore, #tpu.memory_space<semaphore_mem>> -> memref<1x!tpu.dma_semaphore, #tpu.memory_space<semaphore_mem>>
    %dma_start3A_490 = tpu.memref_squeeze %dma_start3A_489 : memref<1x!tpu.dma_semaphore, #tpu.memory_space<semaphore_mem>> -> memref<!tpu.dma_semaphore, #tpu.memory_space<semaphore_mem>>
    tpu.enqueue_indirect_dma source(%dma_start3A_488 : memref<1000000xf32, #tpu.memory_space<hbm>>) target(%dma_start3A_481 : memref<512xf32, #tpu.memory_space<vmem>>) offsets(%dma_start3A_483 : memref<512xi32, #tpu.memory_space<vmem>>) semaphore(%dma_start3A_490 : memref<!tpu.dma_semaphore, #tpu.memory_space<semaphore_mem>>)
    %dma_start3A_491 = arith.constant 0 : i32
    %dma_start3A_492 = arith.constant 18 : i32
    %dma_start3A_493 = arith.constant 9216 : i32
    %dma_start3A_494 = tpu.memref_slice %arg7[%dma_start3A_493] : memref<13312xf32, #tpu.memory_space<vmem>> -> memref<512xf32, #tpu.memory_space<vmem>>
    %dma_start3A_495 = arith.constant 9216 : i32
    %dma_start3A_496 = tpu.memref_slice %arg6[%dma_start3A_495] : memref<13312xi32, #tpu.memory_space<vmem>> -> memref<512xi32, #tpu.memory_space<vmem>>
    %dma_start3A_497 = arith.constant 0 : i32
    %dma_start3A_498 = tpu.memref_slice %arg3[%dma_start3A_491, %dma_start3A_497] : memref<1x1000000xf32, #tpu.memory_space<hbm>> -> memref<1x1000000xf32, #tpu.memory_space<hbm>>
    %dma_start3A_499 = tpu.memref_squeeze %dma_start3A_498 : memref<1x1000000xf32, #tpu.memory_space<hbm>> -> memref<1000000xf32, #tpu.memory_space<hbm>>
    %dma_start3A_500 = arith.constant 0 : i32
    %dma_start3A_501 = tpu.memref_slice %dma_start3A_499[%dma_start3A_500] : memref<1000000xf32, #tpu.memory_space<hbm>> -> memref<1000000xf32, #tpu.memory_space<hbm>>
    %dma_start3A_502 = tpu.memref_slice %arg13[%dma_start3A_492] : memref<26x!tpu.dma_semaphore, #tpu.memory_space<semaphore_mem>> -> memref<1x!tpu.dma_semaphore, #tpu.memory_space<semaphore_mem>>
    %dma_start3A_503 = tpu.memref_squeeze %dma_start3A_502 : memref<1x!tpu.dma_semaphore, #tpu.memory_space<semaphore_mem>> -> memref<!tpu.dma_semaphore, #tpu.memory_space<semaphore_mem>>
    tpu.enqueue_indirect_dma source(%dma_start3A_501 : memref<1000000xf32, #tpu.memory_space<hbm>>) target(%dma_start3A_494 : memref<512xf32, #tpu.memory_space<vmem>>) offsets(%dma_start3A_496 : memref<512xi32, #tpu.memory_space<vmem>>) semaphore(%dma_start3A_503 : memref<!tpu.dma_semaphore, #tpu.memory_space<semaphore_mem>>)
    %dma_start3A_504 = arith.constant 0 : i32
    %dma_start3A_505 = arith.constant 19 : i32
    %dma_start3A_506 = arith.constant 9728 : i32
    %dma_start3A_507 = tpu.memref_slice %arg7[%dma_start3A_506] : memref<13312xf32, #tpu.memory_space<vmem>> -> memref<512xf32, #tpu.memory_space<vmem>>
    %dma_start3A_508 = arith.constant 9728 : i32
    %dma_start3A_509 = tpu.memref_slice %arg6[%dma_start3A_508] : memref<13312xi32, #tpu.memory_space<vmem>> -> memref<512xi32, #tpu.memory_space<vmem>>
    %dma_start3A_510 = arith.constant 0 : i32
    %dma_start3A_511 = tpu.memref_slice %arg3[%dma_start3A_504, %dma_start3A_510] : memref<1x1000000xf32, #tpu.memory_space<hbm>> -> memref<1x1000000xf32, #tpu.memory_space<hbm>>
    %dma_start3A_512 = tpu.memref_squeeze %dma_start3A_511 : memref<1x1000000xf32, #tpu.memory_space<hbm>> -> memref<1000000xf32, #tpu.memory_space<hbm>>
    %dma_start3A_513 = arith.constant 0 : i32
    %dma_start3A_514 = tpu.memref_slice %dma_start3A_512[%dma_start3A_513] : memref<1000000xf32, #tpu.memory_space<hbm>> -> memref<1000000xf32, #tpu.memory_space<hbm>>
    %dma_start3A_515 = tpu.memref_slice %arg13[%dma_start3A_505] : memref<26x!tpu.dma_semaphore, #tpu.memory_space<semaphore_mem>> -> memref<1x!tpu.dma_semaphore, #tpu.memory_space<semaphore_mem>>
    %dma_start3A_516 = tpu.memref_squeeze %dma_start3A_515 : memref<1x!tpu.dma_semaphore, #tpu.memory_space<semaphore_mem>> -> memref<!tpu.dma_semaphore, #tpu.memory_space<semaphore_mem>>
    tpu.enqueue_indirect_dma source(%dma_start3A_514 : memref<1000000xf32, #tpu.memory_space<hbm>>) target(%dma_start3A_507 : memref<512xf32, #tpu.memory_space<vmem>>) offsets(%dma_start3A_509 : memref<512xi32, #tpu.memory_space<vmem>>) semaphore(%dma_start3A_516 : memref<!tpu.dma_semaphore, #tpu.memory_space<semaphore_mem>>)
    %dma_start3A_517 = arith.constant 0 : i32
    %dma_start3A_518 = arith.constant 20 : i32
    %dma_start3A_519 = arith.constant 10240 : i32
    %dma_start3A_520 = tpu.memref_slice %arg7[%dma_start3A_519] : memref<13312xf32, #tpu.memory_space<vmem>> -> memref<512xf32, #tpu.memory_space<vmem>>
    %dma_start3A_521 = arith.constant 10240 : i32
    %dma_start3A_522 = tpu.memref_slice %arg6[%dma_start3A_521] : memref<13312xi32, #tpu.memory_space<vmem>> -> memref<512xi32, #tpu.memory_space<vmem>>
    %dma_start3A_523 = arith.constant 0 : i32
    %dma_start3A_524 = tpu.memref_slice %arg3[%dma_start3A_517, %dma_start3A_523] : memref<1x1000000xf32, #tpu.memory_space<hbm>> -> memref<1x1000000xf32, #tpu.memory_space<hbm>>
    %dma_start3A_525 = tpu.memref_squeeze %dma_start3A_524 : memref<1x1000000xf32, #tpu.memory_space<hbm>> -> memref<1000000xf32, #tpu.memory_space<hbm>>
    %dma_start3A_526 = arith.constant 0 : i32
    %dma_start3A_527 = tpu.memref_slice %dma_start3A_525[%dma_start3A_526] : memref<1000000xf32, #tpu.memory_space<hbm>> -> memref<1000000xf32, #tpu.memory_space<hbm>>
    %dma_start3A_528 = tpu.memref_slice %arg13[%dma_start3A_518] : memref<26x!tpu.dma_semaphore, #tpu.memory_space<semaphore_mem>> -> memref<1x!tpu.dma_semaphore, #tpu.memory_space<semaphore_mem>>
    %dma_start3A_529 = tpu.memref_squeeze %dma_start3A_528 : memref<1x!tpu.dma_semaphore, #tpu.memory_space<semaphore_mem>> -> memref<!tpu.dma_semaphore, #tpu.memory_space<semaphore_mem>>
    tpu.enqueue_indirect_dma source(%dma_start3A_527 : memref<1000000xf32, #tpu.memory_space<hbm>>) target(%dma_start3A_520 : memref<512xf32, #tpu.memory_space<vmem>>) offsets(%dma_start3A_522 : memref<512xi32, #tpu.memory_space<vmem>>) semaphore(%dma_start3A_529 : memref<!tpu.dma_semaphore, #tpu.memory_space<semaphore_mem>>)
    %dma_start3A_530 = arith.constant 0 : i32
    %dma_start3A_531 = arith.constant 21 : i32
    %dma_start3A_532 = arith.constant 10752 : i32
    %dma_start3A_533 = tpu.memref_slice %arg7[%dma_start3A_532] : memref<13312xf32, #tpu.memory_space<vmem>> -> memref<512xf32, #tpu.memory_space<vmem>>
    %dma_start3A_534 = arith.constant 10752 : i32
    %dma_start3A_535 = tpu.memref_slice %arg6[%dma_start3A_534] : memref<13312xi32, #tpu.memory_space<vmem>> -> memref<512xi32, #tpu.memory_space<vmem>>
    %dma_start3A_536 = arith.constant 0 : i32
    %dma_start3A_537 = tpu.memref_slice %arg3[%dma_start3A_530, %dma_start3A_536] : memref<1x1000000xf32, #tpu.memory_space<hbm>> -> memref<1x1000000xf32, #tpu.memory_space<hbm>>
    %dma_start3A_538 = tpu.memref_squeeze %dma_start3A_537 : memref<1x1000000xf32, #tpu.memory_space<hbm>> -> memref<1000000xf32, #tpu.memory_space<hbm>>
    %dma_start3A_539 = arith.constant 0 : i32
    %dma_start3A_540 = tpu.memref_slice %dma_start3A_538[%dma_start3A_539] : memref<1000000xf32, #tpu.memory_space<hbm>> -> memref<1000000xf32, #tpu.memory_space<hbm>>
    %dma_start3A_541 = tpu.memref_slice %arg13[%dma_start3A_531] : memref<26x!tpu.dma_semaphore, #tpu.memory_space<semaphore_mem>> -> memref<1x!tpu.dma_semaphore, #tpu.memory_space<semaphore_mem>>
    %dma_start3A_542 = tpu.memref_squeeze %dma_start3A_541 : memref<1x!tpu.dma_semaphore, #tpu.memory_space<semaphore_mem>> -> memref<!tpu.dma_semaphore, #tpu.memory_space<semaphore_mem>>
    tpu.enqueue_indirect_dma source(%dma_start3A_540 : memref<1000000xf32, #tpu.memory_space<hbm>>) target(%dma_start3A_533 : memref<512xf32, #tpu.memory_space<vmem>>) offsets(%dma_start3A_535 : memref<512xi32, #tpu.memory_space<vmem>>) semaphore(%dma_start3A_542 : memref<!tpu.dma_semaphore, #tpu.memory_space<semaphore_mem>>)
    %dma_start3A_543 = arith.constant 0 : i32
    %dma_start3A_544 = arith.constant 22 : i32
    %dma_start3A_545 = arith.constant 11264 : i32
    %dma_start3A_546 = tpu.memref_slice %arg7[%dma_start3A_545] : memref<13312xf32, #tpu.memory_space<vmem>> -> memref<512xf32, #tpu.memory_space<vmem>>
    %dma_start3A_547 = arith.constant 11264 : i32
    %dma_start3A_548 = tpu.memref_slice %arg6[%dma_start3A_547] : memref<13312xi32, #tpu.memory_space<vmem>> -> memref<512xi32, #tpu.memory_space<vmem>>
    %dma_start3A_549 = arith.constant 0 : i32
    %dma_start3A_550 = tpu.memref_slice %arg3[%dma_start3A_543, %dma_start3A_549] : memref<1x1000000xf32, #tpu.memory_space<hbm>> -> memref<1x1000000xf32, #tpu.memory_space<hbm>>
    %dma_start3A_551 = tpu.memref_squeeze %dma_start3A_550 : memref<1x1000000xf32, #tpu.memory_space<hbm>> -> memref<1000000xf32, #tpu.memory_space<hbm>>
    %dma_start3A_552 = arith.constant 0 : i32
    %dma_start3A_553 = tpu.memref_slice %dma_start3A_551[%dma_start3A_552] : memref<1000000xf32, #tpu.memory_space<hbm>> -> memref<1000000xf32, #tpu.memory_space<hbm>>
    %dma_start3A_554 = tpu.memref_slice %arg13[%dma_start3A_544] : memref<26x!tpu.dma_semaphore, #tpu.memory_space<semaphore_mem>> -> memref<1x!tpu.dma_semaphore, #tpu.memory_space<semaphore_mem>>
    %dma_start3A_555 = tpu.memref_squeeze %dma_start3A_554 : memref<1x!tpu.dma_semaphore, #tpu.memory_space<semaphore_mem>> -> memref<!tpu.dma_semaphore, #tpu.memory_space<semaphore_mem>>
    tpu.enqueue_indirect_dma source(%dma_start3A_553 : memref<1000000xf32, #tpu.memory_space<hbm>>) target(%dma_start3A_546 : memref<512xf32, #tpu.memory_space<vmem>>) offsets(%dma_start3A_548 : memref<512xi32, #tpu.memory_space<vmem>>) semaphore(%dma_start3A_555 : memref<!tpu.dma_semaphore, #tpu.memory_space<semaphore_mem>>)
    %dma_start3A_556 = arith.constant 0 : i32
    %dma_start3A_557 = arith.constant 23 : i32
    %dma_start3A_558 = arith.constant 11776 : i32
    %dma_start3A_559 = tpu.memref_slice %arg7[%dma_start3A_558] : memref<13312xf32, #tpu.memory_space<vmem>> -> memref<512xf32, #tpu.memory_space<vmem>>
    %dma_start3A_560 = arith.constant 11776 : i32
    %dma_start3A_561 = tpu.memref_slice %arg6[%dma_start3A_560] : memref<13312xi32, #tpu.memory_space<vmem>> -> memref<512xi32, #tpu.memory_space<vmem>>
    %dma_start3A_562 = arith.constant 0 : i32
    %dma_start3A_563 = tpu.memref_slice %arg3[%dma_start3A_556, %dma_start3A_562] : memref<1x1000000xf32, #tpu.memory_space<hbm>> -> memref<1x1000000xf32, #tpu.memory_space<hbm>>
    %dma_start3A_564 = tpu.memref_squeeze %dma_start3A_563 : memref<1x1000000xf32, #tpu.memory_space<hbm>> -> memref<1000000xf32, #tpu.memory_space<hbm>>
    %dma_start3A_565 = arith.constant 0 : i32
    %dma_start3A_566 = tpu.memref_slice %dma_start3A_564[%dma_start3A_565] : memref<1000000xf32, #tpu.memory_space<hbm>> -> memref<1000000xf32, #tpu.memory_space<hbm>>
    %dma_start3A_567 = tpu.memref_slice %arg13[%dma_start3A_557] : memref<26x!tpu.dma_semaphore, #tpu.memory_space<semaphore_mem>> -> memref<1x!tpu.dma_semaphore, #tpu.memory_space<semaphore_mem>>
    %dma_start3A_568 = tpu.memref_squeeze %dma_start3A_567 : memref<1x!tpu.dma_semaphore, #tpu.memory_space<semaphore_mem>> -> memref<!tpu.dma_semaphore, #tpu.memory_space<semaphore_mem>>
    tpu.enqueue_indirect_dma source(%dma_start3A_566 : memref<1000000xf32, #tpu.memory_space<hbm>>) target(%dma_start3A_559 : memref<512xf32, #tpu.memory_space<vmem>>) offsets(%dma_start3A_561 : memref<512xi32, #tpu.memory_space<vmem>>) semaphore(%dma_start3A_568 : memref<!tpu.dma_semaphore, #tpu.memory_space<semaphore_mem>>)
    %dma_start3A_569 = arith.constant 0 : i32
    %dma_start3A_570 = arith.constant 24 : i32
    %dma_start3A_571 = arith.constant 12288 : i32
    %dma_start3A_572 = tpu.memref_slice %arg7[%dma_start3A_571] : memref<13312xf32, #tpu.memory_space<vmem>> -> memref<512xf32, #tpu.memory_space<vmem>>
    %dma_start3A_573 = arith.constant 12288 : i32
    %dma_start3A_574 = tpu.memref_slice %arg6[%dma_start3A_573] : memref<13312xi32, #tpu.memory_space<vmem>> -> memref<512xi32, #tpu.memory_space<vmem>>
    %dma_start3A_575 = arith.constant 0 : i32
    %dma_start3A_576 = tpu.memref_slice %arg3[%dma_start3A_569, %dma_start3A_575] : memref<1x1000000xf32, #tpu.memory_space<hbm>> -> memref<1x1000000xf32, #tpu.memory_space<hbm>>
    %dma_start3A_577 = tpu.memref_squeeze %dma_start3A_576 : memref<1x1000000xf32, #tpu.memory_space<hbm>> -> memref<1000000xf32, #tpu.memory_space<hbm>>
    %dma_start3A_578 = arith.constant 0 : i32
    %dma_start3A_579 = tpu.memref_slice %dma_start3A_577[%dma_start3A_578] : memref<1000000xf32, #tpu.memory_space<hbm>> -> memref<1000000xf32, #tpu.memory_space<hbm>>
    %dma_start3A_580 = tpu.memref_slice %arg13[%dma_start3A_570] : memref<26x!tpu.dma_semaphore, #tpu.memory_space<semaphore_mem>> -> memref<1x!tpu.dma_semaphore, #tpu.memory_space<semaphore_mem>>
    %dma_start3A_581 = tpu.memref_squeeze %dma_start3A_580 : memref<1x!tpu.dma_semaphore, #tpu.memory_space<semaphore_mem>> -> memref<!tpu.dma_semaphore, #tpu.memory_space<semaphore_mem>>
    tpu.enqueue_indirect_dma source(%dma_start3A_579 : memref<1000000xf32, #tpu.memory_space<hbm>>) target(%dma_start3A_572 : memref<512xf32, #tpu.memory_space<vmem>>) offsets(%dma_start3A_574 : memref<512xi32, #tpu.memory_space<vmem>>) semaphore(%dma_start3A_581 : memref<!tpu.dma_semaphore, #tpu.memory_space<semaphore_mem>>)
    %dma_start3A_582 = arith.constant 0 : i32
    %dma_start3A_583 = arith.constant 25 : i32
    %dma_start3A_584 = arith.constant 12800 : i32
    %dma_start3A_585 = tpu.memref_slice %arg7[%dma_start3A_584] : memref<13312xf32, #tpu.memory_space<vmem>> -> memref<512xf32, #tpu.memory_space<vmem>>
    %dma_start3A_586 = arith.constant 12800 : i32
    %dma_start3A_587 = tpu.memref_slice %arg6[%dma_start3A_586] : memref<13312xi32, #tpu.memory_space<vmem>> -> memref<512xi32, #tpu.memory_space<vmem>>
    %dma_start3A_588 = arith.constant 0 : i32
    %dma_start3A_589 = tpu.memref_slice %arg3[%dma_start3A_582, %dma_start3A_588] : memref<1x1000000xf32, #tpu.memory_space<hbm>> -> memref<1x1000000xf32, #tpu.memory_space<hbm>>
    %dma_start3A_590 = tpu.memref_squeeze %dma_start3A_589 : memref<1x1000000xf32, #tpu.memory_space<hbm>> -> memref<1000000xf32, #tpu.memory_space<hbm>>
    %dma_start3A_591 = arith.constant 0 : i32
    %dma_start3A_592 = tpu.memref_slice %dma_start3A_590[%dma_start3A_591] : memref<1000000xf32, #tpu.memory_space<hbm>> -> memref<1000000xf32, #tpu.memory_space<hbm>>
    %dma_start3A_593 = tpu.memref_slice %arg13[%dma_start3A_583] : memref<26x!tpu.dma_semaphore, #tpu.memory_space<semaphore_mem>> -> memref<1x!tpu.dma_semaphore, #tpu.memory_space<semaphore_mem>>
    %dma_start3A_594 = tpu.memref_squeeze %dma_start3A_593 : memref<1x!tpu.dma_semaphore, #tpu.memory_space<semaphore_mem>> -> memref<!tpu.dma_semaphore, #tpu.memory_space<semaphore_mem>>
    tpu.enqueue_indirect_dma source(%dma_start3A_592 : memref<1000000xf32, #tpu.memory_space<hbm>>) target(%dma_start3A_585 : memref<512xf32, #tpu.memory_space<vmem>>) offsets(%dma_start3A_587 : memref<512xi32, #tpu.memory_space<vmem>>) semaphore(%dma_start3A_594 : memref<!tpu.dma_semaphore, #tpu.memory_space<semaphore_mem>>)
    tpu.wait_dma2 semaphore(%arg14 : memref<!tpu.dma_semaphore, #tpu.memory_space<semaphore_mem>>) src(%arg4 : memref<16xf32, #tpu.memory_space<hbm>>) dst(%arg10 : memref<16xf32, #tpu.memory_space<vmem>>)
    %get3A = arith.constant 0 : index
    %get3A_595 = tpu.vector_load %arg10[%get3A] {strides = array<i32>} : memref<16xf32, #tpu.memory_space<vmem>>, vector<16xf32>,
    %dma_wait3A_596 = arith.constant 0 : i32
    %dma_wait3A_597 = arith.constant 0 : i32
    %dma_wait3A_598 = arith.constant 0 : i32
    %dma_wait3A_599 = tpu.memref_slice %arg7[%dma_wait3A_598] : memref<13312xf32, #tpu.memory_space<vmem>> -> memref<512xf32, #tpu.memory_space<vmem>>
    %dma_wait3A_600 = arith.constant 0 : i32
    %dma_wait3A_601 = tpu.memref_slice %arg6[%dma_wait3A_600] : memref<13312xi32, #tpu.memory_space<vmem>> -> memref<512xi32, #tpu.memory_space<vmem>>
    %dma_wait3A_602 = arith.constant 0 : i32
    %dma_wait3A_603 = tpu.memref_slice %arg3[%dma_wait3A_596, %dma_wait3A_602] : memref<1x1000000xf32, #tpu.memory_space<hbm>> -> memref<1x1000000xf32, #tpu.memory_space<hbm>>
    %dma_wait3A_604 = tpu.memref_squeeze %dma_wait3A_603 : memref<1x1000000xf32, #tpu.memory_space<hbm>> -> memref<1000000xf32, #tpu.memory_space<hbm>>
    %dma_wait3A_605 = arith.constant 0 : i32
    %dma_wait3A_606 = tpu.memref_slice %dma_wait3A_604[%dma_wait3A_605] : memref<1000000xf32, #tpu.memory_space<hbm>> -> memref<1000000xf32, #tpu.memory_space<hbm>>
    %dma_wait3A_607 = tpu.memref_slice %arg13[%dma_wait3A_597] : memref<26x!tpu.dma_semaphore, #tpu.memory_space<semaphore_mem>> -> memref<1x!tpu.dma_semaphore, #tpu.memory_space<semaphore_mem>>
    %dma_wait3A_608 = tpu.memref_squeeze %dma_wait3A_607 : memref<1x!tpu.dma_semaphore, #tpu.memory_space<semaphore_mem>> -> memref<!tpu.dma_semaphore, #tpu.memory_space<semaphore_mem>>
    tpu.wait_indirect_dma semaphore(%dma_wait3A_608 : memref<!tpu.dma_semaphore, #tpu.memory_space<semaphore_mem>>) src(%dma_wait3A_606 : memref<1000000xf32, #tpu.memory_space<hbm>>) dst(%dma_wait3A_599 : memref<512xf32, #tpu.memory_space<vmem>>)
    %scan3A = arith.constant 0 : i32
    %scan3A_609 = arith.constant 0 : i32
    %scan3A_610 = arith.constant 32 : i32
    %scan3A_611 = arith.addi %scan3A_609, %scan3A_610 : i32
    %scan3A_612 = arith.constant 1 : i32
    scf.for %scan3A_1095 = %scan3A_609 to %scan3A_611 step %scan3A_612  : i32 {
      %mul3A_1096 = arith.constant 16 : i32
      %mul3A_1097 = arith.muli %scan3A_1095, %mul3A_1096 : i32
      %multiple_of3A = tpu.assume_multiple %mul3A_1097, 16 : i32
      %get3A_1098 = arith.index_cast %multiple_of3A : i32 to index
      %get3A_1099 = tpu.vector_load %arg7[%get3A_1098] {strides = array<i32>} : memref<13312xf32, #tpu.memory_space<vmem>>, vector<16xf32>,
      %add3A_1100 = arith.addf %get3A_595, %get3A_1099 : vector<16xf32>
      %swap3A = arith.index_cast %multiple_of3A : i32 to index
      %swap3A_1101 = tpu.vector_load %arg8[%swap3A] {strides = array<i32>} : memref<512xf32, #tpu.memory_space<vmem>>, vector<16xf32>,
      tpu.vector_store %arg8[%swap3A], %add3A_1100 {strides = array<i32>} : memref<512xf32, #tpu.memory_space<vmem>>, vector<16xf32>,
    }
    %scan3A_613 = arith.constant 32 : i32
    %dma_wait3A_614 = arith.constant 0 : i32
    %dma_wait3A_615 = arith.constant 1 : i32
    %dma_wait3A_616 = arith.constant 512 : i32
    %dma_wait3A_617 = tpu.memref_slice %arg7[%dma_wait3A_616] : memref<13312xf32, #tpu.memory_space<vmem>> -> memref<512xf32, #tpu.memory_space<vmem>>
    %dma_wait3A_618 = arith.constant 512 : i32
    %dma_wait3A_619 = tpu.memref_slice %arg6[%dma_wait3A_618] : memref<13312xi32, #tpu.memory_space<vmem>> -> memref<512xi32, #tpu.memory_space<vmem>>
    %dma_wait3A_620 = arith.constant 0 : i32
    %dma_wait3A_621 = tpu.memref_slice %arg3[%dma_wait3A_614, %dma_wait3A_620] : memref<1x1000000xf32, #tpu.memory_space<hbm>> -> memref<1x1000000xf32, #tpu.memory_space<hbm>>
    %dma_wait3A_622 = tpu.memref_squeeze %dma_wait3A_621 : memref<1x1000000xf32, #tpu.memory_space<hbm>> -> memref<1000000xf32, #tpu.memory_space<hbm>>
    %dma_wait3A_623 = arith.constant 0 : i32
    %dma_wait3A_624 = tpu.memref_slice %dma_wait3A_622[%dma_wait3A_623] : memref<1000000xf32, #tpu.memory_space<hbm>> -> memref<1000000xf32, #tpu.memory_space<hbm>>
    %dma_wait3A_625 = tpu.memref_slice %arg13[%dma_wait3A_615] : memref<26x!tpu.dma_semaphore, #tpu.memory_space<semaphore_mem>> -> memref<1x!tpu.dma_semaphore, #tpu.memory_space<semaphore_mem>>
    %dma_wait3A_626 = tpu.memref_squeeze %dma_wait3A_625 : memref<1x!tpu.dma_semaphore, #tpu.memory_space<semaphore_mem>> -> memref<!tpu.dma_semaphore, #tpu.memory_space<semaphore_mem>>
    tpu.wait_indirect_dma semaphore(%dma_wait3A_626 : memref<!tpu.dma_semaphore, #tpu.memory_space<semaphore_mem>>) src(%dma_wait3A_624 : memref<1000000xf32, #tpu.memory_space<hbm>>) dst(%dma_wait3A_617 : memref<512xf32, #tpu.memory_space<vmem>>)
    %scan3A_627 = arith.constant 0 : i32
    %scan3A_628 = arith.constant 0 : i32
    %scan3A_629 = arith.constant 32 : i32
    %scan3A_630 = arith.addi %scan3A_628, %scan3A_629 : i32
    %scan3A_631 = arith.constant 1 : i32
    scf.for %scan3A_1095 = %scan3A_628 to %scan3A_630 step %scan3A_631  : i32 {
      %mul3A_1096 = arith.constant 16 : i32
      %mul3A_1097 = arith.muli %scan3A_1095, %mul3A_1096 : i32
      %multiple_of3A = tpu.assume_multiple %mul3A_1097, 16 : i32
      %add3A_1098 = arith.constant 512 : i32
      %add3A_1099 = arith.addi %add3A_1098, %multiple_of3A : i32
      %get3A_1100 = arith.index_cast %add3A_1099 : i32 to index
      %get3A_1101 = tpu.vector_load %arg7[%get3A_1100] {strides = array<i32>} : memref<13312xf32, #tpu.memory_space<vmem>>, vector<16xf32>,
      %swap3A = arith.index_cast %multiple_of3A : i32 to index
      %swap3A_1102 = tpu.vector_load %arg8[%swap3A] {strides = array<i32>} : memref<512xf32, #tpu.memory_space<vmem>>, vector<16xf32>,
      tpu.vector_store %arg8[%swap3A], %get3A_1101 {add = true, strides = array<i32>} : memref<512xf32, #tpu.memory_space<vmem>>, vector<16xf32>,
    }
    %scan3A_632 = arith.constant 32 : i32
    %dma_wait3A_633 = arith.constant 0 : i32
    %dma_wait3A_634 = arith.constant 2 : i32
    %dma_wait3A_635 = arith.constant 1024 : i32
    %dma_wait3A_636 = tpu.memref_slice %arg7[%dma_wait3A_635] : memref<13312xf32, #tpu.memory_space<vmem>> -> memref<512xf32, #tpu.memory_space<vmem>>
    %dma_wait3A_637 = arith.constant 1024 : i32
    %dma_wait3A_638 = tpu.memref_slice %arg6[%dma_wait3A_637] : memref<13312xi32, #tpu.memory_space<vmem>> -> memref<512xi32, #tpu.memory_space<vmem>>
    %dma_wait3A_639 = arith.constant 0 : i32
    %dma_wait3A_640 = tpu.memref_slice %arg3[%dma_wait3A_633, %dma_wait3A_639] : memref<1x1000000xf32, #tpu.memory_space<hbm>> -> memref<1x1000000xf32, #tpu.memory_space<hbm>>
    %dma_wait3A_641 = tpu.memref_squeeze %dma_wait3A_640 : memref<1x1000000xf32, #tpu.memory_space<hbm>> -> memref<1000000xf32, #tpu.memory_space<hbm>>
    %dma_wait3A_642 = arith.constant 0 : i32
    %dma_wait3A_643 = tpu.memref_slice %dma_wait3A_641[%dma_wait3A_642] : memref<1000000xf32, #tpu.memory_space<hbm>> -> memref<1000000xf32, #tpu.memory_space<hbm>>
    %dma_wait3A_644 = tpu.memref_slice %arg13[%dma_wait3A_634] : memref<26x!tpu.dma_semaphore, #tpu.memory_space<semaphore_mem>> -> memref<1x!tpu.dma_semaphore, #tpu.memory_space<semaphore_mem>>
    %dma_wait3A_645 = tpu.memref_squeeze %dma_wait3A_644 : memref<1x!tpu.dma_semaphore, #tpu.memory_space<semaphore_mem>> -> memref<!tpu.dma_semaphore, #tpu.memory_space<semaphore_mem>>
    tpu.wait_indirect_dma semaphore(%dma_wait3A_645 : memref<!tpu.dma_semaphore, #tpu.memory_space<semaphore_mem>>) src(%dma_wait3A_643 : memref<1000000xf32, #tpu.memory_space<hbm>>) dst(%dma_wait3A_636 : memref<512xf32, #tpu.memory_space<vmem>>)
    %scan3A_646 = arith.constant 0 : i32
    %scan3A_647 = arith.constant 0 : i32
    %scan3A_648 = arith.constant 32 : i32
    %scan3A_649 = arith.addi %scan3A_647, %scan3A_648 : i32
    %scan3A_650 = arith.constant 1 : i32
    scf.for %scan3A_1095 = %scan3A_647 to %scan3A_649 step %scan3A_650  : i32 {
      %mul3A_1096 = arith.constant 16 : i32
      %mul3A_1097 = arith.muli %scan3A_1095, %mul3A_1096 : i32
      %multiple_of3A = tpu.assume_multiple %mul3A_1097, 16 : i32
      %add3A_1098 = arith.constant 1024 : i32
      %add3A_1099 = arith.addi %add3A_1098, %multiple_of3A : i32
      %get3A_1100 = arith.index_cast %add3A_1099 : i32 to index
      %get3A_1101 = tpu.vector_load %arg7[%get3A_1100] {strides = array<i32>} : memref<13312xf32, #tpu.memory_space<vmem>>, vector<16xf32>,
      %swap3A = arith.index_cast %multiple_of3A : i32 to index
      %swap3A_1102 = tpu.vector_load %arg8[%swap3A] {strides = array<i32>} : memref<512xf32, #tpu.memory_space<vmem>>, vector<16xf32>,
      tpu.vector_store %arg8[%swap3A], %get3A_1101 {add = true, strides = array<i32>} : memref<512xf32, #tpu.memory_space<vmem>>, vector<16xf32>,
    }
    %scan3A_651 = arith.constant 32 : i32
    %dma_wait3A_652 = arith.constant 0 : i32
    %dma_wait3A_653 = arith.constant 3 : i32
    %dma_wait3A_654 = arith.constant 1536 : i32
    %dma_wait3A_655 = tpu.memref_slice %arg7[%dma_wait3A_654] : memref<13312xf32, #tpu.memory_space<vmem>> -> memref<512xf32, #tpu.memory_space<vmem>>
    %dma_wait3A_656 = arith.constant 1536 : i32
    %dma_wait3A_657 = tpu.memref_slice %arg6[%dma_wait3A_656] : memref<13312xi32, #tpu.memory_space<vmem>> -> memref<512xi32, #tpu.memory_space<vmem>>
    %dma_wait3A_658 = arith.constant 0 : i32
    %dma_wait3A_659 = tpu.memref_slice %arg3[%dma_wait3A_652, %dma_wait3A_658] : memref<1x1000000xf32, #tpu.memory_space<hbm>> -> memref<1x1000000xf32, #tpu.memory_space<hbm>>
    %dma_wait3A_660 = tpu.memref_squeeze %dma_wait3A_659 : memref<1x1000000xf32, #tpu.memory_space<hbm>> -> memref<1000000xf32, #tpu.memory_space<hbm>>
    %dma_wait3A_661 = arith.constant 0 : i32
    %dma_wait3A_662 = tpu.memref_slice %dma_wait3A_660[%dma_wait3A_661] : memref<1000000xf32, #tpu.memory_space<hbm>> -> memref<1000000xf32, #tpu.memory_space<hbm>>
    %dma_wait3A_663 = tpu.memref_slice %arg13[%dma_wait3A_653] : memref<26x!tpu.dma_semaphore, #tpu.memory_space<semaphore_mem>> -> memref<1x!tpu.dma_semaphore, #tpu.memory_space<semaphore_mem>>
    %dma_wait3A_664 = tpu.memref_squeeze %dma_wait3A_663 : memref<1x!tpu.dma_semaphore, #tpu.memory_space<semaphore_mem>> -> memref<!tpu.dma_semaphore, #tpu.memory_space<semaphore_mem>>
    tpu.wait_indirect_dma semaphore(%dma_wait3A_664 : memref<!tpu.dma_semaphore, #tpu.memory_space<semaphore_mem>>) src(%dma_wait3A_662 : memref<1000000xf32, #tpu.memory_space<hbm>>) dst(%dma_wait3A_655 : memref<512xf32, #tpu.memory_space<vmem>>)
    %scan3A_665 = arith.constant 0 : i32
    %scan3A_666 = arith.constant 0 : i32
    %scan3A_667 = arith.constant 32 : i32
    %scan3A_668 = arith.addi %scan3A_666, %scan3A_667 : i32
    %scan3A_669 = arith.constant 1 : i32
    scf.for %scan3A_1095 = %scan3A_666 to %scan3A_668 step %scan3A_669  : i32 {
      %mul3A_1096 = arith.constant 16 : i32
      %mul3A_1097 = arith.muli %scan3A_1095, %mul3A_1096 : i32
      %multiple_of3A = tpu.assume_multiple %mul3A_1097, 16 : i32
      %add3A_1098 = arith.constant 1536 : i32
      %add3A_1099 = arith.addi %add3A_1098, %multiple_of3A : i32
      %get3A_1100 = arith.index_cast %add3A_1099 : i32 to index
      %get3A_1101 = tpu.vector_load %arg7[%get3A_1100] {strides = array<i32>} : memref<13312xf32, #tpu.memory_space<vmem>>, vector<16xf32>,
      %swap3A = arith.index_cast %multiple_of3A : i32 to index
      %swap3A_1102 = tpu.vector_load %arg8[%swap3A] {strides = array<i32>} : memref<512xf32, #tpu.memory_space<vmem>>, vector<16xf32>,
      tpu.vector_store %arg8[%swap3A], %get3A_1101 {add = true, strides = array<i32>} : memref<512xf32, #tpu.memory_space<vmem>>, vector<16xf32>,
    }
    %scan3A_670 = arith.constant 32 : i32
    %dma_wait3A_671 = arith.constant 0 : i32
    %dma_wait3A_672 = arith.constant 4 : i32
    %dma_wait3A_673 = arith.constant 2048 : i32
    %dma_wait3A_674 = tpu.memref_slice %arg7[%dma_wait3A_673] : memref<13312xf32, #tpu.memory_space<vmem>> -> memref<512xf32, #tpu.memory_space<vmem>>
    %dma_wait3A_675 = arith.constant 2048 : i32
    %dma_wait3A_676 = tpu.memref_slice %arg6[%dma_wait3A_675] : memref<13312xi32, #tpu.memory_space<vmem>> -> memref<512xi32, #tpu.memory_space<vmem>>
    %dma_wait3A_677 = arith.constant 0 : i32
    %dma_wait3A_678 = tpu.memref_slice %arg3[%dma_wait3A_671, %dma_wait3A_677] : memref<1x1000000xf32, #tpu.memory_space<hbm>> -> memref<1x1000000xf32, #tpu.memory_space<hbm>>
    %dma_wait3A_679 = tpu.memref_squeeze %dma_wait3A_678 : memref<1x1000000xf32, #tpu.memory_space<hbm>> -> memref<1000000xf32, #tpu.memory_space<hbm>>
    %dma_wait3A_680 = arith.constant 0 : i32
    %dma_wait3A_681 = tpu.memref_slice %dma_wait3A_679[%dma_wait3A_680] : memref<1000000xf32, #tpu.memory_space<hbm>> -> memref<1000000xf32, #tpu.memory_space<hbm>>
    %dma_wait3A_682 = tpu.memref_slice %arg13[%dma_wait3A_672] : memref<26x!tpu.dma_semaphore, #tpu.memory_space<semaphore_mem>> -> memref<1x!tpu.dma_semaphore, #tpu.memory_space<semaphore_mem>>
    %dma_wait3A_683 = tpu.memref_squeeze %dma_wait3A_682 : memref<1x!tpu.dma_semaphore, #tpu.memory_space<semaphore_mem>> -> memref<!tpu.dma_semaphore, #tpu.memory_space<semaphore_mem>>
    tpu.wait_indirect_dma semaphore(%dma_wait3A_683 : memref<!tpu.dma_semaphore, #tpu.memory_space<semaphore_mem>>) src(%dma_wait3A_681 : memref<1000000xf32, #tpu.memory_space<hbm>>) dst(%dma_wait3A_674 : memref<512xf32, #tpu.memory_space<vmem>>)
    %scan3A_684 = arith.constant 0 : i32
    %scan3A_685 = arith.constant 0 : i32
    %scan3A_686 = arith.constant 32 : i32
    %scan3A_687 = arith.addi %scan3A_685, %scan3A_686 : i32
    %scan3A_688 = arith.constant 1 : i32
    scf.for %scan3A_1095 = %scan3A_685 to %scan3A_687 step %scan3A_688  : i32 {
      %mul3A_1096 = arith.constant 16 : i32
      %mul3A_1097 = arith.muli %scan3A_1095, %mul3A_1096 : i32
      %multiple_of3A = tpu.assume_multiple %mul3A_1097, 16 : i32
      %add3A_1098 = arith.constant 2048 : i32
      %add3A_1099 = arith.addi %add3A_1098, %multiple_of3A : i32
      %get3A_1100 = arith.index_cast %add3A_1099 : i32 to index
      %get3A_1101 = tpu.vector_load %arg7[%get3A_1100] {strides = array<i32>} : memref<13312xf32, #tpu.memory_space<vmem>>, vector<16xf32>,
      %swap3A = arith.index_cast %multiple_of3A : i32 to index
      %swap3A_1102 = tpu.vector_load %arg8[%swap3A] {strides = array<i32>} : memref<512xf32, #tpu.memory_space<vmem>>, vector<16xf32>,
      tpu.vector_store %arg8[%swap3A], %get3A_1101 {add = true, strides = array<i32>} : memref<512xf32, #tpu.memory_space<vmem>>, vector<16xf32>,
    }
    %scan3A_689 = arith.constant 32 : i32
    %dma_wait3A_690 = arith.constant 0 : i32
    %dma_wait3A_691 = arith.constant 5 : i32
    %dma_wait3A_692 = arith.constant 2560 : i32
    %dma_wait3A_693 = tpu.memref_slice %arg7[%dma_wait3A_692] : memref<13312xf32, #tpu.memory_space<vmem>> -> memref<512xf32, #tpu.memory_space<vmem>>
    %dma_wait3A_694 = arith.constant 2560 : i32
    %dma_wait3A_695 = tpu.memref_slice %arg6[%dma_wait3A_694] : memref<13312xi32, #tpu.memory_space<vmem>> -> memref<512xi32, #tpu.memory_space<vmem>>
    %dma_wait3A_696 = arith.constant 0 : i32
    %dma_wait3A_697 = tpu.memref_slice %arg3[%dma_wait3A_690, %dma_wait3A_696] : memref<1x1000000xf32, #tpu.memory_space<hbm>> -> memref<1x1000000xf32, #tpu.memory_space<hbm>>
    %dma_wait3A_698 = tpu.memref_squeeze %dma_wait3A_697 : memref<1x1000000xf32, #tpu.memory_space<hbm>> -> memref<1000000xf32, #tpu.memory_space<hbm>>
    %dma_wait3A_699 = arith.constant 0 : i32
    %dma_wait3A_700 = tpu.memref_slice %dma_wait3A_698[%dma_wait3A_699] : memref<1000000xf32, #tpu.memory_space<hbm>> -> memref<1000000xf32, #tpu.memory_space<hbm>>
    %dma_wait3A_701 = tpu.memref_slice %arg13[%dma_wait3A_691] : memref<26x!tpu.dma_semaphore, #tpu.memory_space<semaphore_mem>> -> memref<1x!tpu.dma_semaphore, #tpu.memory_space<semaphore_mem>>
    %dma_wait3A_702 = tpu.memref_squeeze %dma_wait3A_701 : memref<1x!tpu.dma_semaphore, #tpu.memory_space<semaphore_mem>> -> memref<!tpu.dma_semaphore, #tpu.memory_space<semaphore_mem>>
    tpu.wait_indirect_dma semaphore(%dma_wait3A_702 : memref<!tpu.dma_semaphore, #tpu.memory_space<semaphore_mem>>) src(%dma_wait3A_700 : memref<1000000xf32, #tpu.memory_space<hbm>>) dst(%dma_wait3A_693 : memref<512xf32, #tpu.memory_space<vmem>>)
    %scan3A_703 = arith.constant 0 : i32
    %scan3A_704 = arith.constant 0 : i32
    %scan3A_705 = arith.constant 32 : i32
    %scan3A_706 = arith.addi %scan3A_704, %scan3A_705 : i32
    %scan3A_707 = arith.constant 1 : i32
    scf.for %scan3A_1095 = %scan3A_704 to %scan3A_706 step %scan3A_707  : i32 {
      %mul3A_1096 = arith.constant 16 : i32
      %mul3A_1097 = arith.muli %scan3A_1095, %mul3A_1096 : i32
      %multiple_of3A = tpu.assume_multiple %mul3A_1097, 16 : i32
      %add3A_1098 = arith.constant 2560 : i32
      %add3A_1099 = arith.addi %add3A_1098, %multiple_of3A : i32
      %get3A_1100 = arith.index_cast %add3A_1099 : i32 to index
      %get3A_1101 = tpu.vector_load %arg7[%get3A_1100] {strides = array<i32>} : memref<13312xf32, #tpu.memory_space<vmem>>, vector<16xf32>,
      %swap3A = arith.index_cast %multiple_of3A : i32 to index
      %swap3A_1102 = tpu.vector_load %arg8[%swap3A] {strides = array<i32>} : memref<512xf32, #tpu.memory_space<vmem>>, vector<16xf32>,
      tpu.vector_store %arg8[%swap3A], %get3A_1101 {add = true, strides = array<i32>} : memref<512xf32, #tpu.memory_space<vmem>>, vector<16xf32>,
    }
    %scan3A_708 = arith.constant 32 : i32
    %dma_wait3A_709 = arith.constant 0 : i32
    %dma_wait3A_710 = arith.constant 6 : i32
    %dma_wait3A_711 = arith.constant 3072 : i32
    %dma_wait3A_712 = tpu.memref_slice %arg7[%dma_wait3A_711] : memref<13312xf32, #tpu.memory_space<vmem>> -> memref<512xf32, #tpu.memory_space<vmem>>
    %dma_wait3A_713 = arith.constant 3072 : i32
    %dma_wait3A_714 = tpu.memref_slice %arg6[%dma_wait3A_713] : memref<13312xi32, #tpu.memory_space<vmem>> -> memref<512xi32, #tpu.memory_space<vmem>>
    %dma_wait3A_715 = arith.constant 0 : i32
    %dma_wait3A_716 = tpu.memref_slice %arg3[%dma_wait3A_709, %dma_wait3A_715] : memref<1x1000000xf32, #tpu.memory_space<hbm>> -> memref<1x1000000xf32, #tpu.memory_space<hbm>>
    %dma_wait3A_717 = tpu.memref_squeeze %dma_wait3A_716 : memref<1x1000000xf32, #tpu.memory_space<hbm>> -> memref<1000000xf32, #tpu.memory_space<hbm>>
    %dma_wait3A_718 = arith.constant 0 : i32
    %dma_wait3A_719 = tpu.memref_slice %dma_wait3A_717[%dma_wait3A_718] : memref<1000000xf32, #tpu.memory_space<hbm>> -> memref<1000000xf32, #tpu.memory_space<hbm>>
    %dma_wait3A_720 = tpu.memref_slice %arg13[%dma_wait3A_710] : memref<26x!tpu.dma_semaphore, #tpu.memory_space<semaphore_mem>> -> memref<1x!tpu.dma_semaphore, #tpu.memory_space<semaphore_mem>>
    %dma_wait3A_721 = tpu.memref_squeeze %dma_wait3A_720 : memref<1x!tpu.dma_semaphore, #tpu.memory_space<semaphore_mem>> -> memref<!tpu.dma_semaphore, #tpu.memory_space<semaphore_mem>>
    tpu.wait_indirect_dma semaphore(%dma_wait3A_721 : memref<!tpu.dma_semaphore, #tpu.memory_space<semaphore_mem>>) src(%dma_wait3A_719 : memref<1000000xf32, #tpu.memory_space<hbm>>) dst(%dma_wait3A_712 : memref<512xf32, #tpu.memory_space<vmem>>)
    %scan3A_722 = arith.constant 0 : i32
    %scan3A_723 = arith.constant 0 : i32
    %scan3A_724 = arith.constant 32 : i32
    %scan3A_725 = arith.addi %scan3A_723, %scan3A_724 : i32
    %scan3A_726 = arith.constant 1 : i32
    scf.for %scan3A_1095 = %scan3A_723 to %scan3A_725 step %scan3A_726  : i32 {
      %mul3A_1096 = arith.constant 16 : i32
      %mul3A_1097 = arith.muli %scan3A_1095, %mul3A_1096 : i32
      %multiple_of3A = tpu.assume_multiple %mul3A_1097, 16 : i32
      %add3A_1098 = arith.constant 3072 : i32
      %add3A_1099 = arith.addi %add3A_1098, %multiple_of3A : i32
      %get3A_1100 = arith.index_cast %add3A_1099 : i32 to index
      %get3A_1101 = tpu.vector_load %arg7[%get3A_1100] {strides = array<i32>} : memref<13312xf32, #tpu.memory_space<vmem>>, vector<16xf32>,
      %swap3A = arith.index_cast %multiple_of3A : i32 to index
      %swap3A_1102 = tpu.vector_load %arg8[%swap3A] {strides = array<i32>} : memref<512xf32, #tpu.memory_space<vmem>>, vector<16xf32>,
      tpu.vector_store %arg8[%swap3A], %get3A_1101 {add = true, strides = array<i32>} : memref<512xf32, #tpu.memory_space<vmem>>, vector<16xf32>,
    }
    %scan3A_727 = arith.constant 32 : i32
    %dma_wait3A_728 = arith.constant 0 : i32
    %dma_wait3A_729 = arith.constant 7 : i32
    %dma_wait3A_730 = arith.constant 3584 : i32
    %dma_wait3A_731 = tpu.memref_slice %arg7[%dma_wait3A_730] : memref<13312xf32, #tpu.memory_space<vmem>> -> memref<512xf32, #tpu.memory_space<vmem>>
    %dma_wait3A_732 = arith.constant 3584 : i32
    %dma_wait3A_733 = tpu.memref_slice %arg6[%dma_wait3A_732] : memref<13312xi32, #tpu.memory_space<vmem>> -> memref<512xi32, #tpu.memory_space<vmem>>
    %dma_wait3A_734 = arith.constant 0 : i32
    %dma_wait3A_735 = tpu.memref_slice %arg3[%dma_wait3A_728, %dma_wait3A_734] : memref<1x1000000xf32, #tpu.memory_space<hbm>> -> memref<1x1000000xf32, #tpu.memory_space<hbm>>
    %dma_wait3A_736 = tpu.memref_squeeze %dma_wait3A_735 : memref<1x1000000xf32, #tpu.memory_space<hbm>> -> memref<1000000xf32, #tpu.memory_space<hbm>>
    %dma_wait3A_737 = arith.constant 0 : i32
    %dma_wait3A_738 = tpu.memref_slice %dma_wait3A_736[%dma_wait3A_737] : memref<1000000xf32, #tpu.memory_space<hbm>> -> memref<1000000xf32, #tpu.memory_space<hbm>>
    %dma_wait3A_739 = tpu.memref_slice %arg13[%dma_wait3A_729] : memref<26x!tpu.dma_semaphore, #tpu.memory_space<semaphore_mem>> -> memref<1x!tpu.dma_semaphore, #tpu.memory_space<semaphore_mem>>
    %dma_wait3A_740 = tpu.memref_squeeze %dma_wait3A_739 : memref<1x!tpu.dma_semaphore, #tpu.memory_space<semaphore_mem>> -> memref<!tpu.dma_semaphore, #tpu.memory_space<semaphore_mem>>
    tpu.wait_indirect_dma semaphore(%dma_wait3A_740 : memref<!tpu.dma_semaphore, #tpu.memory_space<semaphore_mem>>) src(%dma_wait3A_738 : memref<1000000xf32, #tpu.memory_space<hbm>>) dst(%dma_wait3A_731 : memref<512xf32, #tpu.memory_space<vmem>>)
    %scan3A_741 = arith.constant 0 : i32
    %scan3A_742 = arith.constant 0 : i32
    %scan3A_743 = arith.constant 32 : i32
    %scan3A_744 = arith.addi %scan3A_742, %scan3A_743 : i32
    %scan3A_745 = arith.constant 1 : i32
    scf.for %scan3A_1095 = %scan3A_742 to %scan3A_744 step %scan3A_745  : i32 {
      %mul3A_1096 = arith.constant 16 : i32
      %mul3A_1097 = arith.muli %scan3A_1095, %mul3A_1096 : i32
      %multiple_of3A = tpu.assume_multiple %mul3A_1097, 16 : i32
      %add3A_1098 = arith.constant 3584 : i32
      %add3A_1099 = arith.addi %add3A_1098, %multiple_of3A : i32
      %get3A_1100 = arith.index_cast %add3A_1099 : i32 to index
      %get3A_1101 = tpu.vector_load %arg7[%get3A_1100] {strides = array<i32>} : memref<13312xf32, #tpu.memory_space<vmem>>, vector<16xf32>,
      %swap3A = arith.index_cast %multiple_of3A : i32 to index
      %swap3A_1102 = tpu.vector_load %arg8[%swap3A] {strides = array<i32>} : memref<512xf32, #tpu.memory_space<vmem>>, vector<16xf32>,
      tpu.vector_store %arg8[%swap3A], %get3A_1101 {add = true, strides = array<i32>} : memref<512xf32, #tpu.memory_space<vmem>>, vector<16xf32>,
    }
    %scan3A_746 = arith.constant 32 : i32
    %dma_wait3A_747 = arith.constant 0 : i32
    %dma_wait3A_748 = arith.constant 8 : i32
    %dma_wait3A_749 = arith.constant 4096 : i32
    %dma_wait3A_750 = tpu.memref_slice %arg7[%dma_wait3A_749] : memref<13312xf32, #tpu.memory_space<vmem>> -> memref<512xf32, #tpu.memory_space<vmem>>
    %dma_wait3A_751 = arith.constant 4096 : i32
    %dma_wait3A_752 = tpu.memref_slice %arg6[%dma_wait3A_751] : memref<13312xi32, #tpu.memory_space<vmem>> -> memref<512xi32, #tpu.memory_space<vmem>>
    %dma_wait3A_753 = arith.constant 0 : i32
    %dma_wait3A_754 = tpu.memref_slice %arg3[%dma_wait3A_747, %dma_wait3A_753] : memref<1x1000000xf32, #tpu.memory_space<hbm>> -> memref<1x1000000xf32, #tpu.memory_space<hbm>>
    %dma_wait3A_755 = tpu.memref_squeeze %dma_wait3A_754 : memref<1x1000000xf32, #tpu.memory_space<hbm>> -> memref<1000000xf32, #tpu.memory_space<hbm>>
    %dma_wait3A_756 = arith.constant 0 : i32
    %dma_wait3A_757 = tpu.memref_slice %dma_wait3A_755[%dma_wait3A_756] : memref<1000000xf32, #tpu.memory_space<hbm>> -> memref<1000000xf32, #tpu.memory_space<hbm>>
    %dma_wait3A_758 = tpu.memref_slice %arg13[%dma_wait3A_748] : memref<26x!tpu.dma_semaphore, #tpu.memory_space<semaphore_mem>> -> memref<1x!tpu.dma_semaphore, #tpu.memory_space<semaphore_mem>>
    %dma_wait3A_759 = tpu.memref_squeeze %dma_wait3A_758 : memref<1x!tpu.dma_semaphore, #tpu.memory_space<semaphore_mem>> -> memref<!tpu.dma_semaphore, #tpu.memory_space<semaphore_mem>>
    tpu.wait_indirect_dma semaphore(%dma_wait3A_759 : memref<!tpu.dma_semaphore, #tpu.memory_space<semaphore_mem>>) src(%dma_wait3A_757 : memref<1000000xf32, #tpu.memory_space<hbm>>) dst(%dma_wait3A_750 : memref<512xf32, #tpu.memory_space<vmem>>)
    %scan3A_760 = arith.constant 0 : i32
    %scan3A_761 = arith.constant 0 : i32
    %scan3A_762 = arith.constant 32 : i32
    %scan3A_763 = arith.addi %scan3A_761, %scan3A_762 : i32
    %scan3A_764 = arith.constant 1 : i32
    scf.for %scan3A_1095 = %scan3A_761 to %scan3A_763 step %scan3A_764  : i32 {
      %mul3A_1096 = arith.constant 16 : i32
      %mul3A_1097 = arith.muli %scan3A_1095, %mul3A_1096 : i32
      %multiple_of3A = tpu.assume_multiple %mul3A_1097, 16 : i32
      %add3A_1098 = arith.constant 4096 : i32
      %add3A_1099 = arith.addi %add3A_1098, %multiple_of3A : i32
      %get3A_1100 = arith.index_cast %add3A_1099 : i32 to index
      %get3A_1101 = tpu.vector_load %arg7[%get3A_1100] {strides = array<i32>} : memref<13312xf32, #tpu.memory_space<vmem>>, vector<16xf32>,
      %swap3A = arith.index_cast %multiple_of3A : i32 to index
      %swap3A_1102 = tpu.vector_load %arg8[%swap3A] {strides = array<i32>} : memref<512xf32, #tpu.memory_space<vmem>>, vector<16xf32>,
      tpu.vector_store %arg8[%swap3A], %get3A_1101 {add = true, strides = array<i32>} : memref<512xf32, #tpu.memory_space<vmem>>, vector<16xf32>,
    }
    %scan3A_765 = arith.constant 32 : i32
    %dma_wait3A_766 = arith.constant 0 : i32
    %dma_wait3A_767 = arith.constant 9 : i32
    %dma_wait3A_768 = arith.constant 4608 : i32
    %dma_wait3A_769 = tpu.memref_slice %arg7[%dma_wait3A_768] : memref<13312xf32, #tpu.memory_space<vmem>> -> memref<512xf32, #tpu.memory_space<vmem>>
    %dma_wait3A_770 = arith.constant 4608 : i32
    %dma_wait3A_771 = tpu.memref_slice %arg6[%dma_wait3A_770] : memref<13312xi32, #tpu.memory_space<vmem>> -> memref<512xi32, #tpu.memory_space<vmem>>
    %dma_wait3A_772 = arith.constant 0 : i32
    %dma_wait3A_773 = tpu.memref_slice %arg3[%dma_wait3A_766, %dma_wait3A_772] : memref<1x1000000xf32, #tpu.memory_space<hbm>> -> memref<1x1000000xf32, #tpu.memory_space<hbm>>
    %dma_wait3A_774 = tpu.memref_squeeze %dma_wait3A_773 : memref<1x1000000xf32, #tpu.memory_space<hbm>> -> memref<1000000xf32, #tpu.memory_space<hbm>>
    %dma_wait3A_775 = arith.constant 0 : i32
    %dma_wait3A_776 = tpu.memref_slice %dma_wait3A_774[%dma_wait3A_775] : memref<1000000xf32, #tpu.memory_space<hbm>> -> memref<1000000xf32, #tpu.memory_space<hbm>>
    %dma_wait3A_777 = tpu.memref_slice %arg13[%dma_wait3A_767] : memref<26x!tpu.dma_semaphore, #tpu.memory_space<semaphore_mem>> -> memref<1x!tpu.dma_semaphore, #tpu.memory_space<semaphore_mem>>
    %dma_wait3A_778 = tpu.memref_squeeze %dma_wait3A_777 : memref<1x!tpu.dma_semaphore, #tpu.memory_space<semaphore_mem>> -> memref<!tpu.dma_semaphore, #tpu.memory_space<semaphore_mem>>
    tpu.wait_indirect_dma semaphore(%dma_wait3A_778 : memref<!tpu.dma_semaphore, #tpu.memory_space<semaphore_mem>>) src(%dma_wait3A_776 : memref<1000000xf32, #tpu.memory_space<hbm>>) dst(%dma_wait3A_769 : memref<512xf32, #tpu.memory_space<vmem>>)
    %scan3A_779 = arith.constant 0 : i32
    %scan3A_780 = arith.constant 0 : i32
    %scan3A_781 = arith.constant 32 : i32
    %scan3A_782 = arith.addi %scan3A_780, %scan3A_781 : i32
    %scan3A_783 = arith.constant 1 : i32
    scf.for %scan3A_1095 = %scan3A_780 to %scan3A_782 step %scan3A_783  : i32 {
      %mul3A_1096 = arith.constant 16 : i32
      %mul3A_1097 = arith.muli %scan3A_1095, %mul3A_1096 : i32
      %multiple_of3A = tpu.assume_multiple %mul3A_1097, 16 : i32
      %add3A_1098 = arith.constant 4608 : i32
      %add3A_1099 = arith.addi %add3A_1098, %multiple_of3A : i32
      %get3A_1100 = arith.index_cast %add3A_1099 : i32 to index
      %get3A_1101 = tpu.vector_load %arg7[%get3A_1100] {strides = array<i32>} : memref<13312xf32, #tpu.memory_space<vmem>>, vector<16xf32>,
      %swap3A = arith.index_cast %multiple_of3A : i32 to index
      %swap3A_1102 = tpu.vector_load %arg8[%swap3A] {strides = array<i32>} : memref<512xf32, #tpu.memory_space<vmem>>, vector<16xf32>,
      tpu.vector_store %arg8[%swap3A], %get3A_1101 {add = true, strides = array<i32>} : memref<512xf32, #tpu.memory_space<vmem>>, vector<16xf32>,
    }
    %scan3A_784 = arith.constant 32 : i32
    %dma_wait3A_785 = arith.constant 0 : i32
    %dma_wait3A_786 = arith.constant 10 : i32
    %dma_wait3A_787 = arith.constant 5120 : i32
    %dma_wait3A_788 = tpu.memref_slice %arg7[%dma_wait3A_787] : memref<13312xf32, #tpu.memory_space<vmem>> -> memref<512xf32, #tpu.memory_space<vmem>>
    %dma_wait3A_789 = arith.constant 5120 : i32
    %dma_wait3A_790 = tpu.memref_slice %arg6[%dma_wait3A_789] : memref<13312xi32, #tpu.memory_space<vmem>> -> memref<512xi32, #tpu.memory_space<vmem>>
    %dma_wait3A_791 = arith.constant 0 : i32
    %dma_wait3A_792 = tpu.memref_slice %arg3[%dma_wait3A_785, %dma_wait3A_791] : memref<1x1000000xf32, #tpu.memory_space<hbm>> -> memref<1x1000000xf32, #tpu.memory_space<hbm>>
    %dma_wait3A_793 = tpu.memref_squeeze %dma_wait3A_792 : memref<1x1000000xf32, #tpu.memory_space<hbm>> -> memref<1000000xf32, #tpu.memory_space<hbm>>
    %dma_wait3A_794 = arith.constant 0 : i32
    %dma_wait3A_795 = tpu.memref_slice %dma_wait3A_793[%dma_wait3A_794] : memref<1000000xf32, #tpu.memory_space<hbm>> -> memref<1000000xf32, #tpu.memory_space<hbm>>
    %dma_wait3A_796 = tpu.memref_slice %arg13[%dma_wait3A_786] : memref<26x!tpu.dma_semaphore, #tpu.memory_space<semaphore_mem>> -> memref<1x!tpu.dma_semaphore, #tpu.memory_space<semaphore_mem>>
    %dma_wait3A_797 = tpu.memref_squeeze %dma_wait3A_796 : memref<1x!tpu.dma_semaphore, #tpu.memory_space<semaphore_mem>> -> memref<!tpu.dma_semaphore, #tpu.memory_space<semaphore_mem>>
    tpu.wait_indirect_dma semaphore(%dma_wait3A_797 : memref<!tpu.dma_semaphore, #tpu.memory_space<semaphore_mem>>) src(%dma_wait3A_795 : memref<1000000xf32, #tpu.memory_space<hbm>>) dst(%dma_wait3A_788 : memref<512xf32, #tpu.memory_space<vmem>>)
    %scan3A_798 = arith.constant 0 : i32
    %scan3A_799 = arith.constant 0 : i32
    %scan3A_800 = arith.constant 32 : i32
    %scan3A_801 = arith.addi %scan3A_799, %scan3A_800 : i32
    %scan3A_802 = arith.constant 1 : i32
    scf.for %scan3A_1095 = %scan3A_799 to %scan3A_801 step %scan3A_802  : i32 {
      %mul3A_1096 = arith.constant 16 : i32
      %mul3A_1097 = arith.muli %scan3A_1095, %mul3A_1096 : i32
      %multiple_of3A = tpu.assume_multiple %mul3A_1097, 16 : i32
      %add3A_1098 = arith.constant 5120 : i32
      %add3A_1099 = arith.addi %add3A_1098, %multiple_of3A : i32
      %get3A_1100 = arith.index_cast %add3A_1099 : i32 to index
      %get3A_1101 = tpu.vector_load %arg7[%get3A_1100] {strides = array<i32>} : memref<13312xf32, #tpu.memory_space<vmem>>, vector<16xf32>,
      %swap3A = arith.index_cast %multiple_of3A : i32 to index
      %swap3A_1102 = tpu.vector_load %arg8[%swap3A] {strides = array<i32>} : memref<512xf32, #tpu.memory_space<vmem>>, vector<16xf32>,
      tpu.vector_store %arg8[%swap3A], %get3A_1101 {add = true, strides = array<i32>} : memref<512xf32, #tpu.memory_space<vmem>>, vector<16xf32>,
    }
    %scan3A_803 = arith.constant 32 : i32
    %dma_wait3A_804 = arith.constant 0 : i32
    %dma_wait3A_805 = arith.constant 11 : i32
    %dma_wait3A_806 = arith.constant 5632 : i32
    %dma_wait3A_807 = tpu.memref_slice %arg7[%dma_wait3A_806] : memref<13312xf32, #tpu.memory_space<vmem>> -> memref<512xf32, #tpu.memory_space<vmem>>
    %dma_wait3A_808 = arith.constant 5632 : i32
    %dma_wait3A_809 = tpu.memref_slice %arg6[%dma_wait3A_808] : memref<13312xi32, #tpu.memory_space<vmem>> -> memref<512xi32, #tpu.memory_space<vmem>>
    %dma_wait3A_810 = arith.constant 0 : i32
    %dma_wait3A_811 = tpu.memref_slice %arg3[%dma_wait3A_804, %dma_wait3A_810] : memref<1x1000000xf32, #tpu.memory_space<hbm>> -> memref<1x1000000xf32, #tpu.memory_space<hbm>>
    %dma_wait3A_812 = tpu.memref_squeeze %dma_wait3A_811 : memref<1x1000000xf32, #tpu.memory_space<hbm>> -> memref<1000000xf32, #tpu.memory_space<hbm>>
    %dma_wait3A_813 = arith.constant 0 : i32
    %dma_wait3A_814 = tpu.memref_slice %dma_wait3A_812[%dma_wait3A_813] : memref<1000000xf32, #tpu.memory_space<hbm>> -> memref<1000000xf32, #tpu.memory_space<hbm>>
    %dma_wait3A_815 = tpu.memref_slice %arg13[%dma_wait3A_805] : memref<26x!tpu.dma_semaphore, #tpu.memory_space<semaphore_mem>> -> memref<1x!tpu.dma_semaphore, #tpu.memory_space<semaphore_mem>>
    %dma_wait3A_816 = tpu.memref_squeeze %dma_wait3A_815 : memref<1x!tpu.dma_semaphore, #tpu.memory_space<semaphore_mem>> -> memref<!tpu.dma_semaphore, #tpu.memory_space<semaphore_mem>>
    tpu.wait_indirect_dma semaphore(%dma_wait3A_816 : memref<!tpu.dma_semaphore, #tpu.memory_space<semaphore_mem>>) src(%dma_wait3A_814 : memref<1000000xf32, #tpu.memory_space<hbm>>) dst(%dma_wait3A_807 : memref<512xf32, #tpu.memory_space<vmem>>)
    %scan3A_817 = arith.constant 0 : i32
    %scan3A_818 = arith.constant 0 : i32
    %scan3A_819 = arith.constant 32 : i32
    %scan3A_820 = arith.addi %scan3A_818, %scan3A_819 : i32
    %scan3A_821 = arith.constant 1 : i32
    scf.for %scan3A_1095 = %scan3A_818 to %scan3A_820 step %scan3A_821  : i32 {
      %mul3A_1096 = arith.constant 16 : i32
      %mul3A_1097 = arith.muli %scan3A_1095, %mul3A_1096 : i32
      %multiple_of3A = tpu.assume_multiple %mul3A_1097, 16 : i32
      %add3A_1098 = arith.constant 5632 : i32
      %add3A_1099 = arith.addi %add3A_1098, %multiple_of3A : i32
      %get3A_1100 = arith.index_cast %add3A_1099 : i32 to index
      %get3A_1101 = tpu.vector_load %arg7[%get3A_1100] {strides = array<i32>} : memref<13312xf32, #tpu.memory_space<vmem>>, vector<16xf32>,
      %swap3A = arith.index_cast %multiple_of3A : i32 to index
      %swap3A_1102 = tpu.vector_load %arg8[%swap3A] {strides = array<i32>} : memref<512xf32, #tpu.memory_space<vmem>>, vector<16xf32>,
      tpu.vector_store %arg8[%swap3A], %get3A_1101 {add = true, strides = array<i32>} : memref<512xf32, #tpu.memory_space<vmem>>, vector<16xf32>,
    }
    %scan3A_822 = arith.constant 32 : i32
    %dma_wait3A_823 = arith.constant 0 : i32
    %dma_wait3A_824 = arith.constant 12 : i32
    %dma_wait3A_825 = arith.constant 6144 : i32
    %dma_wait3A_826 = tpu.memref_slice %arg7[%dma_wait3A_825] : memref<13312xf32, #tpu.memory_space<vmem>> -> memref<512xf32, #tpu.memory_space<vmem>>
    %dma_wait3A_827 = arith.constant 6144 : i32
    %dma_wait3A_828 = tpu.memref_slice %arg6[%dma_wait3A_827] : memref<13312xi32, #tpu.memory_space<vmem>> -> memref<512xi32, #tpu.memory_space<vmem>>
    %dma_wait3A_829 = arith.constant 0 : i32
    %dma_wait3A_830 = tpu.memref_slice %arg3[%dma_wait3A_823, %dma_wait3A_829] : memref<1x1000000xf32, #tpu.memory_space<hbm>> -> memref<1x1000000xf32, #tpu.memory_space<hbm>>
    %dma_wait3A_831 = tpu.memref_squeeze %dma_wait3A_830 : memref<1x1000000xf32, #tpu.memory_space<hbm>> -> memref<1000000xf32, #tpu.memory_space<hbm>>
    %dma_wait3A_832 = arith.constant 0 : i32
    %dma_wait3A_833 = tpu.memref_slice %dma_wait3A_831[%dma_wait3A_832] : memref<1000000xf32, #tpu.memory_space<hbm>> -> memref<1000000xf32, #tpu.memory_space<hbm>>
    %dma_wait3A_834 = tpu.memref_slice %arg13[%dma_wait3A_824] : memref<26x!tpu.dma_semaphore, #tpu.memory_space<semaphore_mem>> -> memref<1x!tpu.dma_semaphore, #tpu.memory_space<semaphore_mem>>
    %dma_wait3A_835 = tpu.memref_squeeze %dma_wait3A_834 : memref<1x!tpu.dma_semaphore, #tpu.memory_space<semaphore_mem>> -> memref<!tpu.dma_semaphore, #tpu.memory_space<semaphore_mem>>
    tpu.wait_indirect_dma semaphore(%dma_wait3A_835 : memref<!tpu.dma_semaphore, #tpu.memory_space<semaphore_mem>>) src(%dma_wait3A_833 : memref<1000000xf32, #tpu.memory_space<hbm>>) dst(%dma_wait3A_826 : memref<512xf32, #tpu.memory_space<vmem>>)
    %scan3A_836 = arith.constant 0 : i32
    %scan3A_837 = arith.constant 0 : i32
    %scan3A_838 = arith.constant 32 : i32
    %scan3A_839 = arith.addi %scan3A_837, %scan3A_838 : i32
    %scan3A_840 = arith.constant 1 : i32
    scf.for %scan3A_1095 = %scan3A_837 to %scan3A_839 step %scan3A_840  : i32 {
      %mul3A_1096 = arith.constant 16 : i32
      %mul3A_1097 = arith.muli %scan3A_1095, %mul3A_1096 : i32
      %multiple_of3A = tpu.assume_multiple %mul3A_1097, 16 : i32
      %add3A_1098 = arith.constant 6144 : i32
      %add3A_1099 = arith.addi %add3A_1098, %multiple_of3A : i32
      %get3A_1100 = arith.index_cast %add3A_1099 : i32 to index
      %get3A_1101 = tpu.vector_load %arg7[%get3A_1100] {strides = array<i32>} : memref<13312xf32, #tpu.memory_space<vmem>>, vector<16xf32>,
      %swap3A = arith.index_cast %multiple_of3A : i32 to index
      %swap3A_1102 = tpu.vector_load %arg8[%swap3A] {strides = array<i32>} : memref<512xf32, #tpu.memory_space<vmem>>, vector<16xf32>,
      tpu.vector_store %arg8[%swap3A], %get3A_1101 {add = true, strides = array<i32>} : memref<512xf32, #tpu.memory_space<vmem>>, vector<16xf32>,
    }
    %scan3A_841 = arith.constant 32 : i32
    %dma_wait3A_842 = arith.constant 0 : i32
    %dma_wait3A_843 = arith.constant 13 : i32
    %dma_wait3A_844 = arith.constant 6656 : i32
    %dma_wait3A_845 = tpu.memref_slice %arg7[%dma_wait3A_844] : memref<13312xf32, #tpu.memory_space<vmem>> -> memref<512xf32, #tpu.memory_space<vmem>>
    %dma_wait3A_846 = arith.constant 6656 : i32
    %dma_wait3A_847 = tpu.memref_slice %arg6[%dma_wait3A_846] : memref<13312xi32, #tpu.memory_space<vmem>> -> memref<512xi32, #tpu.memory_space<vmem>>
    %dma_wait3A_848 = arith.constant 0 : i32
    %dma_wait3A_849 = tpu.memref_slice %arg3[%dma_wait3A_842, %dma_wait3A_848] : memref<1x1000000xf32, #tpu.memory_space<hbm>> -> memref<1x1000000xf32, #tpu.memory_space<hbm>>
    %dma_wait3A_850 = tpu.memref_squeeze %dma_wait3A_849 : memref<1x1000000xf32, #tpu.memory_space<hbm>> -> memref<1000000xf32, #tpu.memory_space<hbm>>
    %dma_wait3A_851 = arith.constant 0 : i32
    %dma_wait3A_852 = tpu.memref_slice %dma_wait3A_850[%dma_wait3A_851] : memref<1000000xf32, #tpu.memory_space<hbm>> -> memref<1000000xf32, #tpu.memory_space<hbm>>
    %dma_wait3A_853 = tpu.memref_slice %arg13[%dma_wait3A_843] : memref<26x!tpu.dma_semaphore, #tpu.memory_space<semaphore_mem>> -> memref<1x!tpu.dma_semaphore, #tpu.memory_space<semaphore_mem>>
    %dma_wait3A_854 = tpu.memref_squeeze %dma_wait3A_853 : memref<1x!tpu.dma_semaphore, #tpu.memory_space<semaphore_mem>> -> memref<!tpu.dma_semaphore, #tpu.memory_space<semaphore_mem>>
    tpu.wait_indirect_dma semaphore(%dma_wait3A_854 : memref<!tpu.dma_semaphore, #tpu.memory_space<semaphore_mem>>) src(%dma_wait3A_852 : memref<1000000xf32, #tpu.memory_space<hbm>>) dst(%dma_wait3A_845 : memref<512xf32, #tpu.memory_space<vmem>>)
    %scan3A_855 = arith.constant 0 : i32
    %scan3A_856 = arith.constant 0 : i32
    %scan3A_857 = arith.constant 32 : i32
    %scan3A_858 = arith.addi %scan3A_856, %scan3A_857 : i32
    %scan3A_859 = arith.constant 1 : i32
    scf.for %scan3A_1095 = %scan3A_856 to %scan3A_858 step %scan3A_859  : i32 {
      %mul3A_1096 = arith.constant 16 : i32
      %mul3A_1097 = arith.muli %scan3A_1095, %mul3A_1096 : i32
      %multiple_of3A = tpu.assume_multiple %mul3A_1097, 16 : i32
      %add3A_1098 = arith.constant 6656 : i32
      %add3A_1099 = arith.addi %add3A_1098, %multiple_of3A : i32
      %get3A_1100 = arith.index_cast %add3A_1099 : i32 to index
      %get3A_1101 = tpu.vector_load %arg7[%get3A_1100] {strides = array<i32>} : memref<13312xf32, #tpu.memory_space<vmem>>, vector<16xf32>,
      %swap3A = arith.index_cast %multiple_of3A : i32 to index
      %swap3A_1102 = tpu.vector_load %arg8[%swap3A] {strides = array<i32>} : memref<512xf32, #tpu.memory_space<vmem>>, vector<16xf32>,
      tpu.vector_store %arg8[%swap3A], %get3A_1101 {add = true, strides = array<i32>} : memref<512xf32, #tpu.memory_space<vmem>>, vector<16xf32>,
    }
    %scan3A_860 = arith.constant 32 : i32
    %dma_wait3A_861 = arith.constant 0 : i32
    %dma_wait3A_862 = arith.constant 14 : i32
    %dma_wait3A_863 = arith.constant 7168 : i32
    %dma_wait3A_864 = tpu.memref_slice %arg7[%dma_wait3A_863] : memref<13312xf32, #tpu.memory_space<vmem>> -> memref<512xf32, #tpu.memory_space<vmem>>
    %dma_wait3A_865 = arith.constant 7168 : i32
    %dma_wait3A_866 = tpu.memref_slice %arg6[%dma_wait3A_865] : memref<13312xi32, #tpu.memory_space<vmem>> -> memref<512xi32, #tpu.memory_space<vmem>>
    %dma_wait3A_867 = arith.constant 0 : i32
    %dma_wait3A_868 = tpu.memref_slice %arg3[%dma_wait3A_861, %dma_wait3A_867] : memref<1x1000000xf32, #tpu.memory_space<hbm>> -> memref<1x1000000xf32, #tpu.memory_space<hbm>>
    %dma_wait3A_869 = tpu.memref_squeeze %dma_wait3A_868 : memref<1x1000000xf32, #tpu.memory_space<hbm>> -> memref<1000000xf32, #tpu.memory_space<hbm>>
    %dma_wait3A_870 = arith.constant 0 : i32
    %dma_wait3A_871 = tpu.memref_slice %dma_wait3A_869[%dma_wait3A_870] : memref<1000000xf32, #tpu.memory_space<hbm>> -> memref<1000000xf32, #tpu.memory_space<hbm>>
    %dma_wait3A_872 = tpu.memref_slice %arg13[%dma_wait3A_862] : memref<26x!tpu.dma_semaphore, #tpu.memory_space<semaphore_mem>> -> memref<1x!tpu.dma_semaphore, #tpu.memory_space<semaphore_mem>>
    %dma_wait3A_873 = tpu.memref_squeeze %dma_wait3A_872 : memref<1x!tpu.dma_semaphore, #tpu.memory_space<semaphore_mem>> -> memref<!tpu.dma_semaphore, #tpu.memory_space<semaphore_mem>>
    tpu.wait_indirect_dma semaphore(%dma_wait3A_873 : memref<!tpu.dma_semaphore, #tpu.memory_space<semaphore_mem>>) src(%dma_wait3A_871 : memref<1000000xf32, #tpu.memory_space<hbm>>) dst(%dma_wait3A_864 : memref<512xf32, #tpu.memory_space<vmem>>)
    %scan3A_874 = arith.constant 0 : i32
    %scan3A_875 = arith.constant 0 : i32
    %scan3A_876 = arith.constant 32 : i32
    %scan3A_877 = arith.addi %scan3A_875, %scan3A_876 : i32
    %scan3A_878 = arith.constant 1 : i32
    scf.for %scan3A_1095 = %scan3A_875 to %scan3A_877 step %scan3A_878  : i32 {
      %mul3A_1096 = arith.constant 16 : i32
      %mul3A_1097 = arith.muli %scan3A_1095, %mul3A_1096 : i32
      %multiple_of3A = tpu.assume_multiple %mul3A_1097, 16 : i32
      %add3A_1098 = arith.constant 7168 : i32
      %add3A_1099 = arith.addi %add3A_1098, %multiple_of3A : i32
      %get3A_1100 = arith.index_cast %add3A_1099 : i32 to index
      %get3A_1101 = tpu.vector_load %arg7[%get3A_1100] {strides = array<i32>} : memref<13312xf32, #tpu.memory_space<vmem>>, vector<16xf32>,
      %swap3A = arith.index_cast %multiple_of3A : i32 to index
      %swap3A_1102 = tpu.vector_load %arg8[%swap3A] {strides = array<i32>} : memref<512xf32, #tpu.memory_space<vmem>>, vector<16xf32>,
      tpu.vector_store %arg8[%swap3A], %get3A_1101 {add = true, strides = array<i32>} : memref<512xf32, #tpu.memory_space<vmem>>, vector<16xf32>,
    }
    %scan3A_879 = arith.constant 32 : i32
    %dma_wait3A_880 = arith.constant 0 : i32
    %dma_wait3A_881 = arith.constant 15 : i32
    %dma_wait3A_882 = arith.constant 7680 : i32
    %dma_wait3A_883 = tpu.memref_slice %arg7[%dma_wait3A_882] : memref<13312xf32, #tpu.memory_space<vmem>> -> memref<512xf32, #tpu.memory_space<vmem>>
    %dma_wait3A_884 = arith.constant 7680 : i32
    %dma_wait3A_885 = tpu.memref_slice %arg6[%dma_wait3A_884] : memref<13312xi32, #tpu.memory_space<vmem>> -> memref<512xi32, #tpu.memory_space<vmem>>
    %dma_wait3A_886 = arith.constant 0 : i32
    %dma_wait3A_887 = tpu.memref_slice %arg3[%dma_wait3A_880, %dma_wait3A_886] : memref<1x1000000xf32, #tpu.memory_space<hbm>> -> memref<1x1000000xf32, #tpu.memory_space<hbm>>
    %dma_wait3A_888 = tpu.memref_squeeze %dma_wait3A_887 : memref<1x1000000xf32, #tpu.memory_space<hbm>> -> memref<1000000xf32, #tpu.memory_space<hbm>>
    %dma_wait3A_889 = arith.constant 0 : i32
    %dma_wait3A_890 = tpu.memref_slice %dma_wait3A_888[%dma_wait3A_889] : memref<1000000xf32, #tpu.memory_space<hbm>> -> memref<1000000xf32, #tpu.memory_space<hbm>>
    %dma_wait3A_891 = tpu.memref_slice %arg13[%dma_wait3A_881] : memref<26x!tpu.dma_semaphore, #tpu.memory_space<semaphore_mem>> -> memref<1x!tpu.dma_semaphore, #tpu.memory_space<semaphore_mem>>
    %dma_wait3A_892 = tpu.memref_squeeze %dma_wait3A_891 : memref<1x!tpu.dma_semaphore, #tpu.memory_space<semaphore_mem>> -> memref<!tpu.dma_semaphore, #tpu.memory_space<semaphore_mem>>
    tpu.wait_indirect_dma semaphore(%dma_wait3A_892 : memref<!tpu.dma_semaphore, #tpu.memory_space<semaphore_mem>>) src(%dma_wait3A_890 : memref<1000000xf32, #tpu.memory_space<hbm>>) dst(%dma_wait3A_883 : memref<512xf32, #tpu.memory_space<vmem>>)
    %scan3A_893 = arith.constant 0 : i32
    %scan3A_894 = arith.constant 0 : i32
    %scan3A_895 = arith.constant 32 : i32
    %scan3A_896 = arith.addi %scan3A_894, %scan3A_895 : i32
    %scan3A_897 = arith.constant 1 : i32
    scf.for %scan3A_1095 = %scan3A_894 to %scan3A_896 step %scan3A_897  : i32 {
      %mul3A_1096 = arith.constant 16 : i32
      %mul3A_1097 = arith.muli %scan3A_1095, %mul3A_1096 : i32
      %multiple_of3A = tpu.assume_multiple %mul3A_1097, 16 : i32
      %add3A_1098 = arith.constant 7680 : i32
      %add3A_1099 = arith.addi %add3A_1098, %multiple_of3A : i32
      %get3A_1100 = arith.index_cast %add3A_1099 : i32 to index
      %get3A_1101 = tpu.vector_load %arg7[%get3A_1100] {strides = array<i32>} : memref<13312xf32, #tpu.memory_space<vmem>>, vector<16xf32>,
      %swap3A = arith.index_cast %multiple_of3A : i32 to index
      %swap3A_1102 = tpu.vector_load %arg8[%swap3A] {strides = array<i32>} : memref<512xf32, #tpu.memory_space<vmem>>, vector<16xf32>,
      tpu.vector_store %arg8[%swap3A], %get3A_1101 {add = true, strides = array<i32>} : memref<512xf32, #tpu.memory_space<vmem>>, vector<16xf32>,
    }
    %scan3A_898 = arith.constant 32 : i32
    %dma_wait3A_899 = arith.constant 0 : i32
    %dma_wait3A_900 = arith.constant 16 : i32
    %dma_wait3A_901 = arith.constant 8192 : i32
    %dma_wait3A_902 = tpu.memref_slice %arg7[%dma_wait3A_901] : memref<13312xf32, #tpu.memory_space<vmem>> -> memref<512xf32, #tpu.memory_space<vmem>>
    %dma_wait3A_903 = arith.constant 8192 : i32
    %dma_wait3A_904 = tpu.memref_slice %arg6[%dma_wait3A_903] : memref<13312xi32, #tpu.memory_space<vmem>> -> memref<512xi32, #tpu.memory_space<vmem>>
    %dma_wait3A_905 = arith.constant 0 : i32
    %dma_wait3A_906 = tpu.memref_slice %arg3[%dma_wait3A_899, %dma_wait3A_905] : memref<1x1000000xf32, #tpu.memory_space<hbm>> -> memref<1x1000000xf32, #tpu.memory_space<hbm>>
    %dma_wait3A_907 = tpu.memref_squeeze %dma_wait3A_906 : memref<1x1000000xf32, #tpu.memory_space<hbm>> -> memref<1000000xf32, #tpu.memory_space<hbm>>
    %dma_wait3A_908 = arith.constant 0 : i32
    %dma_wait3A_909 = tpu.memref_slice %dma_wait3A_907[%dma_wait3A_908] : memref<1000000xf32, #tpu.memory_space<hbm>> -> memref<1000000xf32, #tpu.memory_space<hbm>>
    %dma_wait3A_910 = tpu.memref_slice %arg13[%dma_wait3A_900] : memref<26x!tpu.dma_semaphore, #tpu.memory_space<semaphore_mem>> -> memref<1x!tpu.dma_semaphore, #tpu.memory_space<semaphore_mem>>
    %dma_wait3A_911 = tpu.memref_squeeze %dma_wait3A_910 : memref<1x!tpu.dma_semaphore, #tpu.memory_space<semaphore_mem>> -> memref<!tpu.dma_semaphore, #tpu.memory_space<semaphore_mem>>
    tpu.wait_indirect_dma semaphore(%dma_wait3A_911 : memref<!tpu.dma_semaphore, #tpu.memory_space<semaphore_mem>>) src(%dma_wait3A_909 : memref<1000000xf32, #tpu.memory_space<hbm>>) dst(%dma_wait3A_902 : memref<512xf32, #tpu.memory_space<vmem>>)
    %scan3A_912 = arith.constant 0 : i32
    %scan3A_913 = arith.constant 0 : i32
    %scan3A_914 = arith.constant 32 : i32
    %scan3A_915 = arith.addi %scan3A_913, %scan3A_914 : i32
    %scan3A_916 = arith.constant 1 : i32
    scf.for %scan3A_1095 = %scan3A_913 to %scan3A_915 step %scan3A_916  : i32 {
      %mul3A_1096 = arith.constant 16 : i32
      %mul3A_1097 = arith.muli %scan3A_1095, %mul3A_1096 : i32
      %multiple_of3A = tpu.assume_multiple %mul3A_1097, 16 : i32
      %add3A_1098 = arith.constant 8192 : i32
      %add3A_1099 = arith.addi %add3A_1098, %multiple_of3A : i32
      %get3A_1100 = arith.index_cast %add3A_1099 : i32 to index
      %get3A_1101 = tpu.vector_load %arg7[%get3A_1100] {strides = array<i32>} : memref<13312xf32, #tpu.memory_space<vmem>>, vector<16xf32>,
      %swap3A = arith.index_cast %multiple_of3A : i32 to index
      %swap3A_1102 = tpu.vector_load %arg8[%swap3A] {strides = array<i32>} : memref<512xf32, #tpu.memory_space<vmem>>, vector<16xf32>,
      tpu.vector_store %arg8[%swap3A], %get3A_1101 {add = true, strides = array<i32>} : memref<512xf32, #tpu.memory_space<vmem>>, vector<16xf32>,
    }
    %scan3A_917 = arith.constant 32 : i32
    %dma_wait3A_918 = arith.constant 0 : i32
    %dma_wait3A_919 = arith.constant 17 : i32
    %dma_wait3A_920 = arith.constant 8704 : i32
    %dma_wait3A_921 = tpu.memref_slice %arg7[%dma_wait3A_920] : memref<13312xf32, #tpu.memory_space<vmem>> -> memref<512xf32, #tpu.memory_space<vmem>>
    %dma_wait3A_922 = arith.constant 8704 : i32
    %dma_wait3A_923 = tpu.memref_slice %arg6[%dma_wait3A_922] : memref<13312xi32, #tpu.memory_space<vmem>> -> memref<512xi32, #tpu.memory_space<vmem>>
    %dma_wait3A_924 = arith.constant 0 : i32
    %dma_wait3A_925 = tpu.memref_slice %arg3[%dma_wait3A_918, %dma_wait3A_924] : memref<1x1000000xf32, #tpu.memory_space<hbm>> -> memref<1x1000000xf32, #tpu.memory_space<hbm>>
    %dma_wait3A_926 = tpu.memref_squeeze %dma_wait3A_925 : memref<1x1000000xf32, #tpu.memory_space<hbm>> -> memref<1000000xf32, #tpu.memory_space<hbm>>
    %dma_wait3A_927 = arith.constant 0 : i32
    %dma_wait3A_928 = tpu.memref_slice %dma_wait3A_926[%dma_wait3A_927] : memref<1000000xf32, #tpu.memory_space<hbm>> -> memref<1000000xf32, #tpu.memory_space<hbm>>
    %dma_wait3A_929 = tpu.memref_slice %arg13[%dma_wait3A_919] : memref<26x!tpu.dma_semaphore, #tpu.memory_space<semaphore_mem>> -> memref<1x!tpu.dma_semaphore, #tpu.memory_space<semaphore_mem>>
    %dma_wait3A_930 = tpu.memref_squeeze %dma_wait3A_929 : memref<1x!tpu.dma_semaphore, #tpu.memory_space<semaphore_mem>> -> memref<!tpu.dma_semaphore, #tpu.memory_space<semaphore_mem>>
    tpu.wait_indirect_dma semaphore(%dma_wait3A_930 : memref<!tpu.dma_semaphore, #tpu.memory_space<semaphore_mem>>) src(%dma_wait3A_928 : memref<1000000xf32, #tpu.memory_space<hbm>>) dst(%dma_wait3A_921 : memref<512xf32, #tpu.memory_space<vmem>>)
    %scan3A_931 = arith.constant 0 : i32
    %scan3A_932 = arith.constant 0 : i32
    %scan3A_933 = arith.constant 32 : i32
    %scan3A_934 = arith.addi %scan3A_932, %scan3A_933 : i32
    %scan3A_935 = arith.constant 1 : i32
    scf.for %scan3A_1095 = %scan3A_932 to %scan3A_934 step %scan3A_935  : i32 {
      %mul3A_1096 = arith.constant 16 : i32
      %mul3A_1097 = arith.muli %scan3A_1095, %mul3A_1096 : i32
      %multiple_of3A = tpu.assume_multiple %mul3A_1097, 16 : i32
      %add3A_1098 = arith.constant 8704 : i32
      %add3A_1099 = arith.addi %add3A_1098, %multiple_of3A : i32
      %get3A_1100 = arith.index_cast %add3A_1099 : i32 to index
      %get3A_1101 = tpu.vector_load %arg7[%get3A_1100] {strides = array<i32>} : memref<13312xf32, #tpu.memory_space<vmem>>, vector<16xf32>,
      %swap3A = arith.index_cast %multiple_of3A : i32 to index
      %swap3A_1102 = tpu.vector_load %arg8[%swap3A] {strides = array<i32>} : memref<512xf32, #tpu.memory_space<vmem>>, vector<16xf32>,
      tpu.vector_store %arg8[%swap3A], %get3A_1101 {add = true, strides = array<i32>} : memref<512xf32, #tpu.memory_space<vmem>>, vector<16xf32>,
    }
    %scan3A_936 = arith.constant 32 : i32
    %dma_wait3A_937 = arith.constant 0 : i32
    %dma_wait3A_938 = arith.constant 18 : i32
    %dma_wait3A_939 = arith.constant 9216 : i32
    %dma_wait3A_940 = tpu.memref_slice %arg7[%dma_wait3A_939] : memref<13312xf32, #tpu.memory_space<vmem>> -> memref<512xf32, #tpu.memory_space<vmem>>
    %dma_wait3A_941 = arith.constant 9216 : i32
    %dma_wait3A_942 = tpu.memref_slice %arg6[%dma_wait3A_941] : memref<13312xi32, #tpu.memory_space<vmem>> -> memref<512xi32, #tpu.memory_space<vmem>>
    %dma_wait3A_943 = arith.constant 0 : i32
    %dma_wait3A_944 = tpu.memref_slice %arg3[%dma_wait3A_937, %dma_wait3A_943] : memref<1x1000000xf32, #tpu.memory_space<hbm>> -> memref<1x1000000xf32, #tpu.memory_space<hbm>>
    %dma_wait3A_945 = tpu.memref_squeeze %dma_wait3A_944 : memref<1x1000000xf32, #tpu.memory_space<hbm>> -> memref<1000000xf32, #tpu.memory_space<hbm>>
    %dma_wait3A_946 = arith.constant 0 : i32
    %dma_wait3A_947 = tpu.memref_slice %dma_wait3A_945[%dma_wait3A_946] : memref<1000000xf32, #tpu.memory_space<hbm>> -> memref<1000000xf32, #tpu.memory_space<hbm>>
    %dma_wait3A_948 = tpu.memref_slice %arg13[%dma_wait3A_938] : memref<26x!tpu.dma_semaphore, #tpu.memory_space<semaphore_mem>> -> memref<1x!tpu.dma_semaphore, #tpu.memory_space<semaphore_mem>>
    %dma_wait3A_949 = tpu.memref_squeeze %dma_wait3A_948 : memref<1x!tpu.dma_semaphore, #tpu.memory_space<semaphore_mem>> -> memref<!tpu.dma_semaphore, #tpu.memory_space<semaphore_mem>>
    tpu.wait_indirect_dma semaphore(%dma_wait3A_949 : memref<!tpu.dma_semaphore, #tpu.memory_space<semaphore_mem>>) src(%dma_wait3A_947 : memref<1000000xf32, #tpu.memory_space<hbm>>) dst(%dma_wait3A_940 : memref<512xf32, #tpu.memory_space<vmem>>)
    %scan3A_950 = arith.constant 0 : i32
    %scan3A_951 = arith.constant 0 : i32
    %scan3A_952 = arith.constant 32 : i32
    %scan3A_953 = arith.addi %scan3A_951, %scan3A_952 : i32
    %scan3A_954 = arith.constant 1 : i32
    scf.for %scan3A_1095 = %scan3A_951 to %scan3A_953 step %scan3A_954  : i32 {
      %mul3A_1096 = arith.constant 16 : i32
      %mul3A_1097 = arith.muli %scan3A_1095, %mul3A_1096 : i32
      %multiple_of3A = tpu.assume_multiple %mul3A_1097, 16 : i32
      %add3A_1098 = arith.constant 9216 : i32
      %add3A_1099 = arith.addi %add3A_1098, %multiple_of3A : i32
      %get3A_1100 = arith.index_cast %add3A_1099 : i32 to index
      %get3A_1101 = tpu.vector_load %arg7[%get3A_1100] {strides = array<i32>} : memref<13312xf32, #tpu.memory_space<vmem>>, vector<16xf32>,
      %swap3A = arith.index_cast %multiple_of3A : i32 to index
      %swap3A_1102 = tpu.vector_load %arg8[%swap3A] {strides = array<i32>} : memref<512xf32, #tpu.memory_space<vmem>>, vector<16xf32>,
      tpu.vector_store %arg8[%swap3A], %get3A_1101 {add = true, strides = array<i32>} : memref<512xf32, #tpu.memory_space<vmem>>, vector<16xf32>,
    }
    %scan3A_955 = arith.constant 32 : i32
    %dma_wait3A_956 = arith.constant 0 : i32
    %dma_wait3A_957 = arith.constant 19 : i32
    %dma_wait3A_958 = arith.constant 9728 : i32
    %dma_wait3A_959 = tpu.memref_slice %arg7[%dma_wait3A_958] : memref<13312xf32, #tpu.memory_space<vmem>> -> memref<512xf32, #tpu.memory_space<vmem>>
    %dma_wait3A_960 = arith.constant 9728 : i32
    %dma_wait3A_961 = tpu.memref_slice %arg6[%dma_wait3A_960] : memref<13312xi32, #tpu.memory_space<vmem>> -> memref<512xi32, #tpu.memory_space<vmem>>
    %dma_wait3A_962 = arith.constant 0 : i32
    %dma_wait3A_963 = tpu.memref_slice %arg3[%dma_wait3A_956, %dma_wait3A_962] : memref<1x1000000xf32, #tpu.memory_space<hbm>> -> memref<1x1000000xf32, #tpu.memory_space<hbm>>
    %dma_wait3A_964 = tpu.memref_squeeze %dma_wait3A_963 : memref<1x1000000xf32, #tpu.memory_space<hbm>> -> memref<1000000xf32, #tpu.memory_space<hbm>>
    %dma_wait3A_965 = arith.constant 0 : i32
    %dma_wait3A_966 = tpu.memref_slice %dma_wait3A_964[%dma_wait3A_965] : memref<1000000xf32, #tpu.memory_space<hbm>> -> memref<1000000xf32, #tpu.memory_space<hbm>>
    %dma_wait3A_967 = tpu.memref_slice %arg13[%dma_wait3A_957] : memref<26x!tpu.dma_semaphore, #tpu.memory_space<semaphore_mem>> -> memref<1x!tpu.dma_semaphore, #tpu.memory_space<semaphore_mem>>
    %dma_wait3A_968 = tpu.memref_squeeze %dma_wait3A_967 : memref<1x!tpu.dma_semaphore, #tpu.memory_space<semaphore_mem>> -> memref<!tpu.dma_semaphore, #tpu.memory_space<semaphore_mem>>
    tpu.wait_indirect_dma semaphore(%dma_wait3A_968 : memref<!tpu.dma_semaphore, #tpu.memory_space<semaphore_mem>>) src(%dma_wait3A_966 : memref<1000000xf32, #tpu.memory_space<hbm>>) dst(%dma_wait3A_959 : memref<512xf32, #tpu.memory_space<vmem>>)
    %scan3A_969 = arith.constant 0 : i32
    %scan3A_970 = arith.constant 0 : i32
    %scan3A_971 = arith.constant 32 : i32
    %scan3A_972 = arith.addi %scan3A_970, %scan3A_971 : i32
    %scan3A_973 = arith.constant 1 : i32
    scf.for %scan3A_1095 = %scan3A_970 to %scan3A_972 step %scan3A_973  : i32 {
      %mul3A_1096 = arith.constant 16 : i32
      %mul3A_1097 = arith.muli %scan3A_1095, %mul3A_1096 : i32
      %multiple_of3A = tpu.assume_multiple %mul3A_1097, 16 : i32
      %add3A_1098 = arith.constant 9728 : i32
      %add3A_1099 = arith.addi %add3A_1098, %multiple_of3A : i32
      %get3A_1100 = arith.index_cast %add3A_1099 : i32 to index
      %get3A_1101 = tpu.vector_load %arg7[%get3A_1100] {strides = array<i32>} : memref<13312xf32, #tpu.memory_space<vmem>>, vector<16xf32>,
      %swap3A = arith.index_cast %multiple_of3A : i32 to index
      %swap3A_1102 = tpu.vector_load %arg8[%swap3A] {strides = array<i32>} : memref<512xf32, #tpu.memory_space<vmem>>, vector<16xf32>,
      tpu.vector_store %arg8[%swap3A], %get3A_1101 {add = true, strides = array<i32>} : memref<512xf32, #tpu.memory_space<vmem>>, vector<16xf32>,
    }
    %scan3A_974 = arith.constant 32 : i32
    %dma_wait3A_975 = arith.constant 0 : i32
    %dma_wait3A_976 = arith.constant 20 : i32
    %dma_wait3A_977 = arith.constant 10240 : i32
    %dma_wait3A_978 = tpu.memref_slice %arg7[%dma_wait3A_977] : memref<13312xf32, #tpu.memory_space<vmem>> -> memref<512xf32, #tpu.memory_space<vmem>>
    %dma_wait3A_979 = arith.constant 10240 : i32
    %dma_wait3A_980 = tpu.memref_slice %arg6[%dma_wait3A_979] : memref<13312xi32, #tpu.memory_space<vmem>> -> memref<512xi32, #tpu.memory_space<vmem>>
    %dma_wait3A_981 = arith.constant 0 : i32
    %dma_wait3A_982 = tpu.memref_slice %arg3[%dma_wait3A_975, %dma_wait3A_981] : memref<1x1000000xf32, #tpu.memory_space<hbm>> -> memref<1x1000000xf32, #tpu.memory_space<hbm>>
    %dma_wait3A_983 = tpu.memref_squeeze %dma_wait3A_982 : memref<1x1000000xf32, #tpu.memory_space<hbm>> -> memref<1000000xf32, #tpu.memory_space<hbm>>
    %dma_wait3A_984 = arith.constant 0 : i32
    %dma_wait3A_985 = tpu.memref_slice %dma_wait3A_983[%dma_wait3A_984] : memref<1000000xf32, #tpu.memory_space<hbm>> -> memref<1000000xf32, #tpu.memory_space<hbm>>
    %dma_wait3A_986 = tpu.memref_slice %arg13[%dma_wait3A_976] : memref<26x!tpu.dma_semaphore, #tpu.memory_space<semaphore_mem>> -> memref<1x!tpu.dma_semaphore, #tpu.memory_space<semaphore_mem>>
    %dma_wait3A_987 = tpu.memref_squeeze %dma_wait3A_986 : memref<1x!tpu.dma_semaphore, #tpu.memory_space<semaphore_mem>> -> memref<!tpu.dma_semaphore, #tpu.memory_space<semaphore_mem>>
    tpu.wait_indirect_dma semaphore(%dma_wait3A_987 : memref<!tpu.dma_semaphore, #tpu.memory_space<semaphore_mem>>) src(%dma_wait3A_985 : memref<1000000xf32, #tpu.memory_space<hbm>>) dst(%dma_wait3A_978 : memref<512xf32, #tpu.memory_space<vmem>>)
    %scan3A_988 = arith.constant 0 : i32
    %scan3A_989 = arith.constant 0 : i32
    %scan3A_990 = arith.constant 32 : i32
    %scan3A_991 = arith.addi %scan3A_989, %scan3A_990 : i32
    %scan3A_992 = arith.constant 1 : i32
    scf.for %scan3A_1095 = %scan3A_989 to %scan3A_991 step %scan3A_992  : i32 {
      %mul3A_1096 = arith.constant 16 : i32
      %mul3A_1097 = arith.muli %scan3A_1095, %mul3A_1096 : i32
      %multiple_of3A = tpu.assume_multiple %mul3A_1097, 16 : i32
      %add3A_1098 = arith.constant 10240 : i32
      %add3A_1099 = arith.addi %add3A_1098, %multiple_of3A : i32
      %get3A_1100 = arith.index_cast %add3A_1099 : i32 to index
      %get3A_1101 = tpu.vector_load %arg7[%get3A_1100] {strides = array<i32>} : memref<13312xf32, #tpu.memory_space<vmem>>, vector<16xf32>,
      %swap3A = arith.index_cast %multiple_of3A : i32 to index
      %swap3A_1102 = tpu.vector_load %arg8[%swap3A] {strides = array<i32>} : memref<512xf32, #tpu.memory_space<vmem>>, vector<16xf32>,
      tpu.vector_store %arg8[%swap3A], %get3A_1101 {add = true, strides = array<i32>} : memref<512xf32, #tpu.memory_space<vmem>>, vector<16xf32>,
    }
    %scan3A_993 = arith.constant 32 : i32
    %dma_wait3A_994 = arith.constant 0 : i32
    %dma_wait3A_995 = arith.constant 21 : i32
    %dma_wait3A_996 = arith.constant 10752 : i32
    %dma_wait3A_997 = tpu.memref_slice %arg7[%dma_wait3A_996] : memref<13312xf32, #tpu.memory_space<vmem>> -> memref<512xf32, #tpu.memory_space<vmem>>
    %dma_wait3A_998 = arith.constant 10752 : i32
    %dma_wait3A_999 = tpu.memref_slice %arg6[%dma_wait3A_998] : memref<13312xi32, #tpu.memory_space<vmem>> -> memref<512xi32, #tpu.memory_space<vmem>>
    %dma_wait3A_1000 = arith.constant 0 : i32
    %dma_wait3A_1001 = tpu.memref_slice %arg3[%dma_wait3A_994, %dma_wait3A_1000] : memref<1x1000000xf32, #tpu.memory_space<hbm>> -> memref<1x1000000xf32, #tpu.memory_space<hbm>>
    %dma_wait3A_1002 = tpu.memref_squeeze %dma_wait3A_1001 : memref<1x1000000xf32, #tpu.memory_space<hbm>> -> memref<1000000xf32, #tpu.memory_space<hbm>>
    %dma_wait3A_1003 = arith.constant 0 : i32
    %dma_wait3A_1004 = tpu.memref_slice %dma_wait3A_1002[%dma_wait3A_1003] : memref<1000000xf32, #tpu.memory_space<hbm>> -> memref<1000000xf32, #tpu.memory_space<hbm>>
    %dma_wait3A_1005 = tpu.memref_slice %arg13[%dma_wait3A_995] : memref<26x!tpu.dma_semaphore, #tpu.memory_space<semaphore_mem>> -> memref<1x!tpu.dma_semaphore, #tpu.memory_space<semaphore_mem>>
    %dma_wait3A_1006 = tpu.memref_squeeze %dma_wait3A_1005 : memref<1x!tpu.dma_semaphore, #tpu.memory_space<semaphore_mem>> -> memref<!tpu.dma_semaphore, #tpu.memory_space<semaphore_mem>>
    tpu.wait_indirect_dma semaphore(%dma_wait3A_1006 : memref<!tpu.dma_semaphore, #tpu.memory_space<semaphore_mem>>) src(%dma_wait3A_1004 : memref<1000000xf32, #tpu.memory_space<hbm>>) dst(%dma_wait3A_997 : memref<512xf32, #tpu.memory_space<vmem>>)
    %scan3A_1007 = arith.constant 0 : i32
    %scan3A_1008 = arith.constant 0 : i32
    %scan3A_1009 = arith.constant 32 : i32
    %scan3A_1010 = arith.addi %scan3A_1008, %scan3A_1009 : i32
    %scan3A_1011 = arith.constant 1 : i32
    scf.for %scan3A_1095 = %scan3A_1008 to %scan3A_1010 step %scan3A_1011  : i32 {
      %mul3A_1096 = arith.constant 16 : i32
      %mul3A_1097 = arith.muli %scan3A_1095, %mul3A_1096 : i32
      %multiple_of3A = tpu.assume_multiple %mul3A_1097, 16 : i32
      %add3A_1098 = arith.constant 10752 : i32
      %add3A_1099 = arith.addi %add3A_1098, %multiple_of3A : i32
      %get3A_1100 = arith.index_cast %add3A_1099 : i32 to index
      %get3A_1101 = tpu.vector_load %arg7[%get3A_1100] {strides = array<i32>} : memref<13312xf32, #tpu.memory_space<vmem>>, vector<16xf32>,
      %swap3A = arith.index_cast %multiple_of3A : i32 to index
      %swap3A_1102 = tpu.vector_load %arg8[%swap3A] {strides = array<i32>} : memref<512xf32, #tpu.memory_space<vmem>>, vector<16xf32>,
      tpu.vector_store %arg8[%swap3A], %get3A_1101 {add = true, strides = array<i32>} : memref<512xf32, #tpu.memory_space<vmem>>, vector<16xf32>,
    }
    %scan3A_1012 = arith.constant 32 : i32
    %dma_wait3A_1013 = arith.constant 0 : i32
    %dma_wait3A_1014 = arith.constant 22 : i32
    %dma_wait3A_1015 = arith.constant 11264 : i32
    %dma_wait3A_1016 = tpu.memref_slice %arg7[%dma_wait3A_1015] : memref<13312xf32, #tpu.memory_space<vmem>> -> memref<512xf32, #tpu.memory_space<vmem>>
    %dma_wait3A_1017 = arith.constant 11264 : i32
    %dma_wait3A_1018 = tpu.memref_slice %arg6[%dma_wait3A_1017] : memref<13312xi32, #tpu.memory_space<vmem>> -> memref<512xi32, #tpu.memory_space<vmem>>
    %dma_wait3A_1019 = arith.constant 0 : i32
    %dma_wait3A_1020 = tpu.memref_slice %arg3[%dma_wait3A_1013, %dma_wait3A_1019] : memref<1x1000000xf32, #tpu.memory_space<hbm>> -> memref<1x1000000xf32, #tpu.memory_space<hbm>>
    %dma_wait3A_1021 = tpu.memref_squeeze %dma_wait3A_1020 : memref<1x1000000xf32, #tpu.memory_space<hbm>> -> memref<1000000xf32, #tpu.memory_space<hbm>>
    %dma_wait3A_1022 = arith.constant 0 : i32
    %dma_wait3A_1023 = tpu.memref_slice %dma_wait3A_1021[%dma_wait3A_1022] : memref<1000000xf32, #tpu.memory_space<hbm>> -> memref<1000000xf32, #tpu.memory_space<hbm>>
    %dma_wait3A_1024 = tpu.memref_slice %arg13[%dma_wait3A_1014] : memref<26x!tpu.dma_semaphore, #tpu.memory_space<semaphore_mem>> -> memref<1x!tpu.dma_semaphore, #tpu.memory_space<semaphore_mem>>
    %dma_wait3A_1025 = tpu.memref_squeeze %dma_wait3A_1024 : memref<1x!tpu.dma_semaphore, #tpu.memory_space<semaphore_mem>> -> memref<!tpu.dma_semaphore, #tpu.memory_space<semaphore_mem>>
    tpu.wait_indirect_dma semaphore(%dma_wait3A_1025 : memref<!tpu.dma_semaphore, #tpu.memory_space<semaphore_mem>>) src(%dma_wait3A_1023 : memref<1000000xf32, #tpu.memory_space<hbm>>) dst(%dma_wait3A_1016 : memref<512xf32, #tpu.memory_space<vmem>>)
    %scan3A_1026 = arith.constant 0 : i32
    %scan3A_1027 = arith.constant 0 : i32
    %scan3A_1028 = arith.constant 32 : i32
    %scan3A_1029 = arith.addi %scan3A_1027, %scan3A_1028 : i32
    %scan3A_1030 = arith.constant 1 : i32
    scf.for %scan3A_1095 = %scan3A_1027 to %scan3A_1029 step %scan3A_1030  : i32 {
      %mul3A_1096 = arith.constant 16 : i32
      %mul3A_1097 = arith.muli %scan3A_1095, %mul3A_1096 : i32
      %multiple_of3A = tpu.assume_multiple %mul3A_1097, 16 : i32
      %add3A_1098 = arith.constant 11264 : i32
      %add3A_1099 = arith.addi %add3A_1098, %multiple_of3A : i32
      %get3A_1100 = arith.index_cast %add3A_1099 : i32 to index
      %get3A_1101 = tpu.vector_load %arg7[%get3A_1100] {strides = array<i32>} : memref<13312xf32, #tpu.memory_space<vmem>>, vector<16xf32>,
      %swap3A = arith.index_cast %multiple_of3A : i32 to index
      %swap3A_1102 = tpu.vector_load %arg8[%swap3A] {strides = array<i32>} : memref<512xf32, #tpu.memory_space<vmem>>, vector<16xf32>,
      tpu.vector_store %arg8[%swap3A], %get3A_1101 {add = true, strides = array<i32>} : memref<512xf32, #tpu.memory_space<vmem>>, vector<16xf32>,
    }
    %scan3A_1031 = arith.constant 32 : i32
    %dma_wait3A_1032 = arith.constant 0 : i32
    %dma_wait3A_1033 = arith.constant 23 : i32
    %dma_wait3A_1034 = arith.constant 11776 : i32
    %dma_wait3A_1035 = tpu.memref_slice %arg7[%dma_wait3A_1034] : memref<13312xf32, #tpu.memory_space<vmem>> -> memref<512xf32, #tpu.memory_space<vmem>>
    %dma_wait3A_1036 = arith.constant 11776 : i32
    %dma_wait3A_1037 = tpu.memref_slice %arg6[%dma_wait3A_1036] : memref<13312xi32, #tpu.memory_space<vmem>> -> memref<512xi32, #tpu.memory_space<vmem>>
    %dma_wait3A_1038 = arith.constant 0 : i32
    %dma_wait3A_1039 = tpu.memref_slice %arg3[%dma_wait3A_1032, %dma_wait3A_1038] : memref<1x1000000xf32, #tpu.memory_space<hbm>> -> memref<1x1000000xf32, #tpu.memory_space<hbm>>
    %dma_wait3A_1040 = tpu.memref_squeeze %dma_wait3A_1039 : memref<1x1000000xf32, #tpu.memory_space<hbm>> -> memref<1000000xf32, #tpu.memory_space<hbm>>
    %dma_wait3A_1041 = arith.constant 0 : i32
    %dma_wait3A_1042 = tpu.memref_slice %dma_wait3A_1040[%dma_wait3A_1041] : memref<1000000xf32, #tpu.memory_space<hbm>> -> memref<1000000xf32, #tpu.memory_space<hbm>>
    %dma_wait3A_1043 = tpu.memref_slice %arg13[%dma_wait3A_1033] : memref<26x!tpu.dma_semaphore, #tpu.memory_space<semaphore_mem>> -> memref<1x!tpu.dma_semaphore, #tpu.memory_space<semaphore_mem>>
    %dma_wait3A_1044 = tpu.memref_squeeze %dma_wait3A_1043 : memref<1x!tpu.dma_semaphore, #tpu.memory_space<semaphore_mem>> -> memref<!tpu.dma_semaphore, #tpu.memory_space<semaphore_mem>>
    tpu.wait_indirect_dma semaphore(%dma_wait3A_1044 : memref<!tpu.dma_semaphore, #tpu.memory_space<semaphore_mem>>) src(%dma_wait3A_1042 : memref<1000000xf32, #tpu.memory_space<hbm>>) dst(%dma_wait3A_1035 : memref<512xf32, #tpu.memory_space<vmem>>)
    %scan3A_1045 = arith.constant 0 : i32
    %scan3A_1046 = arith.constant 0 : i32
    %scan3A_1047 = arith.constant 32 : i32
    %scan3A_1048 = arith.addi %scan3A_1046, %scan3A_1047 : i32
    %scan3A_1049 = arith.constant 1 : i32
    scf.for %scan3A_1095 = %scan3A_1046 to %scan3A_1048 step %scan3A_1049  : i32 {
      %mul3A_1096 = arith.constant 16 : i32
      %mul3A_1097 = arith.muli %scan3A_1095, %mul3A_1096 : i32
      %multiple_of3A = tpu.assume_multiple %mul3A_1097, 16 : i32
      %add3A_1098 = arith.constant 11776 : i32
      %add3A_1099 = arith.addi %add3A_1098, %multiple_of3A : i32
      %get3A_1100 = arith.index_cast %add3A_1099 : i32 to index
      %get3A_1101 = tpu.vector_load %arg7[%get3A_1100] {strides = array<i32>} : memref<13312xf32, #tpu.memory_space<vmem>>, vector<16xf32>,
      %swap3A = arith.index_cast %multiple_of3A : i32 to index
      %swap3A_1102 = tpu.vector_load %arg8[%swap3A] {strides = array<i32>} : memref<512xf32, #tpu.memory_space<vmem>>, vector<16xf32>,
      tpu.vector_store %arg8[%swap3A], %get3A_1101 {add = true, strides = array<i32>} : memref<512xf32, #tpu.memory_space<vmem>>, vector<16xf32>,
    }
    %scan3A_1050 = arith.constant 32 : i32
    %dma_wait3A_1051 = arith.constant 0 : i32
    %dma_wait3A_1052 = arith.constant 24 : i32
    %dma_wait3A_1053 = arith.constant 12288 : i32
    %dma_wait3A_1054 = tpu.memref_slice %arg7[%dma_wait3A_1053] : memref<13312xf32, #tpu.memory_space<vmem>> -> memref<512xf32, #tpu.memory_space<vmem>>
    %dma_wait3A_1055 = arith.constant 12288 : i32
    %dma_wait3A_1056 = tpu.memref_slice %arg6[%dma_wait3A_1055] : memref<13312xi32, #tpu.memory_space<vmem>> -> memref<512xi32, #tpu.memory_space<vmem>>
    %dma_wait3A_1057 = arith.constant 0 : i32
    %dma_wait3A_1058 = tpu.memref_slice %arg3[%dma_wait3A_1051, %dma_wait3A_1057] : memref<1x1000000xf32, #tpu.memory_space<hbm>> -> memref<1x1000000xf32, #tpu.memory_space<hbm>>
    %dma_wait3A_1059 = tpu.memref_squeeze %dma_wait3A_1058 : memref<1x1000000xf32, #tpu.memory_space<hbm>> -> memref<1000000xf32, #tpu.memory_space<hbm>>
    %dma_wait3A_1060 = arith.constant 0 : i32
    %dma_wait3A_1061 = tpu.memref_slice %dma_wait3A_1059[%dma_wait3A_1060] : memref<1000000xf32, #tpu.memory_space<hbm>> -> memref<1000000xf32, #tpu.memory_space<hbm>>
    %dma_wait3A_1062 = tpu.memref_slice %arg13[%dma_wait3A_1052] : memref<26x!tpu.dma_semaphore, #tpu.memory_space<semaphore_mem>> -> memref<1x!tpu.dma_semaphore, #tpu.memory_space<semaphore_mem>>
    %dma_wait3A_1063 = tpu.memref_squeeze %dma_wait3A_1062 : memref<1x!tpu.dma_semaphore, #tpu.memory_space<semaphore_mem>> -> memref<!tpu.dma_semaphore, #tpu.memory_space<semaphore_mem>>
    tpu.wait_indirect_dma semaphore(%dma_wait3A_1063 : memref<!tpu.dma_semaphore, #tpu.memory_space<semaphore_mem>>) src(%dma_wait3A_1061 : memref<1000000xf32, #tpu.memory_space<hbm>>) dst(%dma_wait3A_1054 : memref<512xf32, #tpu.memory_space<vmem>>)
    %scan3A_1064 = arith.constant 0 : i32
    %scan3A_1065 = arith.constant 0 : i32
    %scan3A_1066 = arith.constant 32 : i32
    %scan3A_1067 = arith.addi %scan3A_1065, %scan3A_1066 : i32
    %scan3A_1068 = arith.constant 1 : i32
    scf.for %scan3A_1095 = %scan3A_1065 to %scan3A_1067 step %scan3A_1068  : i32 {
      %mul3A_1096 = arith.constant 16 : i32
      %mul3A_1097 = arith.muli %scan3A_1095, %mul3A_1096 : i32
      %multiple_of3A = tpu.assume_multiple %mul3A_1097, 16 : i32
      %add3A_1098 = arith.constant 12288 : i32
      %add3A_1099 = arith.addi %add3A_1098, %multiple_of3A : i32
      %get3A_1100 = arith.index_cast %add3A_1099 : i32 to index
      %get3A_1101 = tpu.vector_load %arg7[%get3A_1100] {strides = array<i32>} : memref<13312xf32, #tpu.memory_space<vmem>>, vector<16xf32>,
      %swap3A = arith.index_cast %multiple_of3A : i32 to index
      %swap3A_1102 = tpu.vector_load %arg8[%swap3A] {strides = array<i32>} : memref<512xf32, #tpu.memory_space<vmem>>, vector<16xf32>,
      tpu.vector_store %arg8[%swap3A], %get3A_1101 {add = true, strides = array<i32>} : memref<512xf32, #tpu.memory_space<vmem>>, vector<16xf32>,
    }
    %scan3A_1069 = arith.constant 32 : i32
    %dma_wait3A_1070 = arith.constant 0 : i32
    %dma_wait3A_1071 = arith.constant 25 : i32
    %dma_wait3A_1072 = arith.constant 12800 : i32
    %dma_wait3A_1073 = tpu.memref_slice %arg7[%dma_wait3A_1072] : memref<13312xf32, #tpu.memory_space<vmem>> -> memref<512xf32, #tpu.memory_space<vmem>>
    %dma_wait3A_1074 = arith.constant 12800 : i32
    %dma_wait3A_1075 = tpu.memref_slice %arg6[%dma_wait3A_1074] : memref<13312xi32, #tpu.memory_space<vmem>> -> memref<512xi32, #tpu.memory_space<vmem>>
    %dma_wait3A_1076 = arith.constant 0 : i32
    %dma_wait3A_1077 = tpu.memref_slice %arg3[%dma_wait3A_1070, %dma_wait3A_1076] : memref<1x1000000xf32, #tpu.memory_space<hbm>> -> memref<1x1000000xf32, #tpu.memory_space<hbm>>
    %dma_wait3A_1078 = tpu.memref_squeeze %dma_wait3A_1077 : memref<1x1000000xf32, #tpu.memory_space<hbm>> -> memref<1000000xf32, #tpu.memory_space<hbm>>
    %dma_wait3A_1079 = arith.constant 0 : i32
    %dma_wait3A_1080 = tpu.memref_slice %dma_wait3A_1078[%dma_wait3A_1079] : memref<1000000xf32, #tpu.memory_space<hbm>> -> memref<1000000xf32, #tpu.memory_space<hbm>>
    %dma_wait3A_1081 = tpu.memref_slice %arg13[%dma_wait3A_1071] : memref<26x!tpu.dma_semaphore, #tpu.memory_space<semaphore_mem>> -> memref<1x!tpu.dma_semaphore, #tpu.memory_space<semaphore_mem>>
    %dma_wait3A_1082 = tpu.memref_squeeze %dma_wait3A_1081 : memref<1x!tpu.dma_semaphore, #tpu.memory_space<semaphore_mem>> -> memref<!tpu.dma_semaphore, #tpu.memory_space<semaphore_mem>>
    tpu.wait_indirect_dma semaphore(%dma_wait3A_1082 : memref<!tpu.dma_semaphore, #tpu.memory_space<semaphore_mem>>) src(%dma_wait3A_1080 : memref<1000000xf32, #tpu.memory_space<hbm>>) dst(%dma_wait3A_1073 : memref<512xf32, #tpu.memory_space<vmem>>)
    %scan3A_1083 = arith.constant 0 : i32
    %scan3A_1084 = arith.constant 0 : i32
    %scan3A_1085 = arith.constant 32 : i32
    %scan3A_1086 = arith.addi %scan3A_1084, %scan3A_1085 : i32
    %scan3A_1087 = arith.constant 1 : i32
    scf.for %scan3A_1095 = %scan3A_1084 to %scan3A_1086 step %scan3A_1087  : i32 {
      %mul3A_1096 = arith.constant 16 : i32
      %mul3A_1097 = arith.muli %scan3A_1095, %mul3A_1096 : i32
      %multiple_of3A = tpu.assume_multiple %mul3A_1097, 16 : i32
      %add3A_1098 = arith.constant 12800 : i32
      %add3A_1099 = arith.addi %add3A_1098, %multiple_of3A : i32
      %get3A_1100 = arith.index_cast %add3A_1099 : i32 to index
      %get3A_1101 = tpu.vector_load %arg7[%get3A_1100] {strides = array<i32>} : memref<13312xf32, #tpu.memory_space<vmem>>, vector<16xf32>,
      %swap3A = arith.index_cast %multiple_of3A : i32 to index
      %swap3A_1102 = tpu.vector_load %arg8[%swap3A] {strides = array<i32>} : memref<512xf32, #tpu.memory_space<vmem>>, vector<16xf32>,
      tpu.vector_store %arg8[%swap3A], %get3A_1101 {add = true, strides = array<i32>} : memref<512xf32, #tpu.memory_space<vmem>>, vector<16xf32>,
    }
    %scan3A_1088 = arith.constant 32 : i32
    %scan3A_1089 = arith.constant 0 : i32
    %scan3A_1090 = arith.constant 0 : i32
    %scan3A_1091 = arith.constant 32 : i32
    %scan3A_1092 = arith.addi %scan3A_1090, %scan3A_1091 : i32
    %scan3A_1093 = arith.constant 1 : i32
    scf.for %scan3A_1095 = %scan3A_1090 to %scan3A_1092 step %scan3A_1093  : i32 {
      %mul3A_1096 = arith.constant 16 : i32
      %mul3A_1097 = arith.muli %scan3A_1095, %mul3A_1096 : i32
      %multiple_of3A = tpu.assume_multiple %mul3A_1097, 16 : i32
      %get3A_1098 = arith.index_cast %multiple_of3A : i32 to index
      %get3A_1099 = tpu.vector_load %arg8[%get3A_1098] {strides = array<i32>} : memref<512xf32, #tpu.memory_space<vmem>>, vector<16xf32>,
      %neg3A = arith.constant 0.000000e+00 : f32
      %neg3A_1100 = vector.broadcast %neg3A : f32 to vector<16xf32>
      %neg3A_1101 = arith.subf %neg3A_1100, %get3A_1099 : vector<16xf32>
      %exp3A = math.exp %neg3A_1101 : vector<16xf32>
      %add3A_1102 = arith.constant 1.000000e+00 : f32
      %add3A_1103 = vector.broadcast %add3A_1102 : f32 to vector<16xf32>
      %add3A_1104 = arith.addf %add3A_1103, %exp3A : vector<16xf32>
      %div3A = arith.constant 1.000000e+00 : f32
      %div3A_1105 = vector.broadcast %div3A : f32 to vector<16xf32>
      %div3A_1106 = arith.divf %div3A_1105, %add3A_1104 : vector<16xf32>
      %swap3A = arith.index_cast %multiple_of3A : i32 to index
      %swap3A_1107 = tpu.vector_load %arg9[%swap3A] {strides = array<i32>} : memref<512xf32, #tpu.memory_space<vmem>>, vector<16xf32>,
      tpu.vector_store %arg9[%swap3A], %div3A_1106 {strides = array<i32>} : memref<512xf32, #tpu.memory_space<vmem>>, vector<16xf32>,
    }
    %scan3A_1094 = arith.constant 32 : i32
    "tpu.region"() ({
      %run_scoped3A = tpu.sem_alloc : memref<!tpu.dma_semaphore, #tpu.memory_space<semaphore_mem>>
      %dma_start3A_1095 = tpu.memref_slice %arg5[%mul3A_2] : memref<16384xf32, #tpu.memory_space<hbm>> -> memref<512xf32, #tpu.memory_space<hbm>>
      %dma_start3A_1096 = tpu.memref_slice %arg5[%mul3A_2] : memref<16384xf32, #tpu.memory_space<hbm>> -> memref<512xf32, #tpu.memory_space<hbm>>
      tpu.enqueue_dma source(%arg9 : memref<512xf32, #tpu.memory_space<vmem>>) target(%dma_start3A_1096 : memref<512xf32, #tpu.memory_space<hbm>>) target_semaphore(%run_scoped3A : memref<!tpu.dma_semaphore, #tpu.memory_space<semaphore_mem>>)
      %dma_wait3A_1097 = tpu.memref_slice %arg5[%mul3A_2] : memref<16384xf32, #tpu.memory_space<hbm>> -> memref<512xf32, #tpu.memory_space<hbm>>
      %dma_wait3A_1098 = tpu.memref_slice %arg5[%mul3A_2] : memref<16384xf32, #tpu.memory_space<hbm>> -> memref<512xf32, #tpu.memory_space<hbm>>
      tpu.wait_dma2 semaphore(%run_scoped3A : memref<!tpu.dma_semaphore, #tpu.memory_space<semaphore_mem>>) src(%arg9 : memref<512xf32, #tpu.memory_space<vmem>>) dst(%dma_wait3A_1098 : memref<512xf32, #tpu.memory_space<hbm>>)
      tpu.yield
    }) : () -> ()
    return
  }
}

</mosaic_0001>

<sc_bundles>
// kernel: kernel.3.cloned.1.call-start
scs
__scs_entry_jumppad:
0x0: {  	(pc) =	sbr.rel $0x88, $3  }
0x1: {  	(tag) =	ssettag $0x0;
	lr =	simm.s32 $0x1  }
0x2: {  	[smem:$0x3F9E] =	sst lr;
	_ =	strace $0xD0000000  }
0x3: {  	_ = 	snop  }
0x4: {  	_ = 	snop  }
0x5: {  	_ = 	snop  }
0x6: {  	_ = 	snop  }
0x7: {  	_ = 	snop  }
__scs_overlays_trampoline_lowered:
0x8: {  	[smem:$0x3FAD] =	sst s0  }
0x9: {  	[smem:$0x3FAE] =	sst s1  }
0xa: {  	[smem:$0x3FAF] =	sst s2  }
0xb: {  	[smem:$0x3FB0] =	sst s3  }
0xc: {  	[smem:$0x3FB1] =	sst s4  }
0xd: {  	[smem:$0x3FB2] =	sst s5  }
0xe: {  	[smem:$0x3FB3] =	sst s6  }
0xf: {  	[smem:$0x3FB4] =	sst s7  }
0x10: {  	[smem:$0x3FB5] =	sst s8  }
0x11: {  	[smem:$0x3FB6] =	sst s9;
	s0 =	simm.s32 @!p0 $0x0  }
0x12: {  	s1 =	sld [smem:$0x3F9C];
	s0 =	simm.s32 @p0 $0x1  }
0x13: {  	[smem:$0x3FB7] =	sst s0;
	s0 =	simm.s32 @!p1 $0x0  }
0x14: {  	s2 =	sld [smem:$0x3F9B];
	s0 =	simm.s32 @p1 $0x1  }
0x15: {  	[smem:$0x3FB8] =	sst s0;
	s0 =	simm.s32 @!p2 $0x0  }
0x16: {  	s3 =	sld [smem:$0x3FDB];
	s0 =	simm.s32 @p2 $0x1  }
0x17: {  	s4 =	simm.s32 $0x1BF5;
	[smem:$0x3FBA] =	sst s0  }
0x18: {  	s0 =	sld [smem:$0x3F9D];
	_ =	swait.ge [sflag:s4], $0x0  }
0x19: {  	s7 =	sld [smem:$0x3F9E]  }
0x1a: {  	s8 =	sadd.s32 $0xFFFFE003, lr  }
0x1b: {  	s9 =	sadd.s32 $0xFFFFFEF7, lr;
	s5 =	simm.s32 $0xFFFFFFFF;
	p2 =	slt.u32 s8, $0xFFFFF086  }
0x1c: {  	p1 =	slt.u32 s9, $0xF7A;
	s5 =	simm.s32 @!p2 $0x0  }
0x1d: {  	s5 =	simm.s32 @p1 $0x1;
	p0 =	seq.s32 s7, s2  }
0x1e: {  	s7 =	smul.u32 @!p0 $0xF7A, s2;
	p2 =	seq.s32 @!p0 s5, $0x0  }
0x1f: {  	s9 =	smul.u32 $0xF7A, s1;
	s8 =	simm.s32 @!p0 $0x1BF5;
	p2 =	por !p2, p0  }
0x20: {  	[sflag:s8] =	ssyncset.s32 @!p0 $0xFFFFF086;
	s6 =	sadd.s32 @!p0 s3, s7;
	s7 =	simm.s32 @!p0 $0x108  }
0x21: {  	s3 =	sadd.s32 s3, s9;
	s6 =	sadd.s32 @!p0 $0x88, s6;
	s7 =	simm.s32 @p2 $0x1082  }
0x22: {  	[simem:s7], [sflag:s8] =	dma.local @!p0 [hbm:s6], $0xF7A  }
0x23: {  	s9 =	sor.u32 $0xD0000000, s2;
	s6 =	simm.s32 $0x108;
	_ =	swait.ge @!p0 [sflag:s8], $0x0  }
0x24: {  	s3 =	sadd.s32 $0x88, s3;
	s6 =	simm.s32 @!p1 $0x1082;
	[sflag:s4] =	ssyncset.s32 $0xFFFFF086  }
0x25: {  	[simem:s6], [sflag:s4] =	dma.local [hbm:s3], $0xF7A  }
0x26: {  	[smem:$0x3F9E] =	sst s1;
	(tag) =	ssettag s2;
	_ =	strace s9  }
0x27: {  	s1 =	sld [smem:$0x3FAE]  }
0x28: {  	s2 =	sld [smem:$0x3FAF]  }
0x29: {  	s4 =	sld [smem:$0x3FB1]  }
0x2a: {  	p0 =	seq.s32 s5, $0x0;
	s5 =	sld [smem:$0x3FB2]  }
0x2b: {  	s6 =	sld [smem:$0x3FB3]  }
0x2c: {  	s7 =	sld [smem:$0x3FB4]  }
0x2d: {  	s3 =	simm.s32 $0x108;
	s8 =	sld [smem:$0x3FB5]  }
0x2e: {  	s3 =	simm.s32 @!p0 $0x1082;
	s9 =	sld [smem:$0x3FB6]  }
0x2f: {  	lr =	sadd.s32 s0, s3;
	s0 =	sld [smem:$0x3FAD]  }
0x30: {  	s3 =	sld [smem:$0x3FB0]  }
0x31: {  	[smem:$0x3FB9] =	sst s10  }
0x32: {  	s10 =	sld [smem:$0x3FB7];
	_ =	sdelay $0x3  }
0x33: {  	p0 =	seq.s32 s10, $0x1;
	s10 =	sld [smem:$0x3FB9];
	_ =	sdelay $0x3  }
0x34: {  	[smem:$0x3FB9] =	sst s10  }
0x35: {  	s10 =	sld [smem:$0x3FB8];
	_ =	sdelay $0x3  }
0x36: {  	p1 =	seq.s32 s10, $0x1;
	s10 =	sld [smem:$0x3FB9];
	_ =	sdelay $0x3  }
0x37: {  	[smem:$0x3FB9] =	sst s10  }
0x38: {  	s10 =	sld [smem:$0x3FBA]  }
0x39: {  	_ = 	snop;
	(pc) =	sbr.ind lr, $3  }
0x3a: {  	_ = 	snop  }
0x3b: {  	_ = 	snop  }
0x3c: {  	p2 =	seq.s32 s10, $0x1;
	s10 =	sld [smem:$0x3FB9]  }
0x3d: {  	_ =	shalt  }
0x3e: {  	_ =	shalt  }
0x3f: {  	_ =	shalt  }
0x40: {  	_ =	shalt  }
0x41: {  	_ =	shalt  }
0x42: {  	_ =	shalt  }
0x43: {  	_ =	shalt  }
0x44: {  	_ =	shalt  }
0x45: {  	_ =	shalt  }
0x46: {  	_ =	shalt  }
0x47: {  	_ =	shalt  }
0x48: {  	_ =	shalt  }
0x49: {  	_ =	shalt  }
0x4a: {  	_ =	shalt  }
0x4b: {  	_ =	shalt  }
0x4c: {  	_ =	shalt  }
0x4d: {  	_ =	shalt  }
0x4e: {  	_ =	shalt  }
0x4f: {  	_ =	shalt  }
0x50: {  	_ =	shalt  }
0x51: {  	_ =	shalt  }
0x52: {  	_ =	shalt  }
0x53: {  	_ =	shalt  }
0x54: {  	_ =	shalt  }
0x55: {  	_ =	shalt  }
0x56: {  	_ =	shalt  }
0x57: {  	_ =	shalt  }
0x58: {  	_ =	shalt  }
0x59: {  	_ =	shalt  }
0x5a: {  	_ =	shalt  }
0x5b: {  	_ =	shalt  }
0x5c: {  	_ =	shalt  }
0x5d: {  	_ =	shalt  }
0x5e: {  	_ =	shalt  }
0x5f: {  	_ =	shalt  }
0x60: {  	_ =	shalt  }
0x61: {  	_ =	shalt  }
0x62: {  	_ =	shalt  }
0x63: {  	_ =	shalt  }
0x64: {  	_ =	shalt  }
0x65: {  	_ =	shalt  }
0x66: {  	_ =	shalt  }
0x67: {  	_ =	shalt  }
0x68: {  	_ =	shalt  }
0x69: {  	_ =	shalt  }
0x6a: {  	_ =	shalt  }
0x6b: {  	_ =	shalt  }
0x6c: {  	_ =	shalt  }
0x6d: {  	_ =	shalt  }
0x6e: {  	_ =	shalt  }
0x6f: {  	_ =	shalt  }
0x70: {  	_ =	shalt  }
0x71: {  	_ =	shalt  }
0x72: {  	_ =	shalt  }
0x73: {  	_ =	shalt  }
0x74: {  	_ =	shalt  }
0x75: {  	_ =	shalt  }
0x76: {  	_ =	shalt  }
0x77: {  	_ =	shalt  }
0x78: {  	_ =	shalt  }
0x79: {  	_ =	shalt  }
0x7a: {  	_ =	shalt  }
0x7b: {  	_ =	shalt  }
0x7c: {  	_ =	shalt  }
0x7d: {  	_ =	shalt  }
0x7e: {  	_ =	shalt  }
0x7f: {  	_ =	shalt  }
0x80: {  	_ =	shalt  }
0x81: {  	_ =	shalt  }
0x82: {  	_ =	shalt  }
0x83: {  	_ =	shalt  }
0x84: {  	_ =	shalt  }
0x85: {  	_ =	shalt  }
0x86: {  	_ =	shalt  }
0x87: {  	_ =	shalt  }
.Lfunc_end0:
.L_simem_size_0:
called_computation_lowered:
.L_overlay_start_0:
0x88: {  	s2 =	sld [smem:$0x3FD9]  }
0x89: {  	s3 =	sld [smem:$0x3FFE];
	_ =	sdelay $0x1  }
0x8a: {  	s1 =	srdreg.scid  }
0x8b: {  	s0 =	sand.u32 $0x1, s1  }
0x8c: {  	s17 =	sshll.u32 s0, $0xA;
	s2 =	sadd.s32 s3, s2  }
0x8d: {  	s2 =	sadd.s32 s2, s17  }
0x8e: {  	[smem:$0x3FC5] =	sst s2  }
0x8f: {  	_ = 	snop  }
0x90: {  	s2 =	sld [smem:$0x3FC9]  }
0x91: {  	s18 =	sld [smem:$0x3FC8]  }
0x92: {  	s4 =	sld [smem:$0x3FD0];
	(tm) =	ssettm $0x1  }
0x93: {  	s5 =	sld [smem:$0x3FFB];
	_ =	sdelay $0x3  }
0x94: {  	_ =	strace s5  }
0x95: {  	s5 =	sld [smem:$0x3FFC];
	_ =	sdelay $0x3  }
0x96: {  	_ =	strace s5  }
0x97: {  	s5 =	sld [smem:$0x3FFD];
	_ =	sdelay $0x3  }
0x98: {  	_ =	strace s5  }
0x99: {  	_ =	strace $0x8FFFFFFF  }
0x9a: {  	s19 =	sld [smem:$0x3FDB];
	_ =	sdelay $0x1  }
0x9b: {  	s6 =	simm.s32 $_scs_section_size  }
0x9c: {  	s7 =	simm.s32 $_size__tile_overlayer_lowered;
	s8 =	simm.s32 $_tile_overlayer_lowered  }
0x9d: {  	s22 =	simm.s32 $0x1BFF;
	s21 =	sshll.u32 s8, $0x1;
	s5 =	sadd.s32 s6, s19  }
0x9e: {  	s9 =	simm.s32 $0x0;
	s20 =	sshll.u32 s7, $0x1;
	s7 =	sadd.s32 s21, s5  }
0x9f: {  	[timem:s9], [sflag:s22] =	dma.local [hbm:s7], s20  }
0xa0: {  	_ =	swait.ge [sflag:s22], s20  }
0xa1: {  	s6 =	ssub.s32 $0x0, s20;
	[sflag:s22] =	ssyncset.done $0x0  }
0xa2: {  	[sflag:s22] =	ssyncadd.s32 s6;
	_ =	sdelay $0x1  }
0xa3: {  	s23 =	simm.s32 $0x1B8B  }
0xa4: {  	_ =	swait.ge [sflag:s23], $0x1  }
0xa5: {  	[sflag:s23] =	ssyncset.done $0x0  }
0xa6: {  	s25 =	simm.s32 $0x1B8E;
	s24 =	sld [smem:$0x3FFE];
	[sflag:s23] =	ssyncadd.s32 $0xFFFFFFFF  }
0xa7: {  	s26 =	simm.s32 $execute0_lowered;
	[smem:$0x3FD2] =	sst s25  }
0xa8: {  	s7 =	sshll.u32 s26, $0x1;
	_ =	strace $0x80000046;
	[dreg:$0x1] =	wrdreg $0xFFFFFFFF  }
0xa9: {  	s28 =	simm.s32 $_size_execute0_lowered;
	s5 =	sadd.s32 s5, s7;
	[dreg:$0x0] =	wrdreg $0x0  }
0xaa: {  	s7 =	sshll.u32 s28, $0x1;
	[dreg:$0x2] =	wrdreg s5  }
0xab: {  	[dreg:$0x3] =	wrdreg s7  }
0xac: {  	[dreg:$0x4] =	wrdreg $0xC0  }
0xad: {  	_ =	task [dreg:s9], $0x5FFFF  }
0xae: {  	[dreg:$0x1] =	wrdreg $0xFFFFFFFF  }
0xaf: {  	[dreg:$0x0] =	wrdreg $0x60  }
0xb0: {  	[dreg:$0x2] =	wrdreg s2  }
0xb1: {  	[dreg:$0x3] =	wrdreg s18  }
0xb2: {  	[dreg:$0x4] =	wrdreg s24  }
0xb3: {  	[dreg:$0x5] =	wrdreg s4  }
0xb4: {  	[dreg:$0x6] =	wrdreg $0x9  }
0xb5: {  	_ =	task.clear_ibuf [dreg:s9], $0x7FFFF;
	_ =	strace $0x90000046  }
0xb6: {  	s29 =	simm.s32 $0x9;
	_ =	strace $0x80000048  }
0xb7: {  	_ =	swait.ge [sflag:s29], $0x1  }
0xb8: {  	[sflag:s29] =	ssyncadd.s32 $0xFFFFFFFF  }
0xb9: {  	_ =	strace $0x90000048  }
0xba: {  	_ =	sfence  }
0xbb: {  	s30 =	sld [smem:$0x0];
	_ =	sdelay $0x2  }
0xbc: {  	s31 =	sshll.u32 s1, $0xD;
	s1 =	sshrl.u32 s1, $0x2  }
0xbd: {  	s3 =	sand.u32 $0x4000, s31;
	s1 =	sadd.s32 s1, s30  }
0xbe: {  	s0 =	sor.u32 s3, s0;
	s1 =	sshll.u32 s1, $0x11  }
0xbf: {  	s0 =	sor.u32 s1, s0  }
0xc0: {  	s0 =	sadd.s32 $0x8F2B, s0  }
0xc1: {  	[sflag:s0] =	ssyncadd.remote.s32 $0x1  }
0xc2: {  	_ =	sfence.sel $0xFFFF  }
0xc3: {  	[dreg:$0x0] =	wrdreg $0xFFFFFFFF;
	(pc) =	sbr.abs _section_cstart, $3  }
0xc4: {  	[dreg:$0x1] =	wrdreg $0xFFFFFFFF  }
0xc5: {  	_ =	task.clear_ibuf [dreg:s9], $0x2FFFF;
	_ =	strace $0x9FFFFFFF  }
0xc6: {  	(tm) =	ssettm $0x7FFFFFFF  }
0xc7: {  	_ =	shalt  }
tec
execute0_lowered:
.L_overlay_start_1:
0x0: {  	(tag) =	ssettag $0x1  }
0x1: {  	s0 =	rddreg [dreg:$0x0]  }
0x2: {  	s1 =	rddreg [dreg:$0x1]  }
0x3: {  	s2 =	rddreg [dreg:$0x2]  }
0x4: {  	s4 =	rddreg [dreg:$0x3];
	s5 =	srdreg.scid  }
0x5: {  	s3 =	simm.s32 $0x0;
	s6 =	stileid.u32;
	s5 =	sand.u32 $0x1, s5  }
0x6: {  	[smem:$0x7FF] =	sst s3;
	s6 =	sshll.u32 s6, $0xA;
	s7 =	sshll.u32 s5, $0x9  }
0x7: {  	s2 =	sadd.s32 $0x400, s2;
	_ =	strace $0x80000047;
	s6 =	sor.u32 s7, s6  }
0x8: {  	s8 =	ssub.s32 $0x2, s5;
	[dreg:$0x5] =	wrdreg s2;
	s5 =	sadd.s32 s0, s6  }
0x9: {  	s23 =	sadd.s32 $0x10, s5;
	[smem:$0x7FC] =	sst s5  }
0xa: {  	s24 =	sadd.s32 $0x20, s5;
	[dreg:$0x6] =	wrdreg s23  }
0xb: {  	s25 =	sadd.s32 $0x30, s5;
	[dreg:$0x7] =	wrdreg s24  }
0xc: {  	s26 =	sadd.s32 $0x40, s5;
	[dreg:$0x8] =	wrdreg s25  }
0xd: {  	s31 =	sadd.s32 $0x50, s5;
	[dreg:$0x9] =	wrdreg s26  }
0xe: {  	s21 =	sshrl.u32 s8, $0x1;
	s7 =	sadd.s32 $0x60, s5;
	[dreg:$0xa] =	wrdreg s31  }
0xf: {  	s22 =	ssub.s32 s8, s21;
	s8 =	sadd.s32 $0x70, s5;
	[dreg:$0xb] =	wrdreg s7  }
0x10: {  	s9 =	sadd.s32 $0x4000, s5;
	[dreg:$0xc] =	wrdreg s8  }
0x11: {  	s10 =	sadd.s32 $0x4010, s5;
	[dreg:$0xd] =	wrdreg s9  }
0x12: {  	s11 =	sadd.s32 $0x4020, s5;
	[dreg:$0xe] =	wrdreg s10  }
0x13: {  	s12 =	sadd.s32 $0x4030, s5;
	[dreg:$0xf] =	wrdreg s11  }
0x14: {  	s13 =	sadd.s32 $0x4040, s5;
	[dreg:$0x10] =	wrdreg s12  }
0x15: {  	s14 =	sadd.s32 $0x4050, s5;
	[dreg:$0x11] =	wrdreg s13  }
0x16: {  	s15 =	sadd.s32 $0x4060, s5;
	[dreg:$0x12] =	wrdreg s14  }
0x17: {  	s16 =	sadd.s32 $0x4070, s5;
	[dreg:$0x13] =	wrdreg s15  }
0x18: {  	s17 =	sadd.s32 $0x8000, s5;
	[dreg:$0x14] =	wrdreg s16  }
0x19: {  	s18 =	sshrl.u32 s6, $0x3;
	s19 =	sadd.s32 $0x8010, s5;
	[dreg:$0x15] =	wrdreg s17  }
0x1a: {  	s2 =	sadd.s32 s4, s18;
	[dreg:$0x16] =	wrdreg s19  }
0x1b: {  	s20 =	sadd.s32 $0x8020, s5;
	[dreg:$0x17] =	wrdreg s2  }
0x1c: {  	s30 =	simm.s32 $0x0;
	s0 =	smax.u32 s22, $0x1;
	[dreg:$0x18] =	wrdreg s20  }
0x1d: {  	s28 =	simm.s32 $0x2C00;
	s21 =	sadd.s32 $0x8030, s5;
	[dreg:$0x19] =	wrdreg s0  }
0x1e: {  	s29 =	simm.s32 $0x3000;
	s22 =	sadd.s32 $0x8040, s5;
	[dreg:$0x1a] =	wrdreg s21  }
0x1f: {  	s6 =	simm.s32 $0x400;
	s4 =	simm.s32 $0x80;
	[dreg:$0x1b] =	wrdreg s22  }
0x20: {  	s23 =	sadd.s32 $0x8050, s5;
	s24 =	sadd.s32 $0x8060, s5;
	s25 =	sadd.s32 $0x8070, s5  }
0x21: {  	s26 =	sadd.s32 $0xC000, s5;
	s31 =	sadd.s32 $0xC010, s5;
	s7 =	simm.s32 $0x200  }
0x22: {  	s19 =	simm.s32 $0x1200;
	s20 =	simm.s32 $0x1400;
	s21 =	simm.s32 $0x1600  }
0x23: {  	s22 =	simm.s32 $0x1800;
	s8 =	simm.s32 $0x1A00;
	[dreg:$0x1c] =	wrdreg s23  }
0x24: {  	s9 =	simm.s32 $0x1E00;
	s10 =	simm.s32 $0x2200;
	[dreg:$0x1d] =	wrdreg s24  }
0x25: {  	s11 =	simm.s32 $0x2600;
	s12 =	simm.s32 $0x2A00;
	[dreg:$0x1e] =	wrdreg s25  }
0x26: {  	s13 =	simm.s32 $0x2E00;
	s14 =	simm.s32 $0x3200;
	[dreg:$0x1f] =	wrdreg s26  }
0x27: {  	s5 =	simm.s32 $0x6C00;
	[smem:$0x7FD] =	sst s31;
	s23 =	simm.s32 $0x1C00  }
0x28: {  	s24 =	simm.s32 $0x2000;
	s25 =	simm.s32 $0x2400;
	s26 =	simm.s32 $0x2800  }
.LBB2_1:
0x29: {  	s0 =	sld [smem:$0x7FC];
	_ =	sdelay $0x2  }
0x2a: {  	[tilespmem:s3], [sflag:$0x2] =	stream.strided.gather [hbm4b:s0+s4], $0x200, s6, s4, $0x38;
	[tilespmem:$0x6C80] =	vst v63  }
0x2b: {  	s31 =	rddreg [dreg:$0x6]  }
0x2c: {  	[tilespmem:s7], [sflag:$0x2] =	stream.strided.gather [hbm4b:s31+s4], $0x200, s6, s4, $0x38;
	[tilespmem:$0x6C80] =	vst v63  }
0x2d: {  	s2 =	rddreg [dreg:$0x7]  }
0x2e: {  	[tilespmem:s6], [sflag:$0x2] =	stream.strided.gather [hbm4b:s2+s4], $0x200, s6, s4, $0x38;
	[tilespmem:$0x6C80] =	vst v63  }
0x2f: {  	s15 =	rddreg [dreg:$0x8];
	s2 =	simm.s32 $0x600  }
0x30: {  	[tilespmem:s2], [sflag:$0x2] =	stream.strided.gather [hbm4b:s15+s4], $0x200, s6, s4, $0x38;
	[tilespmem:$0x6C80] =	vst v63  }
0x31: {  	s16 =	rddreg [dreg:$0x9];
	s15 =	simm.s32 $0x800  }
0x32: {  	[tilespmem:s15], [sflag:$0x1] =	stream.strided.gather [hbm4b:s16+s4], $0x200, s6, s4, $0x38;
	[tilespmem:$0x6C80] =	vst v63  }
0x33: {  	s17 =	rddreg [dreg:$0xa];
	s16 =	simm.s32 $0xA00  }
0x34: {  	[tilespmem:s16], [sflag:$0x1] =	stream.strided.gather [hbm4b:s17+s4], $0x200, s6, s4, $0x38;
	[tilespmem:$0x6C80] =	vst v63  }
0x35: {  	s18 =	rddreg [dreg:$0xb];
	s17 =	simm.s32 $0xC00  }
0x36: {  	[tilespmem:s17], [sflag:$0x1] =	stream.strided.gather [hbm4b:s18+s4], $0x200, s6, s4, $0x38;
	[tilespmem:$0x6C80] =	vst v63  }
0x37: {  	s31 =	rddreg [dreg:$0xc];
	s18 =	simm.s32 $0xE00  }
0x38: {  	[tilespmem:s18], [sflag:$0x1] =	stream.strided.gather [hbm4b:s31+s4], $0x200, s6, s4, $0x38;
	[tilespmem:$0x6C80] =	vst v63  }
0x39: {  	s0 =	rddreg [dreg:$0xd];
	s31 =	simm.s32 $0x1000  }
0x3a: {  	[tilespmem:s31], [sflag:$0x1] =	stream.strided.gather [hbm4b:s0+s4], $0x200, s6, s4, $0x38;
	[tilespmem:$0x6C80] =	vst v63  }
0x3b: {  	s0 =	rddreg [dreg:$0xe]  }
0x3c: {  	[tilespmem:s19], [sflag:$0x1] =	stream.strided.gather [hbm4b:s0+s4], $0x200, s6, s4, $0x38;
	[tilespmem:$0x6C80] =	vst v63  }
0x3d: {  	s0 =	rddreg [dreg:$0xf]  }
0x3e: {  	[tilespmem:s20], [sflag:$0x1] =	stream.strided.gather [hbm4b:s0+s4], $0x200, s6, s4, $0x38;
	[tilespmem:$0x6C80] =	vst v63  }
0x3f: {  	s0 =	rddreg [dreg:$0x10]  }
0x40: {  	[tilespmem:s21], [sflag:$0x1] =	stream.strided.gather [hbm4b:s0+s4], $0x200, s6, s4, $0x38;
	[tilespmem:$0x6C80] =	vst v63  }
0x41: {  	s0 =	rddreg [dreg:$0x11]  }
0x42: {  	[tilespmem:s22], [sflag:$0x1] =	stream.strided.gather [hbm4b:s0+s4], $0x200, s6, s4, $0x38;
	[tilespmem:$0x6C80] =	vst v63  }
0x43: {  	s0 =	rddreg [dreg:$0x12]  }
0x44: {  	[tilespmem:s8], [sflag:$0x1] =	stream.strided.gather [hbm4b:s0+s4], $0x200, s6, s4, $0x38;
	[tilespmem:$0x6C80] =	vst v63  }
0x45: {  	s0 =	rddreg [dreg:$0x13]  }
0x46: {  	[tilespmem:s23], [sflag:$0x1] =	stream.strided.gather [hbm4b:s0+s4], $0x200, s6, s4, $0x38;
	[tilespmem:$0x6C80] =	vst v63  }
0x47: {  	s0 =	rddreg [dreg:$0x14]  }
0x48: {  	[tilespmem:s9], [sflag:$0x1] =	stream.strided.gather [hbm4b:s0+s4], $0x200, s6, s4, $0x38;
	[tilespmem:$0x6C80] =	vst v63  }
0x49: {  	s0 =	rddreg [dreg:$0x15]  }
0x4a: {  	[tilespmem:s24], [sflag:$0x1] =	stream.strided.gather [hbm4b:s0+s4], $0x200, s6, s4, $0x38;
	[tilespmem:$0x6C80] =	vst v63  }
0x4b: {  	s0 =	rddreg [dreg:$0x16]  }
0x4c: {  	[tilespmem:s10], [sflag:$0x1] =	stream.strided.gather [hbm4b:s0+s4], $0x200, s6, s4, $0x38;
	[tilespmem:$0x6C80] =	vst v63  }
0x4d: {  	s0 =	rddreg [dreg:$0x18]  }
0x4e: {  	[tilespmem:s25], [sflag:$0x1] =	stream.strided.gather [hbm4b:s0+s4], $0x200, s6, s4, $0x38;
	[tilespmem:$0x6C80] =	vst v63  }
0x4f: {  	s0 =	rddreg [dreg:$0x1a]  }
0x50: {  	[tilespmem:s11], [sflag:$0x1] =	stream.strided.gather [hbm4b:s0+s4], $0x200, s6, s4, $0x38;
	[tilespmem:$0x6C80] =	vst v63  }
0x51: {  	s0 =	rddreg [dreg:$0x1b]  }
0x52: {  	[tilespmem:s26], [sflag:$0x1] =	stream.strided.gather [hbm4b:s0+s4], $0x200, s6, s4, $0x38;
	[tilespmem:$0x6C80] =	vst v63  }
0x53: {  	s0 =	rddreg [dreg:$0x1c]  }
0x54: {  	[tilespmem:s12], [sflag:$0x1] =	stream.strided.gather [hbm4b:s0+s4], $0x200, s6, s4, $0x38;
	[tilespmem:$0x6C80] =	vst v63  }
0x55: {  	s0 =	rddreg [dreg:$0x1d]  }
0x56: {  	[tilespmem:s28], [sflag:$0x1] =	stream.strided.gather [hbm4b:s0+s4], $0x200, s6, s4, $0x38;
	[tilespmem:$0x6C80] =	vst v63  }
0x57: {  	s0 =	rddreg [dreg:$0x1e]  }
0x58: {  	[tilespmem:s13], [sflag:$0x1] =	stream.strided.gather [hbm4b:s0+s4], $0x200, s6, s4, $0x38;
	[tilespmem:$0x6C80] =	vst v63  }
0x59: {  	s0 =	rddreg [dreg:$0x1f]  }
0x5a: {  	[tilespmem:s29], [sflag:$0x1] =	stream.strided.gather [hbm4b:s0+s4], $0x200, s6, s4, $0x38;
	[tilespmem:$0x6C80] =	vst v63  }
0x5b: {  	s0 =	sld [smem:$0x7FD];
	_ =	sdelay $0x2  }
0x5c: {  	[tilespmem:s14], [sflag:$0x1] =	stream.strided.gather [hbm4b:s0+s4], $0x200, s6, s4, $0x38;
	[tilespmem:$0x6C80] =	vst v63  }
0x5d: {  	s0 =	rddreg [dreg:$0x5]  }
0x5e: {  	[tilespmem:s5], [sflag:$0x1D] =	stream.linear.gather [hbm4b:s0+s3], $0x80, $0x38;
	[tilespmem:$0x6C80] =	vst v63  }
0x5f: {  	s0 =	simm.s32 $0x2  }
0x60: {  	_ =	swait.ge [sflag:s0], $0x800  }
0x61: {  	[sflag:s0] =	ssyncset.done $0x0  }
0x62: {  	[sflag:s0] =	ssyncadd.s32 $0xFFFFF800;
	s0 =	simm.s32 $0x3400  }
0x63: {  	[tilespmem:s0], [sflag:$0x3] =	stream.indirect.gather [hbm4b:s1+s7], $0x1, s3, s7, $0xb8;
	[tilespmem:$0x6C80] =	vst v63  }
0x64: {  	s0 =	simm.s32 $0x3600  }
0x65: {  	[tilespmem:s0], [sflag:$0x4] =	stream.indirect.gather [hbm4b:s1+s7], $0x1, s7, s7, $0xb8;
	[tilespmem:$0x6C80] =	vst v63  }
0x66: {  	s0 =	simm.s32 $0x3800  }
0x67: {  	[tilespmem:s0], [sflag:$0x5] =	stream.indirect.gather [hbm4b:s1+s7], $0x1, s6, s7, $0xb8;
	[tilespmem:$0x6C80] =	vst v63  }
0x68: {  	s0 =	simm.s32 $0x3A00  }
0x69: {  	[tilespmem:s0], [sflag:$0x6] =	stream.indirect.gather [hbm4b:s1+s7], $0x1, s2, s7, $0xb8;
	[tilespmem:$0x6C80] =	vst v63  }
0x6a: {  	s2 =	simm.s32 $0x1  }
0x6b: {  	_ =	swait.ge [sflag:s2], $0x2C00  }
0x6c: {  	[sflag:s2] =	ssyncset.done $0x0  }
0x6d: {  	[sflag:s2] =	ssyncadd.s32 $0xFFFFD400;
	s2 =	simm.s32 $0x3C00  }
0x6e: {  	[tilespmem:s2], [sflag:$0x7] =	stream.indirect.gather [hbm4b:s1+s7], $0x1, s15, s7, $0xb8;
	[tilespmem:$0x6C80] =	vst v63  }
0x6f: {  	s15 =	simm.s32 $0x3E00  }
0x70: {  	[tilespmem:s15], [sflag:$0x8] =	stream.indirect.gather [hbm4b:s1+s7], $0x1, s16, s7, $0xb8;
	[tilespmem:$0x6C80] =	vst v63  }
0x71: {  	s16 =	simm.s32 $0x4000  }
0x72: {  	[tilespmem:s16], [sflag:$0x9] =	stream.indirect.gather [hbm4b:s1+s7], $0x1, s17, s7, $0xb8;
	[tilespmem:$0x6C80] =	vst v63  }
0x73: {  	s17 =	simm.s32 $0x4200  }
0x74: {  	[tilespmem:s17], [sflag:$0xA] =	stream.indirect.gather [hbm4b:s1+s7], $0x1, s18, s7, $0xb8;
	[tilespmem:$0x6C80] =	vst v63  }
0x75: {  	s18 =	simm.s32 $0x4400  }
0x76: {  	[tilespmem:s18], [sflag:$0xB] =	stream.indirect.gather [hbm4b:s1+s7], $0x1, s31, s7, $0xb8;
	[tilespmem:$0x6C80] =	vst v63  }
0x77: {  	s31 =	simm.s32 $0x4600  }
0x78: {  	[tilespmem:s31], [sflag:$0xC] =	stream.indirect.gather [hbm4b:s1+s7], $0x1, s19, s7, $0xb8;
	[tilespmem:$0x6C80] =	vst v63  }
0x79: {  	s2 =	simm.s32 $0x4800  }
0x7a: {  	[tilespmem:s2], [sflag:$0xD] =	stream.indirect.gather [hbm4b:s1+s7], $0x1, s20, s7, $0xb8;
	[tilespmem:$0x6C80] =	vst v63  }
0x7b: {  	s15 =	simm.s32 $0x4A00  }
0x7c: {  	[tilespmem:s15], [sflag:$0xE] =	stream.indirect.gather [hbm4b:s1+s7], $0x1, s21, s7, $0xb8;
	[tilespmem:$0x6C80] =	vst v63  }
0x7d: {  	s16 =	simm.s32 $0x4C00  }
0x7e: {  	[tilespmem:s16], [sflag:$0xF] =	stream.indirect.gather [hbm4b:s1+s7], $0x1, s22, s7, $0xb8;
	[tilespmem:$0x6C80] =	vst v63  }
0x7f: {  	s17 =	simm.s32 $0x4E00  }
0x80: {  	[tilespmem:s17], [sflag:$0x10] =	stream.indirect.gather [hbm4b:s1+s7], $0x1, s8, s7, $0xb8;
	[tilespmem:$0x6C80] =	vst v63  }
0x81: {  	s18 =	simm.s32 $0x5000  }
0x82: {  	[tilespmem:s18], [sflag:$0x11] =	stream.indirect.gather [hbm4b:s1+s7], $0x1, s23, s7, $0xb8;
	[tilespmem:$0x6C80] =	vst v63  }
0x83: {  	s31 =	simm.s32 $0x5200  }
0x84: {  	[tilespmem:s31], [sflag:$0x12] =	stream.indirect.gather [hbm4b:s1+s7], $0x1, s9, s7, $0xb8;
	[tilespmem:$0x6C80] =	vst v63  }
0x85: {  	s2 =	simm.s32 $0x5400  }
0x86: {  	[tilespmem:s2], [sflag:$0x13] =	stream.indirect.gather [hbm4b:s1+s7], $0x1, s24, s7, $0xb8;
	[tilespmem:$0x6C80] =	vst v63  }
0x87: {  	s15 =	simm.s32 $0x5600  }
0x88: {  	[tilespmem:s15], [sflag:$0x14] =	stream.indirect.gather [hbm4b:s1+s7], $0x1, s10, s7, $0xb8;
	[tilespmem:$0x6C80] =	vst v63  }
0x89: {  	s16 =	simm.s32 $0x5800  }
0x8a: {  	[tilespmem:s16], [sflag:$0x15] =	stream.indirect.gather [hbm4b:s1+s7], $0x1, s25, s7, $0xb8;
	[tilespmem:$0x6C80] =	vst v63  }
0x8b: {  	s17 =	simm.s32 $0x5A00  }
0x8c: {  	[tilespmem:s17], [sflag:$0x16] =	stream.indirect.gather [hbm4b:s1+s7], $0x1, s11, s7, $0xb8;
	[tilespmem:$0x6C80] =	vst v63  }
0x8d: {  	s18 =	simm.s32 $0x5C00  }
0x8e: {  	[tilespmem:s18], [sflag:$0x17] =	stream.indirect.gather [hbm4b:s1+s7], $0x1, s26, s7, $0xb8;
	[tilespmem:$0x6C80] =	vst v63  }
0x8f: {  	s31 =	simm.s32 $0x5E00  }
0x90: {  	[tilespmem:s31], [sflag:$0x18] =	stream.indirect.gather [hbm4b:s1+s7], $0x1, s12, s7, $0xb8;
	[tilespmem:$0x6C80] =	vst v63  }
0x91: {  	s2 =	simm.s32 $0x6000  }
0x92: {  	[tilespmem:s2], [sflag:$0x19] =	stream.indirect.gather [hbm4b:s1+s7], $0x1, s28, s7, $0xb8;
	[tilespmem:$0x6C80] =	vst v63  }
0x93: {  	s15 =	simm.s32 $0x6200  }
0x94: {  	[tilespmem:s15], [sflag:$0x1A] =	stream.indirect.gather [hbm4b:s1+s7], $0x1, s13, s7, $0xb8;
	[tilespmem:$0x6C80] =	vst v63  }
0x95: {  	s16 =	simm.s32 $0x6400  }
0x96: {  	[tilespmem:s16], [sflag:$0x1B] =	stream.indirect.gather [hbm4b:s1+s7], $0x1, s29, s7, $0xb8;
	[tilespmem:$0x6C80] =	vst v63  }
0x97: {  	s17 =	simm.s32 $0x6600;
	s18 =	simm.s32 $0x1D  }
0x98: {  	[tilespmem:s17], [sflag:$0x1C] =	stream.indirect.gather [hbm4b:s1+s7], $0x1, s14, s7, $0xb8;
	[tilespmem:$0x6C80] =	vst v63  }
0x99: {  	_ =	swait.ge [sflag:s18], $0x80  }
0x9a: {  	[sflag:s18] =	ssyncset.done $0x0  }
0x9b: {  	s31 =	simm.s32 $0x3;
	[sflag:s18] =	ssyncadd.s32 $0xFFFFFF80  }
0x9c: {  	v0 =	vld [tilespmem:$0x6C00];
	_ =	swait.ge [sflag:s31], $0x200  }
0x9d: {  	[sflag:s31] =	ssyncset.done $0x0  }
0x9e: {  	s0 =	simm.s32 $0x0;
	[sflag:s31] =	ssyncadd.s32 $0xFFFFFE00  }
0x9f: {  	v1 =	vld [tilespmem:s0+$0x3400]  }
0xa0: {  	s2 =	simm.s32 $0x40  }
.LBB2_2:
0xa1: {  	p0 =	sne.s32 s2, $0x7C0  }
.Ltmp0:
0xa2: {  	_ = 	snop;
	(pc) =	sbr.rel @p0 .LBB2_2-.Ltmp0, $4  }
0xa3: {  	_ = 	snop  }
0xa4: {  	s15 =	sshra.s32 s2, $0x2;
	s2 =	sadd.s32 $0x40, s2;
	v2 =	vadd.f32 v1, v0  }
0xa5: {  	v1 =	vld [tilespmem:s15+$0x3400]  }
0xa6: {  	[tilespmem:s0+$0x6800] =	vst v2;
	s0 =	smov.u32 s15  }
0xa7: {  	_ =	sdelay $0x2  }
0xa8: {  	v0 =	vadd.f32 v1, v0;
	_ =	sdelay $0x1  }
0xa9: {  	s2 =	simm.s32 $0x4;
	[tilespmem:s0+$0x6800] =	vst v0  }
0xaa: {  	_ =	swait.ge [sflag:s2], $0x200  }
0xab: {  	s31 =	simm.s32 $0x0;
	[sflag:s2] =	ssyncset.done $0x0  }
0xac: {  	s15 =	sand.u32 $0x1F0, s31;
	[sflag:s2] =	ssyncadd.s32 $0xFFFFFE00  }
0xad: {  	v0 =	vld [tilespmem:s15+$0x3600];
	_ =	sdelay $0x3  }
0xae: {  	s0 =	simm.s32 $0x6800;
	s2 =	simm.s32 $0x10  }
.LBB2_4:
0xaf: {  	s15 =	sand.u32 $0x1F0, s2;
	p0 =	sne.s32 s2, $0x1F0;
	s2 =	sadd.s32 $0x10, s2;
	[tilespmem:s0+$0x0] =	vst.add.f32.msk $0xffff, v0  }
.Ltmp1:
0xb0: {  	v0 =	vld [tilespmem:s15+$0x3600];
	(pc) =	sbr.rel @p0 .LBB2_4-.Ltmp1, $2  }
0xb1: {  	_ =	sdelay $0x2  }
0xb2: {  	s0 =	sadd.s32 $0x10, s0  }
0xb3: {  	[tilespmem:s0+$0x0] =	vst.add.f32.msk $0xffff, v0;
	s2 =	simm.s32 $0x5  }
0xb4: {  	_ =	swait.ge [sflag:s2], $0x200  }
0xb5: {  	s31 =	simm.s32 $0x0;
	[sflag:s2] =	ssyncset.done $0x0  }
0xb6: {  	s15 =	sand.u32 $0x1F0, s31;
	[sflag:s2] =	ssyncadd.s32 $0xFFFFFE00  }
0xb7: {  	v0 =	vld [tilespmem:s15+$0x3800];
	_ =	sdelay $0x3  }
0xb8: {  	s0 =	simm.s32 $0x6800;
	s2 =	simm.s32 $0x10  }
.LBB2_6:
0xb9: {  	s15 =	sand.u32 $0x1F0, s2;
	p0 =	sne.s32 s2, $0x1F0;
	s2 =	sadd.s32 $0x10, s2;
	[tilespmem:s0+$0x0] =	vst.add.f32.msk $0xffff, v0  }
.Ltmp2:
0xba: {  	v0 =	vld [tilespmem:s15+$0x3800];
	(pc) =	sbr.rel @p0 .LBB2_6-.Ltmp2, $2  }
0xbb: {  	_ =	sdelay $0x2  }
0xbc: {  	s0 =	sadd.s32 $0x10, s0  }
0xbd: {  	[tilespmem:s0+$0x0] =	vst.add.f32.msk $0xffff, v0;
	s2 =	simm.s32 $0x6  }
0xbe: {  	_ =	swait.ge [sflag:s2], $0x200  }
0xbf: {  	s31 =	simm.s32 $0x0;
	[sflag:s2] =	ssyncset.done $0x0  }
0xc0: {  	s15 =	sand.u32 $0x1F0, s31;
	[sflag:s2] =	ssyncadd.s32 $0xFFFFFE00  }
0xc1: {  	v0 =	vld [tilespmem:s15+$0x3A00];
	_ =	sdelay $0x3  }
0xc2: {  	s0 =	simm.s32 $0x6800;
	s2 =	simm.s32 $0x10  }
.LBB2_8:
0xc3: {  	s15 =	sand.u32 $0x1F0, s2;
	p0 =	sne.s32 s2, $0x1F0;
	s2 =	sadd.s32 $0x10, s2;
	[tilespmem:s0+$0x0] =	vst.add.f32.msk $0xffff, v0  }
.Ltmp3:
0xc4: {  	v0 =	vld [tilespmem:s15+$0x3A00];
	(pc) =	sbr.rel @p0 .LBB2_8-.Ltmp3, $2  }
0xc5: {  	_ =	sdelay $0x2  }
0xc6: {  	s0 =	sadd.s32 $0x10, s0  }
0xc7: {  	[tilespmem:s0+$0x0] =	vst.add.f32.msk $0xffff, v0;
	s2 =	simm.s32 $0x7  }
0xc8: {  	_ =	swait.ge [sflag:s2], $0x200  }
0xc9: {  	s31 =	simm.s32 $0x0;
	[sflag:s2] =	ssyncset.done $0x0  }
0xca: {  	s15 =	sand.u32 $0x1F0, s31;
	[sflag:s2] =	ssyncadd.s32 $0xFFFFFE00  }
0xcb: {  	v0 =	vld [tilespmem:s15+$0x3C00];
	_ =	sdelay $0x3  }
0xcc: {  	s0 =	simm.s32 $0x6800;
	s2 =	simm.s32 $0x10  }
.LBB2_10:
0xcd: {  	s15 =	sand.u32 $0x1F0, s2;
	p0 =	sne.s32 s2, $0x1F0;
	s2 =	sadd.s32 $0x10, s2;
	[tilespmem:s0+$0x0] =	vst.add.f32.msk $0xffff, v0  }
.Ltmp4:
0xce: {  	v0 =	vld [tilespmem:s15+$0x3C00];
	(pc) =	sbr.rel @p0 .LBB2_10-.Ltmp4, $2  }
0xcf: {  	_ =	sdelay $0x2  }
0xd0: {  	s0 =	sadd.s32 $0x10, s0  }
0xd1: {  	[tilespmem:s0+$0x0] =	vst.add.f32.msk $0xffff, v0;
	s2 =	simm.s32 $0x8  }
0xd2: {  	_ =	swait.ge [sflag:s2], $0x200  }
0xd3: {  	s31 =	simm.s32 $0x0;
	[sflag:s2] =	ssyncset.done $0x0  }
0xd4: {  	s15 =	sand.u32 $0x1F0, s31;
	[sflag:s2] =	ssyncadd.s32 $0xFFFFFE00  }
0xd5: {  	v0 =	vld [tilespmem:s15+$0x3E00];
	_ =	sdelay $0x3  }
0xd6: {  	s0 =	simm.s32 $0x6800;
	s2 =	simm.s32 $0x10  }
.LBB2_12:
0xd7: {  	s15 =	sand.u32 $0x1F0, s2;
	p0 =	sne.s32 s2, $0x1F0;
	s2 =	sadd.s32 $0x10, s2;
	[tilespmem:s0+$0x0] =	vst.add.f32.msk $0xffff, v0  }
.Ltmp5:
0xd8: {  	v0 =	vld [tilespmem:s15+$0x3E00];
	(pc) =	sbr.rel @p0 .LBB2_12-.Ltmp5, $2  }
0xd9: {  	_ =	sdelay $0x2  }
0xda: {  	s0 =	sadd.s32 $0x10, s0  }
0xdb: {  	[tilespmem:s0+$0x0] =	vst.add.f32.msk $0xffff, v0;
	s2 =	simm.s32 $0x9  }
0xdc: {  	_ =	swait.ge [sflag:s2], $0x200  }
0xdd: {  	s31 =	simm.s32 $0x0;
	[sflag:s2] =	ssyncset.done $0x0  }
0xde: {  	s15 =	sand.u32 $0x1F0, s31;
	[sflag:s2] =	ssyncadd.s32 $0xFFFFFE00  }
0xdf: {  	v0 =	vld [tilespmem:s15+$0x4000];
	_ =	sdelay $0x3  }
0xe0: {  	s0 =	simm.s32 $0x6800;
	s2 =	simm.s32 $0x10  }
.LBB2_14:
0xe1: {  	s15 =	sand.u32 $0x1F0, s2;
	p0 =	sne.s32 s2, $0x1F0;
	s2 =	sadd.s32 $0x10, s2;
	[tilespmem:s0+$0x0] =	vst.add.f32.msk $0xffff, v0  }
.Ltmp6:
0xe2: {  	v0 =	vld [tilespmem:s15+$0x4000];
	(pc) =	sbr.rel @p0 .LBB2_14-.Ltmp6, $2  }
0xe3: {  	_ =	sdelay $0x2  }
0xe4: {  	s0 =	sadd.s32 $0x10, s0  }
0xe5: {  	[tilespmem:s0+$0x0] =	vst.add.f32.msk $0xffff, v0;
	s2 =	simm.s32 $0xA  }
0xe6: {  	_ =	swait.ge [sflag:s2], $0x200  }
0xe7: {  	s31 =	simm.s32 $0x0;
	[sflag:s2] =	ssyncset.done $0x0  }
0xe8: {  	s15 =	sand.u32 $0x1F0, s31;
	[sflag:s2] =	ssyncadd.s32 $0xFFFFFE00  }
0xe9: {  	v0 =	vld [tilespmem:s15+$0x4200];
	_ =	sdelay $0x3  }
0xea: {  	s0 =	simm.s32 $0x6800;
	s2 =	simm.s32 $0x10  }
.LBB2_16:
0xeb: {  	s15 =	sand.u32 $0x1F0, s2;
	p0 =	sne.s32 s2, $0x1F0;
	s2 =	sadd.s32 $0x10, s2;
	[tilespmem:s0+$0x0] =	vst.add.f32.msk $0xffff, v0  }
.Ltmp7:
0xec: {  	v0 =	vld [tilespmem:s15+$0x4200];
	(pc) =	sbr.rel @p0 .LBB2_16-.Ltmp7, $2  }
0xed: {  	_ =	sdelay $0x2  }
0xee: {  	s0 =	sadd.s32 $0x10, s0  }
0xef: {  	[tilespmem:s0+$0x0] =	vst.add.f32.msk $0xffff, v0;
	s2 =	simm.s32 $0xB  }
0xf0: {  	_ =	swait.ge [sflag:s2], $0x200  }
0xf1: {  	s31 =	simm.s32 $0x0;
	[sflag:s2] =	ssyncset.done $0x0  }
0xf2: {  	s15 =	sand.u32 $0x1F0, s31;
	[sflag:s2] =	ssyncadd.s32 $0xFFFFFE00  }
0xf3: {  	v0 =	vld [tilespmem:s15+$0x4400];
	_ =	sdelay $0x3  }
0xf4: {  	s0 =	simm.s32 $0x6800;
	s2 =	simm.s32 $0x10  }
.LBB2_18:
0xf5: {  	s15 =	sand.u32 $0x1F0, s2;
	p0 =	sne.s32 s2, $0x1F0;
	s2 =	sadd.s32 $0x10, s2;
	[tilespmem:s0+$0x0] =	vst.add.f32.msk $0xffff, v0  }
.Ltmp8:
0xf6: {  	v0 =	vld [tilespmem:s15+$0x4400];
	(pc) =	sbr.rel @p0 .LBB2_18-.Ltmp8, $2  }
0xf7: {  	_ =	sdelay $0x2  }
0xf8: {  	s0 =	sadd.s32 $0x10, s0  }
0xf9: {  	[tilespmem:s0+$0x0] =	vst.add.f32.msk $0xffff, v0;
	s2 =	simm.s32 $0xC  }
0xfa: {  	_ =	swait.ge [sflag:s2], $0x200  }
0xfb: {  	s31 =	simm.s32 $0x0;
	[sflag:s2] =	ssyncset.done $0x0  }
0xfc: {  	s15 =	sand.u32 $0x1F0, s31;
	[sflag:s2] =	ssyncadd.s32 $0xFFFFFE00  }
0xfd: {  	v0 =	vld [tilespmem:s15+$0x4600];
	_ =	sdelay $0x3  }
0xfe: {  	s0 =	simm.s32 $0x6800;
	s2 =	simm.s32 $0x10  }
.LBB2_20:
0xff: {  	s15 =	sand.u32 $0x1F0, s2;
	p0 =	sne.s32 s2, $0x1F0;
	s2 =	sadd.s32 $0x10, s2;
	[tilespmem:s0+$0x0] =	vst.add.f32.msk $0xffff, v0  }
.Ltmp9:
0x100: {  	v0 =	vld [tilespmem:s15+$0x4600];
	(pc) =	sbr.rel @p0 .LBB2_20-.Ltmp9, $2  }
0x101: {  	_ =	sdelay $0x2  }
0x102: {  	s0 =	sadd.s32 $0x10, s0  }
0x103: {  	[tilespmem:s0+$0x0] =	vst.add.f32.msk $0xffff, v0;
	s2 =	simm.s32 $0xD  }
0x104: {  	_ =	swait.ge [sflag:s2], $0x200  }
0x105: {  	s31 =	simm.s32 $0x0;
	[sflag:s2] =	ssyncset.done $0x0  }
0x106: {  	s15 =	sand.u32 $0x1F0, s31;
	[sflag:s2] =	ssyncadd.s32 $0xFFFFFE00  }
0x107: {  	v0 =	vld [tilespmem:s15+$0x4800];
	_ =	sdelay $0x3  }
0x108: {  	s0 =	simm.s32 $0x6800;
	s2 =	simm.s32 $0x10  }
.LBB2_22:
0x109: {  	s15 =	sand.u32 $0x1F0, s2;
	p0 =	sne.s32 s2, $0x1F0;
	s2 =	sadd.s32 $0x10, s2;
	[tilespmem:s0+$0x0] =	vst.add.f32.msk $0xffff, v0  }
.Ltmp10:
0x10a: {  	v0 =	vld [tilespmem:s15+$0x4800];
	(pc) =	sbr.rel @p0 .LBB2_22-.Ltmp10, $2  }
0x10b: {  	_ =	sdelay $0x2  }
0x10c: {  	s0 =	sadd.s32 $0x10, s0  }
0x10d: {  	[tilespmem:s0+$0x0] =	vst.add.f32.msk $0xffff, v0;
	s2 =	simm.s32 $0xE  }
0x10e: {  	_ =	swait.ge [sflag:s2], $0x200  }
0x10f: {  	s31 =	simm.s32 $0x0;
	[sflag:s2] =	ssyncset.done $0x0  }
0x110: {  	s15 =	sand.u32 $0x1F0, s31;
	[sflag:s2] =	ssyncadd.s32 $0xFFFFFE00  }
0x111: {  	v0 =	vld [tilespmem:s15+$0x4A00];
	_ =	sdelay $0x3  }
0x112: {  	s0 =	simm.s32 $0x6800;
	s2 =	simm.s32 $0x10  }
.LBB2_24:
0x113: {  	s15 =	sand.u32 $0x1F0, s2;
	p0 =	sne.s32 s2, $0x1F0;
	s2 =	sadd.s32 $0x10, s2;
	[tilespmem:s0+$0x0] =	vst.add.f32.msk $0xffff, v0  }
.Ltmp11:
0x114: {  	v0 =	vld [tilespmem:s15+$0x4A00];
	(pc) =	sbr.rel @p0 .LBB2_24-.Ltmp11, $2  }
0x115: {  	_ =	sdelay $0x2  }
0x116: {  	s0 =	sadd.s32 $0x10, s0  }
0x117: {  	[tilespmem:s0+$0x0] =	vst.add.f32.msk $0xffff, v0;
	s2 =	simm.s32 $0xF  }
0x118: {  	_ =	swait.ge [sflag:s2], $0x200  }
0x119: {  	s31 =	simm.s32 $0x0;
	[sflag:s2] =	ssyncset.done $0x0  }
0x11a: {  	s15 =	sand.u32 $0x1F0, s31;
	[sflag:s2] =	ssyncadd.s32 $0xFFFFFE00  }
0x11b: {  	v0 =	vld [tilespmem:s15+$0x4C00];
	_ =	sdelay $0x3  }
0x11c: {  	s0 =	simm.s32 $0x6800;
	s2 =	simm.s32 $0x10  }
.LBB2_26:
0x11d: {  	s15 =	sand.u32 $0x1F0, s2;
	p0 =	sne.s32 s2, $0x1F0;
	s2 =	sadd.s32 $0x10, s2;
	[tilespmem:s0+$0x0] =	vst.add.f32.msk $0xffff, v0  }
.Ltmp12:
0x11e: {  	v0 =	vld [tilespmem:s15+$0x4C00];
	(pc) =	sbr.rel @p0 .LBB2_26-.Ltmp12, $2  }
0x11f: {  	_ =	sdelay $0x2  }
0x120: {  	s0 =	sadd.s32 $0x10, s0  }
0x121: {  	[tilespmem:s0+$0x0] =	vst.add.f32.msk $0xffff, v0;
	s2 =	simm.s32 $0x10  }
0x122: {  	_ =	swait.ge [sflag:s2], $0x200  }
0x123: {  	s31 =	simm.s32 $0x0;
	[sflag:s2] =	ssyncset.done $0x0  }
0x124: {  	s15 =	sand.u32 $0x1F0, s31;
	[sflag:s2] =	ssyncadd.s32 $0xFFFFFE00  }
0x125: {  	v0 =	vld [tilespmem:s15+$0x4E00];
	_ =	sdelay $0x3  }
0x126: {  	s0 =	simm.s32 $0x6800;
	s2 =	simm.s32 $0x10  }
.LBB2_28:
0x127: {  	s15 =	sand.u32 $0x1F0, s2;
	p0 =	sne.s32 s2, $0x1F0;
	s2 =	sadd.s32 $0x10, s2;
	[tilespmem:s0+$0x0] =	vst.add.f32.msk $0xffff, v0  }
.Ltmp13:
0x128: {  	v0 =	vld [tilespmem:s15+$0x4E00];
	(pc) =	sbr.rel @p0 .LBB2_28-.Ltmp13, $2  }
0x129: {  	_ =	sdelay $0x2  }
0x12a: {  	s0 =	sadd.s32 $0x10, s0  }
0x12b: {  	[tilespmem:s0+$0x0] =	vst.add.f32.msk $0xffff, v0;
	s2 =	simm.s32 $0x11  }
0x12c: {  	_ =	swait.ge [sflag:s2], $0x200  }
0x12d: {  	s31 =	simm.s32 $0x0;
	[sflag:s2] =	ssyncset.done $0x0  }
0x12e: {  	s15 =	sand.u32 $0x1F0, s31;
	[sflag:s2] =	ssyncadd.s32 $0xFFFFFE00  }
0x12f: {  	v0 =	vld [tilespmem:s15+$0x5000];
	_ =	sdelay $0x3  }
0x130: {  	s0 =	simm.s32 $0x6800;
	s2 =	simm.s32 $0x10  }
.LBB2_30:
0x131: {  	s15 =	sand.u32 $0x1F0, s2;
	p0 =	sne.s32 s2, $0x1F0;
	s2 =	sadd.s32 $0x10, s2;
	[tilespmem:s0+$0x0] =	vst.add.f32.msk $0xffff, v0  }
.Ltmp14:
0x132: {  	v0 =	vld [tilespmem:s15+$0x5000];
	(pc) =	sbr.rel @p0 .LBB2_30-.Ltmp14, $2  }
0x133: {  	_ =	sdelay $0x2  }
0x134: {  	s0 =	sadd.s32 $0x10, s0  }
0x135: {  	[tilespmem:s0+$0x0] =	vst.add.f32.msk $0xffff, v0;
	s2 =	simm.s32 $0x12  }
0x136: {  	_ =	swait.ge [sflag:s2], $0x200  }
0x137: {  	s31 =	simm.s32 $0x0;
	[sflag:s2] =	ssyncset.done $0x0  }
0x138: {  	s15 =	sand.u32 $0x1F0, s31;
	[sflag:s2] =	ssyncadd.s32 $0xFFFFFE00  }
0x139: {  	v0 =	vld [tilespmem:s15+$0x5200];
	_ =	sdelay $0x3  }
0x13a: {  	s0 =	simm.s32 $0x6800;
	s2 =	simm.s32 $0x10  }
.LBB2_32:
0x13b: {  	s15 =	sand.u32 $0x1F0, s2;
	p0 =	sne.s32 s2, $0x1F0;
	s2 =	sadd.s32 $0x10, s2;
	[tilespmem:s0+$0x0] =	vst.add.f32.msk $0xffff, v0  }
.Ltmp15:
0x13c: {  	v0 =	vld [tilespmem:s15+$0x5200];
	(pc) =	sbr.rel @p0 .LBB2_32-.Ltmp15, $2  }
0x13d: {  	_ =	sdelay $0x2  }
0x13e: {  	s0 =	sadd.s32 $0x10, s0  }
0x13f: {  	[tilespmem:s0+$0x0] =	vst.add.f32.msk $0xffff, v0;
	s2 =	simm.s32 $0x13  }
0x140: {  	_ =	swait.ge [sflag:s2], $0x200  }
0x141: {  	s31 =	simm.s32 $0x0;
	[sflag:s2] =	ssyncset.done $0x0  }
0x142: {  	s15 =	sand.u32 $0x1F0, s31;
	[sflag:s2] =	ssyncadd.s32 $0xFFFFFE00  }
0x143: {  	v0 =	vld [tilespmem:s15+$0x5400];
	_ =	sdelay $0x3  }
0x144: {  	s0 =	simm.s32 $0x6800;
	s2 =	simm.s32 $0x10  }
.LBB2_34:
0x145: {  	s15 =	sand.u32 $0x1F0, s2;
	p0 =	sne.s32 s2, $0x1F0;
	s2 =	sadd.s32 $0x10, s2;
	[tilespmem:s0+$0x0] =	vst.add.f32.msk $0xffff, v0  }
.Ltmp16:
0x146: {  	v0 =	vld [tilespmem:s15+$0x5400];
	(pc) =	sbr.rel @p0 .LBB2_34-.Ltmp16, $2  }
0x147: {  	_ =	sdelay $0x2  }
0x148: {  	s0 =	sadd.s32 $0x10, s0  }
0x149: {  	[tilespmem:s0+$0x0] =	vst.add.f32.msk $0xffff, v0;
	s2 =	simm.s32 $0x14  }
0x14a: {  	_ =	swait.ge [sflag:s2], $0x200  }
0x14b: {  	s31 =	simm.s32 $0x0;
	[sflag:s2] =	ssyncset.done $0x0  }
0x14c: {  	s15 =	sand.u32 $0x1F0, s31;
	[sflag:s2] =	ssyncadd.s32 $0xFFFFFE00  }
0x14d: {  	v0 =	vld [tilespmem:s15+$0x5600];
	_ =	sdelay $0x3  }
0x14e: {  	s0 =	simm.s32 $0x6800;
	s2 =	simm.s32 $0x10  }
.LBB2_36:
0x14f: {  	s15 =	sand.u32 $0x1F0, s2;
	p0 =	sne.s32 s2, $0x1F0;
	s2 =	sadd.s32 $0x10, s2;
	[tilespmem:s0+$0x0] =	vst.add.f32.msk $0xffff, v0  }
.Ltmp17:
0x150: {  	v0 =	vld [tilespmem:s15+$0x5600];
	(pc) =	sbr.rel @p0 .LBB2_36-.Ltmp17, $2  }
0x151: {  	_ =	sdelay $0x2  }
0x152: {  	s0 =	sadd.s32 $0x10, s0  }
0x153: {  	[tilespmem:s0+$0x0] =	vst.add.f32.msk $0xffff, v0;
	s2 =	simm.s32 $0x15  }
0x154: {  	_ =	swait.ge [sflag:s2], $0x200  }
0x155: {  	s31 =	simm.s32 $0x0;
	[sflag:s2] =	ssyncset.done $0x0  }
0x156: {  	s15 =	sand.u32 $0x1F0, s31;
	[sflag:s2] =	ssyncadd.s32 $0xFFFFFE00  }
0x157: {  	v0 =	vld [tilespmem:s15+$0x5800];
	_ =	sdelay $0x3  }
0x158: {  	s0 =	simm.s32 $0x6800;
	s2 =	simm.s32 $0x10  }
.LBB2_38:
0x159: {  	s15 =	sand.u32 $0x1F0, s2;
	p0 =	sne.s32 s2, $0x1F0;
	s2 =	sadd.s32 $0x10, s2;
	[tilespmem:s0+$0x0] =	vst.add.f32.msk $0xffff, v0  }
.Ltmp18:
0x15a: {  	v0 =	vld [tilespmem:s15+$0x5800];
	(pc) =	sbr.rel @p0 .LBB2_38-.Ltmp18, $2  }
0x15b: {  	_ =	sdelay $0x2  }
0x15c: {  	s0 =	sadd.s32 $0x10, s0  }
0x15d: {  	[tilespmem:s0+$0x0] =	vst.add.f32.msk $0xffff, v0;
	s2 =	simm.s32 $0x16  }
0x15e: {  	_ =	swait.ge [sflag:s2], $0x200  }
0x15f: {  	s31 =	simm.s32 $0x0;
	[sflag:s2] =	ssyncset.done $0x0  }
0x160: {  	s15 =	sand.u32 $0x1F0, s31;
	[sflag:s2] =	ssyncadd.s32 $0xFFFFFE00  }
0x161: {  	v0 =	vld [tilespmem:s15+$0x5A00];
	_ =	sdelay $0x3  }
0x162: {  	s0 =	simm.s32 $0x6800;
	s2 =	simm.s32 $0x10  }
.LBB2_40:
0x163: {  	s15 =	sand.u32 $0x1F0, s2;
	p0 =	sne.s32 s2, $0x1F0;
	s2 =	sadd.s32 $0x10, s2;
	[tilespmem:s0+$0x0] =	vst.add.f32.msk $0xffff, v0  }
.Ltmp19:
0x164: {  	v0 =	vld [tilespmem:s15+$0x5A00];
	(pc) =	sbr.rel @p0 .LBB2_40-.Ltmp19, $2  }
0x165: {  	_ =	sdelay $0x2  }
0x166: {  	s0 =	sadd.s32 $0x10, s0  }
0x167: {  	[tilespmem:s0+$0x0] =	vst.add.f32.msk $0xffff, v0;
	s2 =	simm.s32 $0x17  }
0x168: {  	_ =	swait.ge [sflag:s2], $0x200  }
0x169: {  	s31 =	simm.s32 $0x0;
	[sflag:s2] =	ssyncset.done $0x0  }
0x16a: {  	s15 =	sand.u32 $0x1F0, s31;
	[sflag:s2] =	ssyncadd.s32 $0xFFFFFE00  }
0x16b: {  	v0 =	vld [tilespmem:s15+$0x5C00];
	_ =	sdelay $0x3  }
0x16c: {  	s0 =	simm.s32 $0x6800;
	s2 =	simm.s32 $0x10  }
.LBB2_42:
0x16d: {  	s15 =	sand.u32 $0x1F0, s2;
	p0 =	sne.s32 s2, $0x1F0;
	s2 =	sadd.s32 $0x10, s2;
	[tilespmem:s0+$0x0] =	vst.add.f32.msk $0xffff, v0  }
.Ltmp20:
0x16e: {  	v0 =	vld [tilespmem:s15+$0x5C00];
	(pc) =	sbr.rel @p0 .LBB2_42-.Ltmp20, $2  }
0x16f: {  	_ =	sdelay $0x2  }
0x170: {  	s0 =	sadd.s32 $0x10, s0  }
0x171: {  	[tilespmem:s0+$0x0] =	vst.add.f32.msk $0xffff, v0;
	s2 =	simm.s32 $0x18  }
0x172: {  	_ =	swait.ge [sflag:s2], $0x200  }
0x173: {  	s31 =	simm.s32 $0x0;
	[sflag:s2] =	ssyncset.done $0x0  }
0x174: {  	s15 =	sand.u32 $0x1F0, s31;
	[sflag:s2] =	ssyncadd.s32 $0xFFFFFE00  }
0x175: {  	v0 =	vld [tilespmem:s15+$0x5E00];
	_ =	sdelay $0x3  }
0x176: {  	s0 =	simm.s32 $0x6800;
	s2 =	simm.s32 $0x10  }
.LBB2_44:
0x177: {  	s15 =	sand.u32 $0x1F0, s2;
	p0 =	sne.s32 s2, $0x1F0;
	s2 =	sadd.s32 $0x10, s2;
	[tilespmem:s0+$0x0] =	vst.add.f32.msk $0xffff, v0  }
.Ltmp21:
0x178: {  	v0 =	vld [tilespmem:s15+$0x5E00];
	(pc) =	sbr.rel @p0 .LBB2_44-.Ltmp21, $2  }
0x179: {  	_ =	sdelay $0x2  }
0x17a: {  	s0 =	sadd.s32 $0x10, s0  }
0x17b: {  	[tilespmem:s0+$0x0] =	vst.add.f32.msk $0xffff, v0;
	s2 =	simm.s32 $0x19  }
0x17c: {  	_ =	swait.ge [sflag:s2], $0x200  }
0x17d: {  	s31 =	simm.s32 $0x0;
	[sflag:s2] =	ssyncset.done $0x0  }
0x17e: {  	s15 =	sand.u32 $0x1F0, s31;
	[sflag:s2] =	ssyncadd.s32 $0xFFFFFE00  }
0x17f: {  	v0 =	vld [tilespmem:s15+$0x6000];
	_ =	sdelay $0x3  }
0x180: {  	s0 =	simm.s32 $0x6800;
	s2 =	simm.s32 $0x10  }
.LBB2_46:
0x181: {  	s15 =	sand.u32 $0x1F0, s2;
	p0 =	sne.s32 s2, $0x1F0;
	s2 =	sadd.s32 $0x10, s2;
	[tilespmem:s0+$0x0] =	vst.add.f32.msk $0xffff, v0  }
.Ltmp22:
0x182: {  	v0 =	vld [tilespmem:s15+$0x6000];
	(pc) =	sbr.rel @p0 .LBB2_46-.Ltmp22, $2  }
0x183: {  	_ =	sdelay $0x2  }
0x184: {  	s0 =	sadd.s32 $0x10, s0  }
0x185: {  	[tilespmem:s0+$0x0] =	vst.add.f32.msk $0xffff, v0;
	s2 =	simm.s32 $0x1A  }
0x186: {  	_ =	swait.ge [sflag:s2], $0x200  }
0x187: {  	s31 =	simm.s32 $0x0;
	[sflag:s2] =	ssyncset.done $0x0  }
0x188: {  	s15 =	sand.u32 $0x1F0, s31;
	[sflag:s2] =	ssyncadd.s32 $0xFFFFFE00  }
0x189: {  	v0 =	vld [tilespmem:s15+$0x6200];
	_ =	sdelay $0x3  }
0x18a: {  	s0 =	simm.s32 $0x6800;
	s2 =	simm.s32 $0x10  }
.LBB2_48:
0x18b: {  	s15 =	sand.u32 $0x1F0, s2;
	p0 =	sne.s32 s2, $0x1F0;
	s2 =	sadd.s32 $0x10, s2;
	[tilespmem:s0+$0x0] =	vst.add.f32.msk $0xffff, v0  }
.Ltmp23:
0x18c: {  	v0 =	vld [tilespmem:s15+$0x6200];
	(pc) =	sbr.rel @p0 .LBB2_48-.Ltmp23, $2  }
0x18d: {  	_ =	sdelay $0x2  }
0x18e: {  	s0 =	sadd.s32 $0x10, s0  }
0x18f: {  	[tilespmem:s0+$0x0] =	vst.add.f32.msk $0xffff, v0;
	s2 =	simm.s32 $0x1B  }
0x190: {  	_ =	swait.ge [sflag:s2], $0x200  }
0x191: {  	s31 =	simm.s32 $0x0;
	[sflag:s2] =	ssyncset.done $0x0  }
0x192: {  	s15 =	sand.u32 $0x1F0, s31;
	[sflag:s2] =	ssyncadd.s32 $0xFFFFFE00  }
0x193: {  	v0 =	vld [tilespmem:s15+$0x6400];
	_ =	sdelay $0x3  }
0x194: {  	s0 =	simm.s32 $0x6800;
	s2 =	simm.s32 $0x10  }
.LBB2_50:
0x195: {  	s15 =	sand.u32 $0x1F0, s2;
	p0 =	sne.s32 s2, $0x1F0;
	s2 =	sadd.s32 $0x10, s2;
	[tilespmem:s0+$0x0] =	vst.add.f32.msk $0xffff, v0  }
.Ltmp24:
0x196: {  	v0 =	vld [tilespmem:s15+$0x6400];
	(pc) =	sbr.rel @p0 .LBB2_50-.Ltmp24, $2  }
0x197: {  	_ =	sdelay $0x2  }
0x198: {  	s0 =	sadd.s32 $0x10, s0  }
0x199: {  	[tilespmem:s0+$0x0] =	vst.add.f32.msk $0xffff, v0;
	s2 =	simm.s32 $0x1C  }
0x19a: {  	_ =	swait.ge [sflag:s2], $0x200  }
0x19b: {  	s31 =	simm.s32 $0x0;
	[sflag:s2] =	ssyncset.done $0x0  }
0x19c: {  	s15 =	sand.u32 $0x1F0, s31;
	[sflag:s2] =	ssyncadd.s32 $0xFFFFFE00  }
0x19d: {  	v0 =	vld [tilespmem:s15+$0x6600];
	_ =	sdelay $0x3  }
0x19e: {  	s0 =	simm.s32 $0x6800;
	s2 =	simm.s32 $0x10  }
.LBB2_52:
0x19f: {  	s15 =	sand.u32 $0x1F0, s2;
	p0 =	sne.s32 s2, $0x1F0;
	s2 =	sadd.s32 $0x10, s2;
	[tilespmem:s0+$0x0] =	vst.add.f32.msk $0xffff, v0  }
.Ltmp25:
0x1a0: {  	v0 =	vld [tilespmem:s15+$0x6600];
	(pc) =	sbr.rel @p0 .LBB2_52-.Ltmp25, $2  }
0x1a1: {  	_ =	sdelay $0x2  }
0x1a2: {  	s0 =	sadd.s32 $0x10, s0  }
0x1a3: {  	[tilespmem:s0+$0x0] =	vst.add.f32.msk $0xffff, v0;
	s15 =	simm.s32 $0x0  }
0x1a4: {  	v0 =	vld [tilespmem:s15+$0x6800];
	_ =	sdelay $0x1  }
0x1a5: {  	s31 =	simm.s32 $0x10  }
0x1a6: {  	v1 =	vld [tilespmem:s31+$0x6800];
	_ =	sdelay $0x1  }
0x1a7: {  	v0 =	vsub.f32 $0.0e+00, v0;
	_ =	sdelay $0x1  }
0x1a8: {  	v0 =	vmul.f32 $1.442695020e+00, v0  }
0x1a9: {  	v1 =	vsub.f32 $0.0e+00, v1  }
0x1aa: {  	s16 =	simm.s32 $0x20;
	(erf) = vpow2.f32 v0  }
0x1ab: {  	v0 =	vmul.f32 $1.442695020e+00, v1;
	v1 =	vld [tilespmem:s16+$0x6800];
	_ =	sdelay $0x1  }
0x1ac: {  	(erf) = vpow2.f32 v0  }
0x1ad: {  	s0 =	simm.s32 $0x30  }
0x1ae: {  	v0 =	vld [tilespmem:s0+$0x6800]  }
0x1af: {  	v1 =	vsub.f32 $0.0e+00, v1;
	_ =	sdelay $0x1  }
0x1b0: {  	v1 =	vmul.f32 $1.442695020e+00, v1  }
0x1b1: {  	v2 =	vpop (erf)  }
0x1b2: {  	v0 =	vsub.f32 $0.0e+00, v0;
	v2 =	vadd.f32 $1.000000000e+00, v2  }
0x1b3: {  	(erf) = vpow2.f32 v1  }
0x1b4: {  	v0 =	vmul.f32 $1.442695020e+00, v0;
	v1 =	vpop (erf);
	(erf) = vrcp.f32 v2  }
0x1b5: {  	s17 =	simm.s32 $0x40;
	v1 =	vadd.f32 $1.000000000e+00, v1  }
0x1b6: {  	(erf) = vpow2.f32 v0;
	v0 =	vld [tilespmem:s17+$0x6800]  }
0x1b7: {  	(erf) = vrcp.f32 v1;
	_ =	sdelay $0x2  }
0x1b8: {  	s2 =	simm.s32 $0x140  }
.LBB2_54:
0x1b9: {  	s18 =	sshra.s32 s2, $0x2;
	v1 =	vsub.f32 $0.0e+00, v0;
	p0 =	sne.s32 s2, $0x7C0  }
.Ltmp26:
0x1ba: {  	s2 =	sadd.s32 $0x40, s2;
	v0 =	vld [tilespmem:s18+$0x6800];
	v2 =	vpop (erf);
	(pc) =	sbr.rel @p0 .LBB2_54-.Ltmp26, $4  }
0x1bb: {  	v1 =	vmul.f32 $1.442695020e+00, v1;
	v3 =	vpop (erf)  }
0x1bc: {  	v2 =	vadd.f32 $1.000000000e+00, v2;
	[tilespmem:s15+$0x6A00] =	vst v3;
	s15 =	smov.u32 s31;
	s31 =	smov.u32 s16;
	s16 =	smov.u32 s0  }
0x1bd: {  	s0 =	smov.u32 s17;
	s17 =	smov.u32 s18;
	(erf) = vpow2.f32 v1  }
0x1be: {  	(erf) = vrcp.f32 v2  }
0x1bf: {  	v0 =	vsub.f32 $0.0e+00, v0;
	_ =	sdelay $0x1  }
0x1c0: {  	v0 =	vmul.f32 $1.442695020e+00, v0;
	_ =	sdelay $0x1  }
0x1c1: {  	(erf) = vpow2.f32 v0;
	_ =	sdelay $0x4  }
0x1c2: {  	v59 =	vpop (erf)  }
0x1c3: {  	v1 =	vpop (erf)  }
0x1c4: {  	v2 =	vpop (erf)  }
0x1c5: {  	v0 =	vadd.f32 $1.000000000e+00, v59;
	v3 =	vpop (erf)  }
0x1c6: {  	v2 =	vadd.f32 $1.000000000e+00, v2;
	v4 =	vpop (erf)  }
0x1c7: {  	(erf) = vrcp.f32 v0;
	v60 =	vadd.f32 $1.000000000e+00, v4  }
0x1c8: {  	(erf) = vrcp.f32 v2  }
0x1c9: {  	(erf) = vrcp.f32 v60;
	_ =	sdelay $0x5  }
0x1ca: {  	[tilespmem:s15+$0x6A00] =	vst v1  }
0x1cb: {  	[tilespmem:s31+$0x6A00] =	vst v3;
	v61 =	vpop (erf)  }
0x1cc: {  	[tilespmem:s16+$0x6A00] =	vst v61;
	v62 =	vpop (erf)  }
0x1cd: {  	[tilespmem:s0+$0x6A00] =	vst v62;
	v63 =	vpop (erf)  }
0x1ce: {  	s2 =	simm.s32 $0x6A00;
	s18 =	simm.s32 $0x1E;
	[tilespmem:s17+$0x6A00] =	vst v63;
	s17 =	rddreg [dreg:$0x17]  }
0x1cf: {  	[hbm4b:s17+s3] =	stream.linear.scatter [tilespmem:s2], [sflag:$0x1E], $0x200, $0x38;
	[tilespmem:$0x6C80] =	vst v63  }
0x1d0: {  	_ =	swait.ge [sflag:s18], $0x200  }
0x1d1: {  	s30 =	sadd.s32 $0x1, s30;
	s31 =	rddreg [dreg:$0x19]  }
0x1d2: {  	p0 =	sne.s32 s30, s31  }
.Ltmp27:
0x1d3: {  	_ = 	snop;
	(pc) =	sbr.rel @p0 .LBB2_1-.Ltmp27, $3  }
0x1d4: {  	_ =	sdelay $0x1  }
0x1d5: {  	[sflag:s18] =	ssyncset.done $0x0  }
0x1d6: {  	[sflag:s18] =	ssyncadd.s32 $0xFFFFFE00  }
0x1d7: {  	_ =	sfence.sel $0x180000  }
0x1d8: {  	[bflag:$0x0] =	sbarrier.arrive $0xFFFF  }
0x1d9: {  	_ =	strace $0x90000047  }
0x1da: {  	s0 =	stileid.u32;
	[bflag:$0x2] =	sbarrier.arrive $0xFFFF  }
0x1db: {  	p0 =	sne.s32 s0, $0x0;
	s0 =	rddreg [dreg:$0x4]  }
0x1dc: {  	s0 =	sadd.s32 @!p0 $0x100000, s0  }
0x1dd: {  	[sflag:s0] =	ssyncadd.tile.s32 @!p0 $0x1;
	_ =	shalt  }
.Lfunc_end2:
_tile_overlayer_lowered:
.L_overlay_start_2:
0x1de: {  	(tag) =	ssettag $0x2  }
0x1df: {  	s0 =	rddreg [dreg:$0x0];
	s2 =	stileid.u32  }
0x1e0: {  	s1 =	rddreg [dreg:$0x1];
	p0 =	sne.s32 s2, $0x0  }
0x1e1: {  	s3 =	rddreg [dreg:$0x2];
	[bflag:$0x3] =	sbarrier.arrive $0xFFFF;
	s2 =	simm.s32 @!p0 $0x1C1E  }
0x1e2: {  	[timem:s3], [sflag:s2] =	dma.local @!p0 [hbm:s0], s1  }
0x1e3: {  	s0 =	simm.s32 @!p0 $0x1E  }
0x1e4: {  	_ =	swait.ge @!p0 [sflag:s0], s1  }
0x1e5: {  	s1 =	ssub.s32 @!p0 $0x0, s1;
	[sflag:s0] =	ssyncset.done @!p0 $0x0  }
0x1e6: {  	[sflag:s0] =	ssyncadd.s32 @!p0 s1  }
0x1e7: {  	[bflag:$0x3] =	sbarrier.arrive $0xFFFF  }
0x1e8: {  	_ =	shalt  }

</sc_bundles>
